<compile_context>
chip_gen: v7x
topology: tpu7x:2x2x1
jax: 0.10.2.dev20260603
libtpu: 0.0.44.dev20260713+nightly
codegen_flags: <defaults>
</compile_context>

<pallas_src>
import functools

import jax
import jax.numpy as jnp
from jax import lax
from jax.experimental import pallas as pl
from jax.experimental.pallas import tpu as pltpu
from jax.experimental.pallas import tpu_sc as plsc

N = 10000
E = 160000
D = 32
NBOND = 16
NATOM = 100
G = 256

NPAD = 10240
NR4 = NPAD // 4
D4 = 4 * D

NC = 2
NS = 16
NW = NC * NS
CH = 128
K0 = 79
K1 = 0
NCHUNK = NS * (K0 + K1)
EPAD = NCHUNK * CH
TRASH = NPAD - 1
ZR = NPAD // NS

BLK4 = 512
NB4 = NR4 // BLK4

_DOT = dict(preferred_element_type=jnp.float32, precision=lax.Precision.HIGHEST)


def _bd4(w):
    z = jnp.zeros((D, D), jnp.float32)
    rows = [jnp.concatenate([w if jj == j else z for jj in range(4)], axis=1)
            for j in range(4)]
    return jnp.concatenate(rows, axis=0)


def _split_mm(v, w):
    return jnp.dot(v, _bd4(w), **_DOT)



def _prep_body(ids_ref, aemb_ref, abias_ref, bemb_ref, w1_ref, b1_ref,
               w2_ref, b2_ref, x_ref, ab_ref, k1_ref, k2_ref):
    ids = ids_ref[...]
    iota = lax.broadcasted_iota(jnp.int32, (1, NATOM), 1)
    xs, abs_ = [], []
    for j in range(4):
        oh = (ids[:, j:j + 1] == iota).astype(jnp.float32)
        xs.append(jnp.dot(oh, aemb_ref[...], **_DOT))
        abs_.append(jnp.dot(oh, abias_ref[...], **_DOT))
    x_ref[...] = jnp.concatenate(xs, axis=1)
    ab_ref[...] = jnp.concatenate(abs_, axis=1)

    @pl.when(pl.program_id(0) == 0)
    def _():
        k1_ref[...] = jnp.dot(bemb_ref[...], w1_ref[...], **_DOT) + b1_ref[...]
        k2_ref[...] = jnp.dot(bemb_ref[...], w2_ref[...], **_DOT) + b2_ref[...]


def _y_body(x_ref, k3_ref, y_ref):
    y_ref[...] = _split_mm(x_ref[...], k3_ref[0])


def _hy_body(p_ref, x_ref, root_ref, bias_ref, k3_ref, h_ref, y_ref, hs_ref):
    @pl.when(pl.program_id(0) == 0)
    def _():
        for j in range(NB4):
            sl = pl.ds(j * BLK4, BLK4)
            agg = p_ref[0, sl]
            h = jax.nn.relu(agg + _split_mm(x_ref[sl], root_ref[...])
                            + bias_ref[...])
            hs_ref[sl] = h
            h_ref[sl] = h

    y_ref[...] = _split_mm(hs_ref[...], k3_ref[0])


def _final_body(p_ref, h_ref, root_ref, bias_ref, dw_ref, db_ref, ab_ref,
                seg_ref, pool_ref):
    h = h_ref[...]
    agg = p_ref[0]
    x2 = h + jax.nn.relu(agg + _split_mm(h, root_ref[...]) + bias_ref[...])
    zc = jnp.zeros((D, 1), jnp.float32)
    dw4 = jnp.concatenate(
        [jnp.concatenate([dw_ref[...] if jj == j else zc for jj in range(4)],
                         axis=0) for j in range(4)], axis=1)
    o4 = ab_ref[...] + jnp.dot(x2, dw4, **_DOT) + db_ref[...]
    part = jnp.zeros((G, 1), jnp.float32)
    for j in range(4):
        mask = (lax.broadcasted_iota(jnp.int32, (G, BLK4), 0)
                == seg_ref[0, j]).astype(jnp.float32)
        part = part + jnp.dot(mask, o4[:, j:j + 1], **_DOT)

    @pl.when(pl.program_id(0) == 0)
    def _():
        pool_ref[...] = jnp.zeros_like(pool_ref)

    pool_ref[...] += part



NBUF = 4


def _sc_conv_body(y_hbm, gi_hbm, di_hbm, out_hbm, accum, gi_v, di_v, rows_v,
                  buf_v, semg, sems):
    c = lax.axis_index("c")
    s = lax.axis_index("s")

    @pl.when(c == 0)
    def _():
        def zrow(r, carry):
            rows_v[0, r, pl.ds(0, 16)] = jnp.zeros((16,), jnp.float32)
            rows_v[0, r, pl.ds(16, 16)] = jnp.zeros((16,), jnp.float32)
            return carry

        lax.fori_loop(0, CH, zrow, 0)
        for q in range(ZR // CH):
            pltpu.sync_copy(rows_v.at[0], accum.at[pl.ds(s * ZR + q * CH, CH)])

    plsc.subcore_barrier()

    def edge_pipeline(start, kch):
        pltpu.sync_copy(gi_hbm.at[pl.ds(start, kch)], gi_v.at[pl.ds(0, kch)])
        pltpu.sync_copy(di_hbm.at[pl.ds(start, kch)], di_v.at[pl.ds(0, kch)])

        for j in range(NBUF):
            pltpu.async_copy(y_hbm.at[gi_v.at[j]], rows_v.at[j], semg)

        def step(k, carry):
            @pl.when(jnp.logical_and(k >= 1, k - 1 + NBUF < kch))
            def _():
                pltpu.make_async_copy(rows_v.at[(k - 1) % NBUF],
                                      accum.at[di_v.at[k - 1]], sems).wait()
                pltpu.async_copy(y_hbm.at[gi_v.at[k - 1 + NBUF]],
                                 rows_v.at[(k - 1) % NBUF], semg)

            pltpu.make_async_copy(y_hbm.at[gi_v.at[k]],
                                  rows_v.at[k % NBUF], semg).wait()
            pltpu.async_copy(rows_v.at[k % NBUF], accum.at[di_v.at[k]], sems,
                             add=True)
            return carry

        lax.fori_loop(0, kch, step, 0)
        for j in range(NBUF):
            pltpu.make_async_copy(rows_v.at[j], accum.at[di_v.at[0]],
                                  sems).wait()

    @pl.when(c == 0)
    def _():
        edge_pipeline(s * K0, K0)

    plsc.subcore_barrier()

    @pl.when(c == 0)
    def _():
        pltpu.sync_copy(accum.at[pl.ds(s * ZR, ZR)], buf_v)
        pltpu.sync_copy(buf_v, out_hbm.at[0, pl.ds(s * ZR, ZR)])


_sc_conv = pl.kernel(
    _sc_conv_body,
    out_type=jax.ShapeDtypeStruct((1, NPAD, D), jnp.float32),
    mesh=plsc.VectorSubcoreMesh(core_axis_name="c", subcore_axis_name="s",
                                num_cores=NC, num_subcores=NS),
    scratch_types=[
        pltpu.VMEM_SHARED((NPAD, D), jnp.float32),
        pltpu.VMEM((K0, CH), jnp.int32),
        pltpu.VMEM((K0, CH), jnp.int32),
        pltpu.VMEM((NBUF, CH, D), jnp.float32),
        pltpu.VMEM((ZR, D), jnp.float32),
        pltpu.SemaphoreType.DMA,
        pltpu.SemaphoreType.DMA,
    ],
    compiler_params=pltpu.CompilerParams(use_tc_tiling_on_sc=False),
)



_FULL = lambda shape: pl.BlockSpec(shape, lambda *_: tuple(0 for _ in shape))


def _prep_call(ids4, atom_emb, atom_bias_emb, bond_emb, w1, b1, w2, b2):
    return pl.pallas_call(
        _prep_body,
        grid=(NB4,),
        in_specs=[
            pl.BlockSpec((BLK4, 4), lambda n: (n, 0)),
            _FULL((NATOM, D)),
            _FULL((NATOM, 1)),
            _FULL((NBOND, D)),
            _FULL((D, D * D)),
            _FULL((1, D * D)),
            _FULL((D, D * D)),
            _FULL((1, D * D)),
        ],
        out_specs=[
            pl.BlockSpec((BLK4, D4), lambda n: (n, 0)),
            pl.BlockSpec((BLK4, 4), lambda n: (n, 0)),
            _FULL((NBOND, D * D)),
            _FULL((NBOND, D * D)),
        ],
        out_shape=[
            jax.ShapeDtypeStruct((NR4, D4), jnp.float32),
            jax.ShapeDtypeStruct((NR4, 4), jnp.float32),
            jax.ShapeDtypeStruct((NBOND, D * D), jnp.float32),
            jax.ShapeDtypeStruct((NBOND, D * D), jnp.float32),
        ],
    )(ids4, atom_emb, atom_bias_emb, bond_emb, w1, b1, w2, b2)


def _y_call(x4, k3):
    return pl.pallas_call(
        _y_body,
        grid=(NBOND,),
        in_specs=[
            _FULL((NR4, D4)),
            pl.BlockSpec((1, D, D), lambda b: (b, 0, 0)),
        ],
        out_specs=pl.BlockSpec((NR4, D4), lambda b: (b, 0)),
        out_shape=jax.ShapeDtypeStruct((NBOND * NR4, D4), jnp.float32),
    )(x4, k3)


def _hy_call(p4, x4, root, bias4, k3):
    return pl.pallas_call(
        _hy_body,
        grid=(NBOND,),
        in_specs=[
            _FULL((1, NR4, D4)),
            _FULL((NR4, D4)),
            _FULL((D, D)),
            _FULL((1, D4)),
            pl.BlockSpec((1, D, D), lambda b: (b, 0, 0)),
        ],
        out_specs=[
            _FULL((NR4, D4)),
            pl.BlockSpec((NR4, D4), lambda b: (b, 0)),
        ],
        out_shape=[
            jax.ShapeDtypeStruct((NR4, D4), jnp.float32),
            jax.ShapeDtypeStruct((NBOND * NR4, D4), jnp.float32),
        ],
        scratch_shapes=[pltpu.VMEM((NR4, D4), jnp.float32)],
    )(p4, x4, root, bias4, k3)


def _final_call(p4, h4, root, bias4, dw, db, ab4, segs):
    return pl.pallas_call(
        _final_body,
        grid=(NB4,),
        in_specs=[
            pl.BlockSpec((1, BLK4, D4), lambda n: (0, n, 0)),
            pl.BlockSpec((BLK4, D4), lambda n: (n, 0)),
            _FULL((D, D)),
            _FULL((1, D4)),
            _FULL((D, 1)),
            _FULL((1, 1)),
            pl.BlockSpec((BLK4, 4), lambda n: (n, 0)),
            pl.BlockSpec((1, 4, BLK4), lambda n: (n, 0, 0)),
        ],
        out_specs=pl.BlockSpec((G, 1), lambda n: (0, 0)),
        out_shape=jax.ShapeDtypeStruct((G, 1), jnp.float32),
    )(p4, h4, root, bias4, dw, db, ab4, segs)



def kernel(x_in, edge_index, e_in, i, atom_emb, atom_bias_emb, bond_emb,
           conv1_kn_W, conv1_kn_b, conv1_root, conv1_bias,
           conv2_kn_W, conv2_kn_b, conv2_root, conv2_bias,
           dense_W, dense_b):
    src = edge_index[0].astype(jnp.int32)
    dst = edge_index[1].astype(jnp.int32)
    bond = e_in[:, 0].astype(jnp.int32)

    gidx = bond * NPAD + src
    gidx = jnp.concatenate(
        [gidx, jnp.zeros((EPAD - E,), jnp.int32)]).reshape(NCHUNK, CH)
    dsti = jnp.concatenate(
        [dst, jnp.full((EPAD - E,), TRASH, jnp.int32)]).reshape(NCHUNK, CH)

    ids4 = jnp.concatenate(
        [x_in[:, 0], jnp.zeros((NPAD - N,), x_in.dtype)]).reshape(NR4, 4)
    segs = jnp.concatenate(
        [i.astype(jnp.int32), jnp.full((NPAD - N,), G, jnp.int32)]
    ).reshape(NB4, BLK4, 4).transpose(0, 2, 1)

    x4, ab4, k1, k2 = _prep_call(ids4, atom_emb, atom_bias_emb, bond_emb,
                                 conv1_kn_W, conv1_kn_b.reshape(1, D * D),
                                 conv2_kn_W, conv2_kn_b.reshape(1, D * D))
    k13 = k1.reshape(NBOND, D, D)
    k23 = k2.reshape(NBOND, D, D)
    bias1_4 = jnp.tile(conv1_bias.reshape(1, D), (1, 4))
    bias2_4 = jnp.tile(conv2_bias.reshape(1, D), (1, 4))

    y1 = _y_call(x4, k13).reshape(NBOND * NPAD, D)
    p1 = _sc_conv(y1, gidx, dsti).reshape(1, NR4, D4)
    h4, y2 = _hy_call(p1, x4, conv1_root, bias1_4, k23)
    p2 = _sc_conv(y2.reshape(NBOND * NPAD, D), gidx, dsti).reshape(1, NR4, D4)
    pooled = _final_call(p2, h4, conv2_root, bias2_4,
                         dense_W, dense_b.reshape(1, 1), ab4, segs)
    return pooled

# --- scband reference (transcript-rebuilt; emitter-appended) ---
"""Pipeline reference for scband-net-47485158424879 (READ-ONLY COPY).

The authoritative reference and input builder live on the scoring server;
editing this copy changes nothing except your own understanding.
"""

import jax, jax.numpy as jnp
import numpy as np

N = 10000
E = 160000
ATOM = 100
BOND = 16
G = 256
D = 32

def setup_inputs(seed: int = 0) -> dict:
    key = jax.random.key(seed)
    ks = jax.random.split(key, 20)
    x_in = jax.random.randint(ks[0], (N, 1), 0, ATOM)
    edge_index = jax.random.randint(ks[1], (2, E), 0, N)
    e_in = jax.random.randint(ks[2], (E, 1), 0, BOND)
    i = jnp.sort(jax.random.randint(ks[3], (N,), 0, G))
    atom_emb = jax.random.normal(ks[4], (ATOM, D), dtype=jnp.float32) * 0.1
    atom_bias_emb = jax.random.normal(ks[5], (ATOM, 1), dtype=jnp.float32) * 0.1
    bond_emb = jax.random.normal(ks[6], (BOND, D), dtype=jnp.float32) * 0.1
    conv1_kn_W = jax.random.normal(ks[7], (D, D * D), dtype=jnp.float32) * 0.05
    conv1_kn_b = jnp.zeros((D * D,), dtype=jnp.float32)
    conv1_root = jax.random.normal(ks[8], (D, D), dtype=jnp.float32) * 0.1
    conv1_bias = jnp.zeros((D,), dtype=jnp.float32)
    conv2_kn_W = jax.random.normal(ks[9], (D, D * D), dtype=jnp.float32) * 0.05
    conv2_kn_b = jnp.zeros((D * D,), dtype=jnp.float32)
    conv2_root = jax.random.normal(ks[10], (D, D), dtype=jnp.float32) * 0.1
    conv2_bias = jnp.zeros((D,), dtype=jnp.float32)
    dense_W = jax.random.normal(ks[11], (D, 1), dtype=jnp.float32) * 1e-05
    dense_b = jnp.zeros((1,), dtype=jnp.float32)
    return {"x_in": x_in, "edge_index": edge_index, "e_in": e_in, "i": i,
            "atom_emb": atom_emb, "atom_bias_emb": atom_bias_emb, "bond_emb": bond_emb,
            "conv1_kn_W": conv1_kn_W, "conv1_kn_b": conv1_kn_b, "conv1_root": conv1_root, "conv1_bias": conv1_bias,
            "conv2_kn_W": conv2_kn_W, "conv2_kn_b": conv2_kn_b, "conv2_root": conv2_root, "conv2_bias": conv2_bias,
            "dense_W": dense_W, "dense_b": dense_b}

def _ecc(x, edge_index, e_feat, kn_W, kn_b, root, bias):
    # Edge-Conditioned Convolution (Spektral ECCConv):
    # edge features -> per-edge [F_in, F_out] kernel; message = x_src @ W_e; sum-aggregate at dst;
    # plus root transform and bias; relu activation.
    src = edge_index[0]
    dst = edge_index[1]
    kernel = (e_feat @ kn_W + kn_b).reshape(-1, D, D)  # [E, F_in, F_out]
    x_src = jnp.take(x, src, axis=0)                    # gather [E, F_in]
    msg = jnp.einsum('ef,efo->eo', x_src, kernel)       # [E, F_out]
    agg = jax.ops.segment_sum(msg, dst, num_segments=x.shape[0])  # scatter-add
    out = agg + x @ root + bias
    return jax.nn.relu(out)

def reference(x_in, edge_index, e_in, i, atom_emb, atom_bias_emb, bond_emb,
              conv1_kn_W, conv1_kn_b, conv1_root, conv1_bias,
              conv2_kn_W, conv2_kn_b, conv2_root, conv2_bias,
              dense_W, dense_b):
    ids = jnp.squeeze(x_in, axis=-1)
    x = jnp.take(atom_emb, ids, axis=0)                 # atom embedding lookup [N, 32]
    e = jnp.take(bond_emb, jnp.squeeze(e_in, axis=-1), axis=0)  # bond embedding [E, 32]
    x = _ecc(x, edge_index, e, conv1_kn_W, conv1_kn_b, conv1_root, conv1_bias)
    x = x + _ecc(x, edge_index, e, conv2_kn_W, conv2_kn_b, conv2_root, conv2_bias)
    output = jnp.take(atom_bias_emb, ids, axis=0)       # per-atom scalar bias [N, 1]
    output = output + (x @ dense_W + dense_b)
    pooled = jax.ops.segment_sum(output, i, num_segments=G)  # GlobalSumPool per graph
    return pooled

if __name__ == "__main__":
    import jax
    _d = setup_inputs()
    print(jax.jit(kernel)(*tuple(_d.values())))

</pallas_src>

<mosaic_0001>
#map = affine_map<(d0, d1) -> (0, 0)>
#map1 = affine_map<(d0, d1) -> (0, 0, 0)>
module attributes {stable_mosaic.version = 14 : i64} {
  func.func @_sc_conv_body(%arg0: i32, %arg1: i32, %arg2: memref<163840x32xf32, #tpu.memory_space<hbm>>, %arg3: memref<1264x128xi32, #tpu.memory_space<hbm>>, %arg4: memref<1264x128xi32, #tpu.memory_space<hbm>>, %arg5: memref<1x10240x32xf32, #tpu.memory_space<hbm>>, %arg6: memref<10240x32xf32, #tpu.memory_space<vmem_shared>>, %arg7: memref<79x128xi32, #tpu.memory_space<vmem>>, %arg8: memref<79x128xi32, #tpu.memory_space<vmem>>, %arg9: memref<4x128x32xf32, #tpu.memory_space<vmem>>, %arg10: memref<640x32xf32, #tpu.memory_space<vmem>>, %arg11: memref<!tpu.dma_semaphore, #tpu.memory_space<semaphore_mem>>, %arg12: memref<!tpu.dma_semaphore, #tpu.memory_space<semaphore_mem>>) attributes {dimension_semantics = [#tpu.dimension_semantics<core_parallel>, #tpu.dimension_semantics<subcore_parallel>], iteration_bounds = array<i64: 2, 16>, scalar_prefetch = 0 : i64, scratch_operands = 7 : i64, tpu.core_type = #tpu.core_type<sc_vector_subcore>, window_params = [{transform_indices = #map}, {transform_indices = #map}, {transform_indices = #map}, {transform_indices = #map1}]} {
    %eq3A = arith.constant 0 : i32
    %eq3A_0 = arith.cmpi eq, %arg0, %eq3A : i32
    %convert_element_type3A = arith.extui %eq3A_0 : i1 to i32
    %cond3A = arith.constant 0 : i32
    %cond3A_1 = arith.cmpi ne, %convert_element_type3A, %cond3A : i32
    scf.if %cond3A_1 {
      %scan3A = arith.constant 0 : i32
      %scan3A_13 = arith.constant 0 : i32
      %scan3A_14 = arith.constant 128 : i32
      %scan3A_15 = arith.addi %scan3A_13, %scan3A_14 : i32
      %scan3A_16 = arith.constant 1 : i32
      scf.for %scan3A_40 = %scan3A_13 to %scan3A_15 step %scan3A_16  : i32 {
        %broadcast_in_dim3A = arith.constant 0.000000e+00 : f32
        %broadcast_in_dim3A_41 = vector.broadcast %broadcast_in_dim3A : f32 to vector<16xf32>
        %swap3A = arith.constant 0 : i32
        %swap3A_42 = arith.index_cast %swap3A : i32 to index
        %swap3A_43 = arith.index_cast %scan3A_40 : i32 to index
        %swap3A_44 = arith.constant 0 : index
        %swap3A_45 = tpu.vector_load %arg9[%swap3A_42, %swap3A_43, %swap3A_44] {strides = array<i32>} : memref<4x128x32xf32, #tpu.memory_space<vmem>>, vector<1x1x16xf32>,
        %swap3A_46 = vector.shape_cast %swap3A_45 : vector<1x1x16xf32> to vector<16xf32>
        %swap3A_47 = vector.shape_cast %broadcast_in_dim3A_41 : vector<16xf32> to vector<1x1x16xf32>
        tpu.vector_store %arg9[%swap3A_42, %swap3A_43, %swap3A_44], %swap3A_47 {strides = array<i32>} : memref<4x128x32xf32, #tpu.memory_space<vmem>>, vector<1x1x16xf32>,
        %broadcast_in_dim3A_48 = arith.constant 0.000000e+00 : f32
        %broadcast_in_dim3A_49 = vector.broadcast %broadcast_in_dim3A_48 : f32 to vector<16xf32>
        %swap3A_50 = arith.constant 0 : i32
        %swap3A_51 = arith.index_cast %swap3A_50 : i32 to index
        %swap3A_52 = arith.index_cast %scan3A_40 : i32 to index
        %swap3A_53 = arith.constant 16 : index
        %swap3A_54 = tpu.vector_load %arg9[%swap3A_51, %swap3A_52, %swap3A_53] {strides = array<i32>} : memref<4x128x32xf32, #tpu.memory_space<vmem>>, vector<1x1x16xf32>,
        %swap3A_55 = vector.shape_cast %swap3A_54 : vector<1x1x16xf32> to vector<16xf32>
        %swap3A_56 = vector.shape_cast %broadcast_in_dim3A_49 : vector<16xf32> to vector<1x1x16xf32>
        tpu.vector_store %arg9[%swap3A_51, %swap3A_52, %swap3A_53], %swap3A_56 {strides = array<i32>} : memref<4x128x32xf32, #tpu.memory_space<vmem>>, vector<1x1x16xf32>,
      }
      %scan3A_17 = arith.constant 128 : i32
      %mul3A = arith.constant 640 : i32
      %mul3A_18 = arith.muli %arg1, %mul3A : i32
      %add3A = arith.constant 0 : i32
      %add3A_19 = arith.addi %mul3A_18, %add3A : i32
      %run_scoped3A = arith.constant 0 : i32
      "tpu.region"() ({
        %run_scoped3A_40 = tpu.sem_alloc : memref<!tpu.dma_semaphore, #tpu.memory_space<semaphore_mem>>
        %dma_start3A = arith.constant 0 : i32
        %dma_start3A_41 = arith.constant 0 : i32
        %dma_start3A_42 = tpu.memref_slice %arg9[%run_scoped3A, %dma_start3A, %dma_start3A_41] : memref<4x128x32xf32, #tpu.memory_space<vmem>> -> memref<1x128x32xf32, #tpu.memory_space<vmem>>
        %dma_start3A_43 = tpu.memref_squeeze %dma_start3A_42 : memref<1x128x32xf32, #tpu.memory_space<vmem>> -> memref<128x32xf32, #tpu.memory_space<vmem>>
        %dma_start3A_44 = arith.constant 0 : i32
        %dma_start3A_45 = tpu.memref_slice %arg6[%add3A_19, %dma_start3A_44] : memref<10240x32xf32, #tpu.memory_space<vmem_shared>> -> memref<128x32xf32, #tpu.memory_space<vmem_shared>>
        %dma_start3A_46 = arith.constant 0 : i32
        %dma_start3A_47 = tpu.memref_slice %arg6[%add3A_19, %dma_start3A_46] : memref<10240x32xf32, #tpu.memory_space<vmem_shared>> -> memref<128x32xf32, #tpu.memory_space<vmem_shared>>
        %dma_start3A_48 = arith.constant 0 : i32
        %dma_start3A_49 = arith.constant 0 : i32
        %dma_start3A_50 = tpu.memref_slice %arg9[%run_scoped3A, %dma_start3A_48, %dma_start3A_49] : memref<4x128x32xf32, #tpu.memory_space<vmem>> -> memref<1x128x32xf32, #tpu.memory_space<vmem>>
        %dma_start3A_51 = tpu.memref_squeeze %dma_start3A_50 : memref<1x128x32xf32, #tpu.memory_space<vmem>> -> memref<128x32xf32, #tpu.memory_space<vmem>>
        tpu.enqueue_dma source(%dma_start3A_51 : memref<128x32xf32, #tpu.memory_space<vmem>>) target(%dma_start3A_47 : memref<128x32xf32, #tpu.memory_space<vmem_shared>>) target_semaphore(%run_scoped3A_40 : memref<!tpu.dma_semaphore, #tpu.memory_space<semaphore_mem>>)
        %dma_wait3A = arith.constant 0 : i32
        %dma_wait3A_52 = arith.constant 0 : i32
        %dma_wait3A_53 = tpu.memref_slice %arg9[%run_scoped3A, %dma_wait3A, %dma_wait3A_52] : memref<4x128x32xf32, #tpu.memory_space<vmem>> -> memref<1x128x32xf32, #tpu.memory_space<vmem>>
        %dma_wait3A_54 = tpu.memref_squeeze %dma_wait3A_53 : memref<1x128x32xf32, #tpu.memory_space<vmem>> -> memref<128x32xf32, #tpu.memory_space<vmem>>
        %dma_wait3A_55 = arith.constant 0 : i32
        %dma_wait3A_56 = tpu.memref_slice %arg6[%add3A_19, %dma_wait3A_55] : memref<10240x32xf32, #tpu.memory_space<vmem_shared>> -> memref<128x32xf32, #tpu.memory_space<vmem_shared>>
        %dma_wait3A_57 = arith.constant 0 : i32
        %dma_wait3A_58 = tpu.memref_slice %arg6[%add3A_19, %dma_wait3A_57] : memref<10240x32xf32, #tpu.memory_space<vmem_shared>> -> memref<128x32xf32, #tpu.memory_space<vmem_shared>>
        %dma_wait3A_59 = arith.constant 0 : i32
        %dma_wait3A_60 = arith.constant 0 : i32
        %dma_wait3A_61 = tpu.memref_slice %arg9[%run_scoped3A, %dma_wait3A_59, %dma_wait3A_60] : memref<4x128x32xf32, #tpu.memory_space<vmem>> -> memref<1x128x32xf32, #tpu.memory_space<vmem>>
        %dma_wait3A_62 = tpu.memref_squeeze %dma_wait3A_61 : memref<1x128x32xf32, #tpu.memory_space<vmem>> -> memref<128x32xf32, #tpu.memory_space<vmem>>
        tpu.wait_dma2 semaphore(%run_scoped3A_40 : memref<!tpu.dma_semaphore, #tpu.memory_space<semaphore_mem>>) src(%dma_wait3A_62 : memref<128x32xf32, #tpu.memory_space<vmem>>) dst(%dma_wait3A_58 : memref<128x32xf32, #tpu.memory_space<vmem_shared>>)
        tpu.yield
      }) : () -> ()
      %mul3A_20 = arith.constant 640 : i32
      %mul3A_21 = arith.muli %arg1, %mul3A_20 : i32
      %add3A_22 = arith.constant 128 : i32
      %add3A_23 = arith.addi %mul3A_21, %add3A_22 : i32
      %run_scoped3A_24 = arith.constant 0 : i32
      "tpu.region"() ({
        %run_scoped3A_40 = tpu.sem_alloc : memref<!tpu.dma_semaphore, #tpu.memory_space<semaphore_mem>>
        %dma_start3A = arith.constant 0 : i32
        %dma_start3A_41 = arith.constant 0 : i32
        %dma_start3A_42 = tpu.memref_slice %arg9[%run_scoped3A_24, %dma_start3A, %dma_start3A_41] : memref<4x128x32xf32, #tpu.memory_space<vmem>> -> memref<1x128x32xf32, #tpu.memory_space<vmem>>
        %dma_start3A_43 = tpu.memref_squeeze %dma_start3A_42 : memref<1x128x32xf32, #tpu.memory_space<vmem>> -> memref<128x32xf32, #tpu.memory_space<vmem>>
        %dma_start3A_44 = arith.constant 0 : i32
        %dma_start3A_45 = tpu.memref_slice %arg6[%add3A_23, %dma_start3A_44] : memref<10240x32xf32, #tpu.memory_space<vmem_shared>> -> memref<128x32xf32, #tpu.memory_space<vmem_shared>>
        %dma_start3A_46 = arith.constant 0 : i32
        %dma_start3A_47 = tpu.memref_slice %arg6[%add3A_23, %dma_start3A_46] : memref<10240x32xf32, #tpu.memory_space<vmem_shared>> -> memref<128x32xf32, #tpu.memory_space<vmem_shared>>
        %dma_start3A_48 = arith.constant 0 : i32
        %dma_start3A_49 = arith.constant 0 : i32
        %dma_start3A_50 = tpu.memref_slice %arg9[%run_scoped3A_24, %dma_start3A_48, %dma_start3A_49] : memref<4x128x32xf32, #tpu.memory_space<vmem>> -> memref<1x128x32xf32, #tpu.memory_space<vmem>>
        %dma_start3A_51 = tpu.memref_squeeze %dma_start3A_50 : memref<1x128x32xf32, #tpu.memory_space<vmem>> -> memref<128x32xf32, #tpu.memory_space<vmem>>
        tpu.enqueue_dma source(%dma_start3A_51 : memref<128x32xf32, #tpu.memory_space<vmem>>) target(%dma_start3A_47 : memref<128x32xf32, #tpu.memory_space<vmem_shared>>) target_semaphore(%run_scoped3A_40 : memref<!tpu.dma_semaphore, #tpu.memory_space<semaphore_mem>>)
        %dma_wait3A = arith.constant 0 : i32
        %dma_wait3A_52 = arith.constant 0 : i32
        %dma_wait3A_53 = tpu.memref_slice %arg9[%run_scoped3A_24, %dma_wait3A, %dma_wait3A_52] : memref<4x128x32xf32, #tpu.memory_space<vmem>> -> memref<1x128x32xf32, #tpu.memory_space<vmem>>
        %dma_wait3A_54 = tpu.memref_squeeze %dma_wait3A_53 : memref<1x128x32xf32, #tpu.memory_space<vmem>> -> memref<128x32xf32, #tpu.memory_space<vmem>>
        %dma_wait3A_55 = arith.constant 0 : i32
        %dma_wait3A_56 = tpu.memref_slice %arg6[%add3A_23, %dma_wait3A_55] : memref<10240x32xf32, #tpu.memory_space<vmem_shared>> -> memref<128x32xf32, #tpu.memory_space<vmem_shared>>
        %dma_wait3A_57 = arith.constant 0 : i32
        %dma_wait3A_58 = tpu.memref_slice %arg6[%add3A_23, %dma_wait3A_57] : memref<10240x32xf32, #tpu.memory_space<vmem_shared>> -> memref<128x32xf32, #tpu.memory_space<vmem_shared>>
        %dma_wait3A_59 = arith.constant 0 : i32
        %dma_wait3A_60 = arith.constant 0 : i32
        %dma_wait3A_61 = tpu.memref_slice %arg9[%run_scoped3A_24, %dma_wait3A_59, %dma_wait3A_60] : memref<4x128x32xf32, #tpu.memory_space<vmem>> -> memref<1x128x32xf32, #tpu.memory_space<vmem>>
        %dma_wait3A_62 = tpu.memref_squeeze %dma_wait3A_61 : memref<1x128x32xf32, #tpu.memory_space<vmem>> -> memref<128x32xf32, #tpu.memory_space<vmem>>
        tpu.wait_dma2 semaphore(%run_scoped3A_40 : memref<!tpu.dma_semaphore, #tpu.memory_space<semaphore_mem>>) src(%dma_wait3A_62 : memref<128x32xf32, #tpu.memory_space<vmem>>) dst(%dma_wait3A_58 : memref<128x32xf32, #tpu.memory_space<vmem_shared>>)
        tpu.yield
      }) : () -> ()
      %mul3A_25 = arith.constant 640 : i32
      %mul3A_26 = arith.muli %arg1, %mul3A_25 : i32
      %add3A_27 = arith.constant 256 : i32
      %add3A_28 = arith.addi %mul3A_26, %add3A_27 : i32
      %run_scoped3A_29 = arith.constant 0 : i32
      "tpu.region"() ({
        %run_scoped3A_40 = tpu.sem_alloc : memref<!tpu.dma_semaphore, #tpu.memory_space<semaphore_mem>>
        %dma_start3A = arith.constant 0 : i32
        %dma_start3A_41 = arith.constant 0 : i32
        %dma_start3A_42 = tpu.memref_slice %arg9[%run_scoped3A_29, %dma_start3A, %dma_start3A_41] : memref<4x128x32xf32, #tpu.memory_space<vmem>> -> memref<1x128x32xf32, #tpu.memory_space<vmem>>
        %dma_start3A_43 = tpu.memref_squeeze %dma_start3A_42 : memref<1x128x32xf32, #tpu.memory_space<vmem>> -> memref<128x32xf32, #tpu.memory_space<vmem>>
        %dma_start3A_44 = arith.constant 0 : i32
        %dma_start3A_45 = tpu.memref_slice %arg6[%add3A_28, %dma_start3A_44] : memref<10240x32xf32, #tpu.memory_space<vmem_shared>> -> memref<128x32xf32, #tpu.memory_space<vmem_shared>>
        %dma_start3A_46 = arith.constant 0 : i32
        %dma_start3A_47 = tpu.memref_slice %arg6[%add3A_28, %dma_start3A_46] : memref<10240x32xf32, #tpu.memory_space<vmem_shared>> -> memref<128x32xf32, #tpu.memory_space<vmem_shared>>
        %dma_start3A_48 = arith.constant 0 : i32
        %dma_start3A_49 = arith.constant 0 : i32
        %dma_start3A_50 = tpu.memref_slice %arg9[%run_scoped3A_29, %dma_start3A_48, %dma_start3A_49] : memref<4x128x32xf32, #tpu.memory_space<vmem>> -> memref<1x128x32xf32, #tpu.memory_space<vmem>>
        %dma_start3A_51 = tpu.memref_squeeze %dma_start3A_50 : memref<1x128x32xf32, #tpu.memory_space<vmem>> -> memref<128x32xf32, #tpu.memory_space<vmem>>
        tpu.enqueue_dma source(%dma_start3A_51 : memref<128x32xf32, #tpu.memory_space<vmem>>) target(%dma_start3A_47 : memref<128x32xf32, #tpu.memory_space<vmem_shared>>) target_semaphore(%run_scoped3A_40 : memref<!tpu.dma_semaphore, #tpu.memory_space<semaphore_mem>>)
        %dma_wait3A = arith.constant 0 : i32
        %dma_wait3A_52 = arith.constant 0 : i32
        %dma_wait3A_53 = tpu.memref_slice %arg9[%run_scoped3A_29, %dma_wait3A, %dma_wait3A_52] : memref<4x128x32xf32, #tpu.memory_space<vmem>> -> memref<1x128x32xf32, #tpu.memory_space<vmem>>
        %dma_wait3A_54 = tpu.memref_squeeze %dma_wait3A_53 : memref<1x128x32xf32, #tpu.memory_space<vmem>> -> memref<128x32xf32, #tpu.memory_space<vmem>>
        %dma_wait3A_55 = arith.constant 0 : i32
        %dma_wait3A_56 = tpu.memref_slice %arg6[%add3A_28, %dma_wait3A_55] : memref<10240x32xf32, #tpu.memory_space<vmem_shared>> -> memref<128x32xf32, #tpu.memory_space<vmem_shared>>
        %dma_wait3A_57 = arith.constant 0 : i32
        %dma_wait3A_58 = tpu.memref_slice %arg6[%add3A_28, %dma_wait3A_57] : memref<10240x32xf32, #tpu.memory_space<vmem_shared>> -> memref<128x32xf32, #tpu.memory_space<vmem_shared>>
        %dma_wait3A_59 = arith.constant 0 : i32
        %dma_wait3A_60 = arith.constant 0 : i32
        %dma_wait3A_61 = tpu.memref_slice %arg9[%run_scoped3A_29, %dma_wait3A_59, %dma_wait3A_60] : memref<4x128x32xf32, #tpu.memory_space<vmem>> -> memref<1x128x32xf32, #tpu.memory_space<vmem>>
        %dma_wait3A_62 = tpu.memref_squeeze %dma_wait3A_61 : memref<1x128x32xf32, #tpu.memory_space<vmem>> -> memref<128x32xf32, #tpu.memory_space<vmem>>
        tpu.wait_dma2 semaphore(%run_scoped3A_40 : memref<!tpu.dma_semaphore, #tpu.memory_space<semaphore_mem>>) src(%dma_wait3A_62 : memref<128x32xf32, #tpu.memory_space<vmem>>) dst(%dma_wait3A_58 : memref<128x32xf32, #tpu.memory_space<vmem_shared>>)
        tpu.yield
      }) : () -> ()
      %mul3A_30 = arith.constant 640 : i32
      %mul3A_31 = arith.muli %arg1, %mul3A_30 : i32
      %add3A_32 = arith.constant 384 : i32
      %add3A_33 = arith.addi %mul3A_31, %add3A_32 : i32
      %run_scoped3A_34 = arith.constant 0 : i32
      "tpu.region"() ({
        %run_scoped3A_40 = tpu.sem_alloc : memref<!tpu.dma_semaphore, #tpu.memory_space<semaphore_mem>>
        %dma_start3A = arith.constant 0 : i32
        %dma_start3A_41 = arith.constant 0 : i32
        %dma_start3A_42 = tpu.memref_slice %arg9[%run_scoped3A_34, %dma_start3A, %dma_start3A_41] : memref<4x128x32xf32, #tpu.memory_space<vmem>> -> memref<1x128x32xf32, #tpu.memory_space<vmem>>
        %dma_start3A_43 = tpu.memref_squeeze %dma_start3A_42 : memref<1x128x32xf32, #tpu.memory_space<vmem>> -> memref<128x32xf32, #tpu.memory_space<vmem>>
        %dma_start3A_44 = arith.constant 0 : i32
        %dma_start3A_45 = tpu.memref_slice %arg6[%add3A_33, %dma_start3A_44] : memref<10240x32xf32, #tpu.memory_space<vmem_shared>> -> memref<128x32xf32, #tpu.memory_space<vmem_shared>>
        %dma_start3A_46 = arith.constant 0 : i32
        %dma_start3A_47 = tpu.memref_slice %arg6[%add3A_33, %dma_start3A_46] : memref<10240x32xf32, #tpu.memory_space<vmem_shared>> -> memref<128x32xf32, #tpu.memory_space<vmem_shared>>
        %dma_start3A_48 = arith.constant 0 : i32
        %dma_start3A_49 = arith.constant 0 : i32
        %dma_start3A_50 = tpu.memref_slice %arg9[%run_scoped3A_34, %dma_start3A_48, %dma_start3A_49] : memref<4x128x32xf32, #tpu.memory_space<vmem>> -> memref<1x128x32xf32, #tpu.memory_space<vmem>>
        %dma_start3A_51 = tpu.memref_squeeze %dma_start3A_50 : memref<1x128x32xf32, #tpu.memory_space<vmem>> -> memref<128x32xf32, #tpu.memory_space<vmem>>
        tpu.enqueue_dma source(%dma_start3A_51 : memref<128x32xf32, #tpu.memory_space<vmem>>) target(%dma_start3A_47 : memref<128x32xf32, #tpu.memory_space<vmem_shared>>) target_semaphore(%run_scoped3A_40 : memref<!tpu.dma_semaphore, #tpu.memory_space<semaphore_mem>>)
        %dma_wait3A = arith.constant 0 : i32
        %dma_wait3A_52 = arith.constant 0 : i32
        %dma_wait3A_53 = tpu.memref_slice %arg9[%run_scoped3A_34, %dma_wait3A, %dma_wait3A_52] : memref<4x128x32xf32, #tpu.memory_space<vmem>> -> memref<1x128x32xf32, #tpu.memory_space<vmem>>
        %dma_wait3A_54 = tpu.memref_squeeze %dma_wait3A_53 : memref<1x128x32xf32, #tpu.memory_space<vmem>> -> memref<128x32xf32, #tpu.memory_space<vmem>>
        %dma_wait3A_55 = arith.constant 0 : i32
        %dma_wait3A_56 = tpu.memref_slice %arg6[%add3A_33, %dma_wait3A_55] : memref<10240x32xf32, #tpu.memory_space<vmem_shared>> -> memref<128x32xf32, #tpu.memory_space<vmem_shared>>
        %dma_wait3A_57 = arith.constant 0 : i32
        %dma_wait3A_58 = tpu.memref_slice %arg6[%add3A_33, %dma_wait3A_57] : memref<10240x32xf32, #tpu.memory_space<vmem_shared>> -> memref<128x32xf32, #tpu.memory_space<vmem_shared>>
        %dma_wait3A_59 = arith.constant 0 : i32
        %dma_wait3A_60 = arith.constant 0 : i32
        %dma_wait3A_61 = tpu.memref_slice %arg9[%run_scoped3A_34, %dma_wait3A_59, %dma_wait3A_60] : memref<4x128x32xf32, #tpu.memory_space<vmem>> -> memref<1x128x32xf32, #tpu.memory_space<vmem>>
        %dma_wait3A_62 = tpu.memref_squeeze %dma_wait3A_61 : memref<1x128x32xf32, #tpu.memory_space<vmem>> -> memref<128x32xf32, #tpu.memory_space<vmem>>
        tpu.wait_dma2 semaphore(%run_scoped3A_40 : memref<!tpu.dma_semaphore, #tpu.memory_space<semaphore_mem>>) src(%dma_wait3A_62 : memref<128x32xf32, #tpu.memory_space<vmem>>) dst(%dma_wait3A_58 : memref<128x32xf32, #tpu.memory_space<vmem_shared>>)
        tpu.yield
      }) : () -> ()
      %mul3A_35 = arith.constant 640 : i32
      %mul3A_36 = arith.muli %arg1, %mul3A_35 : i32
      %add3A_37 = arith.constant 512 : i32
      %add3A_38 = arith.addi %mul3A_36, %add3A_37 : i32
      %run_scoped3A_39 = arith.constant 0 : i32
      "tpu.region"() ({
        %run_scoped3A_40 = tpu.sem_alloc : memref<!tpu.dma_semaphore, #tpu.memory_space<semaphore_mem>>
        %dma_start3A = arith.constant 0 : i32
        %dma_start3A_41 = arith.constant 0 : i32
        %dma_start3A_42 = tpu.memref_slice %arg9[%run_scoped3A_39, %dma_start3A, %dma_start3A_41] : memref<4x128x32xf32, #tpu.memory_space<vmem>> -> memref<1x128x32xf32, #tpu.memory_space<vmem>>
        %dma_start3A_43 = tpu.memref_squeeze %dma_start3A_42 : memref<1x128x32xf32, #tpu.memory_space<vmem>> -> memref<128x32xf32, #tpu.memory_space<vmem>>
        %dma_start3A_44 = arith.constant 0 : i32
        %dma_start3A_45 = tpu.memref_slice %arg6[%add3A_38, %dma_start3A_44] : memref<10240x32xf32, #tpu.memory_space<vmem_shared>> -> memref<128x32xf32, #tpu.memory_space<vmem_shared>>
        %dma_start3A_46 = arith.constant 0 : i32
        %dma_start3A_47 = tpu.memref_slice %arg6[%add3A_38, %dma_start3A_46] : memref<10240x32xf32, #tpu.memory_space<vmem_shared>> -> memref<128x32xf32, #tpu.memory_space<vmem_shared>>
        %dma_start3A_48 = arith.constant 0 : i32
        %dma_start3A_49 = arith.constant 0 : i32
        %dma_start3A_50 = tpu.memref_slice %arg9[%run_scoped3A_39, %dma_start3A_48, %dma_start3A_49] : memref<4x128x32xf32, #tpu.memory_space<vmem>> -> memref<1x128x32xf32, #tpu.memory_space<vmem>>
        %dma_start3A_51 = tpu.memref_squeeze %dma_start3A_50 : memref<1x128x32xf32, #tpu.memory_space<vmem>> -> memref<128x32xf32, #tpu.memory_space<vmem>>
        tpu.enqueue_dma source(%dma_start3A_51 : memref<128x32xf32, #tpu.memory_space<vmem>>) target(%dma_start3A_47 : memref<128x32xf32, #tpu.memory_space<vmem_shared>>) target_semaphore(%run_scoped3A_40 : memref<!tpu.dma_semaphore, #tpu.memory_space<semaphore_mem>>)
        %dma_wait3A = arith.constant 0 : i32
        %dma_wait3A_52 = arith.constant 0 : i32
        %dma_wait3A_53 = tpu.memref_slice %arg9[%run_scoped3A_39, %dma_wait3A, %dma_wait3A_52] : memref<4x128x32xf32, #tpu.memory_space<vmem>> -> memref<1x128x32xf32, #tpu.memory_space<vmem>>
        %dma_wait3A_54 = tpu.memref_squeeze %dma_wait3A_53 : memref<1x128x32xf32, #tpu.memory_space<vmem>> -> memref<128x32xf32, #tpu.memory_space<vmem>>
        %dma_wait3A_55 = arith.constant 0 : i32
        %dma_wait3A_56 = tpu.memref_slice %arg6[%add3A_38, %dma_wait3A_55] : memref<10240x32xf32, #tpu.memory_space<vmem_shared>> -> memref<128x32xf32, #tpu.memory_space<vmem_shared>>
        %dma_wait3A_57 = arith.constant 0 : i32
        %dma_wait3A_58 = tpu.memref_slice %arg6[%add3A_38, %dma_wait3A_57] : memref<10240x32xf32, #tpu.memory_space<vmem_shared>> -> memref<128x32xf32, #tpu.memory_space<vmem_shared>>
        %dma_wait3A_59 = arith.constant 0 : i32
        %dma_wait3A_60 = arith.constant 0 : i32
        %dma_wait3A_61 = tpu.memref_slice %arg9[%run_scoped3A_39, %dma_wait3A_59, %dma_wait3A_60] : memref<4x128x32xf32, #tpu.memory_space<vmem>> -> memref<1x128x32xf32, #tpu.memory_space<vmem>>
        %dma_wait3A_62 = tpu.memref_squeeze %dma_wait3A_61 : memref<1x128x32xf32, #tpu.memory_space<vmem>> -> memref<128x32xf32, #tpu.memory_space<vmem>>
        tpu.wait_dma2 semaphore(%run_scoped3A_40 : memref<!tpu.dma_semaphore, #tpu.memory_space<semaphore_mem>>) src(%dma_wait3A_62 : memref<128x32xf32, #tpu.memory_space<vmem>>) dst(%dma_wait3A_58 : memref<128x32xf32, #tpu.memory_space<vmem_shared>>)
        tpu.yield
      }) : () -> ()
    } else {
    }
    %barrier3A = arith.constant 0 : index
    tpu.barrier barrier_id(%barrier3A)
    %eq3A_2 = arith.constant 0 : i32
    %eq3A_3 = arith.cmpi eq, %arg0, %eq3A_2 : i32
    %convert_element_type3A_4 = arith.extui %eq3A_3 : i1 to i32
    %cond3A_5 = arith.constant 0 : i32
    %cond3A_6 = arith.cmpi ne, %convert_element_type3A_4, %cond3A_5 : i32
    scf.if %cond3A_6 {
      %mul3A = arith.constant 79 : i32
      %mul3A_13 = arith.muli %arg1, %mul3A : i32
      "tpu.region"() ({
        %run_scoped3A = tpu.sem_alloc : memref<!tpu.dma_semaphore, #tpu.memory_space<semaphore_mem>>
        %dma_start3A_113 = arith.constant 0 : i32
        %dma_start3A_114 = arith.constant 0 : i32
        %dma_start3A_115 = tpu.memref_slice %arg7[%dma_start3A_113, %dma_start3A_114] : memref<79x128xi32, #tpu.memory_space<vmem>> -> memref<79x128xi32, #tpu.memory_space<vmem>>
        %dma_start3A_116 = arith.constant 0 : i32
        %dma_start3A_117 = tpu.memref_slice %arg3[%mul3A_13, %dma_start3A_116] : memref<1264x128xi32, #tpu.memory_space<hbm>> -> memref<79x128xi32, #tpu.memory_space<hbm>>
        %dma_start3A_118 = arith.constant 0 : i32
        %dma_start3A_119 = arith.constant 0 : i32
        %dma_start3A_120 = tpu.memref_slice %arg7[%dma_start3A_118, %dma_start3A_119] : memref<79x128xi32, #tpu.memory_space<vmem>> -> memref<79x128xi32, #tpu.memory_space<vmem>>
        %dma_start3A_121 = arith.constant 0 : i32
        %dma_start3A_122 = tpu.memref_slice %arg3[%mul3A_13, %dma_start3A_121] : memref<1264x128xi32, #tpu.memory_space<hbm>> -> memref<79x128xi32, #tpu.memory_space<hbm>>
        tpu.enqueue_dma source(%dma_start3A_122 : memref<79x128xi32, #tpu.memory_space<hbm>>) target(%dma_start3A_120 : memref<79x128xi32, #tpu.memory_space<vmem>>) target_semaphore(%run_scoped3A : memref<!tpu.dma_semaphore, #tpu.memory_space<semaphore_mem>>)
        %dma_wait3A_123 = arith.constant 0 : i32
        %dma_wait3A_124 = arith.constant 0 : i32
        %dma_wait3A_125 = tpu.memref_slice %arg7[%dma_wait3A_123, %dma_wait3A_124] : memref<79x128xi32, #tpu.memory_space<vmem>> -> memref<79x128xi32, #tpu.memory_space<vmem>>
        %dma_wait3A_126 = arith.constant 0 : i32
        %dma_wait3A_127 = tpu.memref_slice %arg3[%mul3A_13, %dma_wait3A_126] : memref<1264x128xi32, #tpu.memory_space<hbm>> -> memref<79x128xi32, #tpu.memory_space<hbm>>
        %dma_wait3A_128 = arith.constant 0 : i32
        %dma_wait3A_129 = arith.constant 0 : i32
        %dma_wait3A_130 = tpu.memref_slice %arg7[%dma_wait3A_128, %dma_wait3A_129] : memref<79x128xi32, #tpu.memory_space<vmem>> -> memref<79x128xi32, #tpu.memory_space<vmem>>
        %dma_wait3A_131 = arith.constant 0 : i32
        %dma_wait3A_132 = tpu.memref_slice %arg3[%mul3A_13, %dma_wait3A_131] : memref<1264x128xi32, #tpu.memory_space<hbm>> -> memref<79x128xi32, #tpu.memory_space<hbm>>
        tpu.wait_dma2 semaphore(%run_scoped3A : memref<!tpu.dma_semaphore, #tpu.memory_space<semaphore_mem>>) src(%dma_wait3A_132 : memref<79x128xi32, #tpu.memory_space<hbm>>) dst(%dma_wait3A_130 : memref<79x128xi32, #tpu.memory_space<vmem>>)
        tpu.yield
      }) : () -> ()
      "tpu.region"() ({
        %run_scoped3A = tpu.sem_alloc : memref<!tpu.dma_semaphore, #tpu.memory_space<semaphore_mem>>
        %dma_start3A_113 = arith.constant 0 : i32
        %dma_start3A_114 = arith.constant 0 : i32
        %dma_start3A_115 = tpu.memref_slice %arg8[%dma_start3A_113, %dma_start3A_114] : memref<79x128xi32, #tpu.memory_space<vmem>> -> memref<79x128xi32, #tpu.memory_space<vmem>>
        %dma_start3A_116 = arith.constant 0 : i32
        %dma_start3A_117 = tpu.memref_slice %arg4[%mul3A_13, %dma_start3A_116] : memref<1264x128xi32, #tpu.memory_space<hbm>> -> memref<79x128xi32, #tpu.memory_space<hbm>>
        %dma_start3A_118 = arith.constant 0 : i32
        %dma_start3A_119 = arith.constant 0 : i32
        %dma_start3A_120 = tpu.memref_slice %arg8[%dma_start3A_118, %dma_start3A_119] : memref<79x128xi32, #tpu.memory_space<vmem>> -> memref<79x128xi32, #tpu.memory_space<vmem>>
        %dma_start3A_121 = arith.constant 0 : i32
        %dma_start3A_122 = tpu.memref_slice %arg4[%mul3A_13, %dma_start3A_121] : memref<1264x128xi32, #tpu.memory_space<hbm>> -> memref<79x128xi32, #tpu.memory_space<hbm>>
        tpu.enqueue_dma source(%dma_start3A_122 : memref<79x128xi32, #tpu.memory_space<hbm>>) target(%dma_start3A_120 : memref<79x128xi32, #tpu.memory_space<vmem>>) target_semaphore(%run_scoped3A : memref<!tpu.dma_semaphore, #tpu.memory_space<semaphore_mem>>)
        %dma_wait3A_123 = arith.constant 0 : i32
        %dma_wait3A_124 = arith.constant 0 : i32
        %dma_wait3A_125 = tpu.memref_slice %arg8[%dma_wait3A_123, %dma_wait3A_124] : memref<79x128xi32, #tpu.memory_space<vmem>> -> memref<79x128xi32, #tpu.memory_space<vmem>>
        %dma_wait3A_126 = arith.constant 0 : i32
        %dma_wait3A_127 = tpu.memref_slice %arg4[%mul3A_13, %dma_wait3A_126] : memref<1264x128xi32, #tpu.memory_space<hbm>> -> memref<79x128xi32, #tpu.memory_space<hbm>>
        %dma_wait3A_128 = arith.constant 0 : i32
        %dma_wait3A_129 = arith.constant 0 : i32
        %dma_wait3A_130 = tpu.memref_slice %arg8[%dma_wait3A_128, %dma_wait3A_129] : memref<79x128xi32, #tpu.memory_space<vmem>> -> memref<79x128xi32, #tpu.memory_space<vmem>>
        %dma_wait3A_131 = arith.constant 0 : i32
        %dma_wait3A_132 = tpu.memref_slice %arg4[%mul3A_13, %dma_wait3A_131] : memref<1264x128xi32, #tpu.memory_space<hbm>> -> memref<79x128xi32, #tpu.memory_space<hbm>>
        tpu.wait_dma2 semaphore(%run_scoped3A : memref<!tpu.dma_semaphore, #tpu.memory_space<semaphore_mem>>) src(%dma_wait3A_132 : memref<79x128xi32, #tpu.memory_space<hbm>>) dst(%dma_wait3A_130 : memref<79x128xi32, #tpu.memory_space<vmem>>)
        tpu.yield
      }) : () -> ()
      %dma_start3A = arith.constant 0 : i32
      %dma_start3A_14 = arith.constant 0 : i32
      %dma_start3A_15 = arith.constant 0 : i32
      %dma_start3A_16 = arith.constant 0 : i32
      %dma_start3A_17 = tpu.memref_slice %arg9[%dma_start3A_14, %dma_start3A_15, %dma_start3A_16] : memref<4x128x32xf32, #tpu.memory_space<vmem>> -> memref<1x128x32xf32, #tpu.memory_space<vmem>>
      %dma_start3A_18 = tpu.memref_squeeze %dma_start3A_17 : memref<1x128x32xf32, #tpu.memory_space<vmem>> -> memref<128x32xf32, #tpu.memory_space<vmem>>
      %dma_start3A_19 = arith.constant 0 : i32
      %dma_start3A_20 = tpu.memref_slice %arg7[%dma_start3A, %dma_start3A_19] : memref<79x128xi32, #tpu.memory_space<vmem>> -> memref<1x128xi32, #tpu.memory_space<vmem>>
      %dma_start3A_21 = tpu.memref_squeeze %dma_start3A_20 : memref<1x128xi32, #tpu.memory_space<vmem>> -> memref<128xi32, #tpu.memory_space<vmem>>
      %dma_start3A_22 = arith.constant 0 : i32
      %dma_start3A_23 = arith.constant 0 : i32
      %dma_start3A_24 = tpu.memref_slice %arg2[%dma_start3A_22, %dma_start3A_23] : memref<163840x32xf32, #tpu.memory_space<hbm>> -> memref<163840x32xf32, #tpu.memory_space<hbm>>
      tpu.enqueue_indirect_dma source(%dma_start3A_24 : memref<163840x32xf32, #tpu.memory_space<hbm>>) target(%dma_start3A_18 : memref<128x32xf32, #tpu.memory_space<vmem>>) offsets(%dma_start3A_21 : memref<128xi32, #tpu.memory_space<vmem>>) semaphore(%arg11 : memref<!tpu.dma_semaphore, #tpu.memory_space<semaphore_mem>>)
      %dma_start3A_25 = arith.constant 1 : i32
      %dma_start3A_26 = arith.constant 1 : i32
      %dma_start3A_27 = arith.constant 0 : i32
      %dma_start3A_28 = arith.constant 0 : i32
      %dma_start3A_29 = tpu.memref_slice %arg9[%dma_start3A_26, %dma_start3A_27, %dma_start3A_28] : memref<4x128x32xf32, #tpu.memory_space<vmem>> -> memref<1x128x32xf32, #tpu.memory_space<vmem>>
      %dma_start3A_30 = tpu.memref_squeeze %dma_start3A_29 : memref<1x128x32xf32, #tpu.memory_space<vmem>> -> memref<128x32xf32, #tpu.memory_space<vmem>>
      %dma_start3A_31 = arith.constant 0 : i32
      %dma_start3A_32 = tpu.memref_slice %arg7[%dma_start3A_25, %dma_start3A_31] : memref<79x128xi32, #tpu.memory_space<vmem>> -> memref<1x128xi32, #tpu.memory_space<vmem>>
      %dma_start3A_33 = tpu.memref_squeeze %dma_start3A_32 : memref<1x128xi32, #tpu.memory_space<vmem>> -> memref<128xi32, #tpu.memory_space<vmem>>
      %dma_start3A_34 = arith.constant 0 : i32
      %dma_start3A_35 = arith.constant 0 : i32
      %dma_start3A_36 = tpu.memref_slice %arg2[%dma_start3A_34, %dma_start3A_35] : memref<163840x32xf32, #tpu.memory_space<hbm>> -> memref<163840x32xf32, #tpu.memory_space<hbm>>
      tpu.enqueue_indirect_dma source(%dma_start3A_36 : memref<163840x32xf32, #tpu.memory_space<hbm>>) target(%dma_start3A_30 : memref<128x32xf32, #tpu.memory_space<vmem>>) offsets(%dma_start3A_33 : memref<128xi32, #tpu.memory_space<vmem>>) semaphore(%arg11 : memref<!tpu.dma_semaphore, #tpu.memory_space<semaphore_mem>>)
      %dma_start3A_37 = arith.constant 2 : i32
      %dma_start3A_38 = arith.constant 2 : i32
      %dma_start3A_39 = arith.constant 0 : i32
      %dma_start3A_40 = arith.constant 0 : i32
      %dma_start3A_41 = tpu.memref_slice %arg9[%dma_start3A_38, %dma_start3A_39, %dma_start3A_40] : memref<4x128x32xf32, #tpu.memory_space<vmem>> -> memref<1x128x32xf32, #tpu.memory_space<vmem>>
      %dma_start3A_42 = tpu.memref_squeeze %dma_start3A_41 : memref<1x128x32xf32, #tpu.memory_space<vmem>> -> memref<128x32xf32, #tpu.memory_space<vmem>>
      %dma_start3A_43 = arith.constant 0 : i32
      %dma_start3A_44 = tpu.memref_slice %arg7[%dma_start3A_37, %dma_start3A_43] : memref<79x128xi32, #tpu.memory_space<vmem>> -> memref<1x128xi32, #tpu.memory_space<vmem>>
      %dma_start3A_45 = tpu.memref_squeeze %dma_start3A_44 : memref<1x128xi32, #tpu.memory_space<vmem>> -> memref<128xi32, #tpu.memory_space<vmem>>
      %dma_start3A_46 = arith.constant 0 : i32
      %dma_start3A_47 = arith.constant 0 : i32
      %dma_start3A_48 = tpu.memref_slice %arg2[%dma_start3A_46, %dma_start3A_47] : memref<163840x32xf32, #tpu.memory_space<hbm>> -> memref<163840x32xf32, #tpu.memory_space<hbm>>
      tpu.enqueue_indirect_dma source(%dma_start3A_48 : memref<163840x32xf32, #tpu.memory_space<hbm>>) target(%dma_start3A_42 : memref<128x32xf32, #tpu.memory_space<vmem>>) offsets(%dma_start3A_45 : memref<128xi32, #tpu.memory_space<vmem>>) semaphore(%arg11 : memref<!tpu.dma_semaphore, #tpu.memory_space<semaphore_mem>>)
      %dma_start3A_49 = arith.constant 3 : i32
      %dma_start3A_50 = arith.constant 3 : i32
      %dma_start3A_51 = arith.constant 0 : i32
      %dma_start3A_52 = arith.constant 0 : i32
      %dma_start3A_53 = tpu.memref_slice %arg9[%dma_start3A_50, %dma_start3A_51, %dma_start3A_52] : memref<4x128x32xf32, #tpu.memory_space<vmem>> -> memref<1x128x32xf32, #tpu.memory_space<vmem>>
      %dma_start3A_54 = tpu.memref_squeeze %dma_start3A_53 : memref<1x128x32xf32, #tpu.memory_space<vmem>> -> memref<128x32xf32, #tpu.memory_space<vmem>>
      %dma_start3A_55 = arith.constant 0 : i32
      %dma_start3A_56 = tpu.memref_slice %arg7[%dma_start3A_49, %dma_start3A_55] : memref<79x128xi32, #tpu.memory_space<vmem>> -> memref<1x128xi32, #tpu.memory_space<vmem>>
      %dma_start3A_57 = tpu.memref_squeeze %dma_start3A_56 : memref<1x128xi32, #tpu.memory_space<vmem>> -> memref<128xi32, #tpu.memory_space<vmem>>
      %dma_start3A_58 = arith.constant 0 : i32
      %dma_start3A_59 = arith.constant 0 : i32
      %dma_start3A_60 = tpu.memref_slice %arg2[%dma_start3A_58, %dma_start3A_59] : memref<163840x32xf32, #tpu.memory_space<hbm>> -> memref<163840x32xf32, #tpu.memory_space<hbm>>
      tpu.enqueue_indirect_dma source(%dma_start3A_60 : memref<163840x32xf32, #tpu.memory_space<hbm>>) target(%dma_start3A_54 : memref<128x32xf32, #tpu.memory_space<vmem>>) offsets(%dma_start3A_57 : memref<128xi32, #tpu.memory_space<vmem>>) semaphore(%arg11 : memref<!tpu.dma_semaphore, #tpu.memory_space<semaphore_mem>>)
      %scan3A = arith.constant 0 : i32
      %scan3A_61 = arith.constant 0 : i32
      %scan3A_62 = arith.constant 79 : i32
      %scan3A_63 = arith.addi %scan3A_61, %scan3A_62 : i32
      %scan3A_64 = arith.constant 1 : i32
      scf.for %scan3A_113 = %scan3A_61 to %scan3A_63 step %scan3A_64  : i32 {
        %ge3A = arith.constant 1 : i32
        %ge3A_114 = arith.cmpi sge, %scan3A_113, %ge3A : i32
        %sub3A = arith.constant 1 : i32
        %sub3A_115 = arith.subi %scan3A_113, %sub3A : i32
        %add3A = arith.constant 4 : i32
        %add3A_116 = arith.addi %sub3A_115, %add3A : i32
        %lt3A = arith.constant 79 : i32
        %lt3A_117 = arith.cmpi slt, %add3A_116, %lt3A : i32
        %and3A = arith.andi %ge3A_114, %lt3A_117 : i1
        %convert_element_type3A_118 = arith.extui %and3A : i1 to i32
        %cond3A_119 = arith.constant 0 : i32
        %cond3A_120 = arith.cmpi ne, %convert_element_type3A_118, %cond3A_119 : i32
        scf.if %cond3A_120 {
          %sub3A_169 = arith.constant 1 : i32
          %sub3A_170 = arith.subi %scan3A_113, %sub3A_169 : i32
          %jit3A_171 = arith.constant 4 : i32
          %eq3A_172 = arith.constant 0 : i32
          %eq3A_173 = arith.cmpi eq, %jit3A_171, %eq3A_172 : i32
          %jit3A_174 = arith.constant 1 : i32
          %select_n3A_175 = arith.select %eq3A_173, %jit3A_174, %jit3A_171 : i32
          %rem3A_176 = arith.remsi %sub3A_170, %select_n3A_175 : i32
          %ne3A_177 = arith.constant 0 : i32
          %ne3A_178 = arith.cmpi ne, %rem3A_176, %ne3A_177 : i32
          %lt3A_179 = arith.constant 0 : i32
          %lt3A_180 = arith.cmpi slt, %rem3A_176, %lt3A_179 : i32
          %lt3A_181 = arith.constant 0 : i32
          %lt3A_182 = arith.cmpi slt, %select_n3A_175, %lt3A_181 : i32
          %ne3A_183 = arith.xori %lt3A_180, %lt3A_182 : i1
          %and3A_184 = arith.andi %ne3A_183, %ne3A_178 : i1
          %add3A_185 = arith.addi %rem3A_176, %select_n3A_175 : i32
          %select_n3A_186 = arith.select %and3A_184, %add3A_185, %rem3A_176 : i32
          %sub3A_187 = arith.constant 1 : i32
          %sub3A_188 = arith.subi %scan3A_113, %sub3A_187 : i32
          %dma_wait3A_189 = arith.constant 0 : i32
          %dma_wait3A_190 = arith.constant 0 : i32
          %dma_wait3A_191 = tpu.memref_slice %arg9[%select_n3A_186, %dma_wait3A_189, %dma_wait3A_190] : memref<4x128x32xf32, #tpu.memory_space<vmem>> -> memref<1x128x32xf32, #tpu.memory_space<vmem>>
          %dma_wait3A_192 = tpu.memref_squeeze %dma_wait3A_191 : memref<1x128x32xf32, #tpu.memory_space<vmem>> -> memref<128x32xf32, #tpu.memory_space<vmem>>
          %dma_wait3A_193 = arith.constant 0 : i32
          %dma_wait3A_194 = tpu.memref_slice %arg8[%sub3A_188, %dma_wait3A_193] : memref<79x128xi32, #tpu.memory_space<vmem>> -> memref<1x128xi32, #tpu.memory_space<vmem>>
          %dma_wait3A_195 = tpu.memref_squeeze %dma_wait3A_194 : memref<1x128xi32, #tpu.memory_space<vmem>> -> memref<128xi32, #tpu.memory_space<vmem>>
          %dma_wait3A_196 = arith.constant 0 : i32
          %dma_wait3A_197 = arith.constant 0 : i32
          %dma_wait3A_198 = tpu.memref_slice %arg6[%dma_wait3A_196, %dma_wait3A_197] : memref<10240x32xf32, #tpu.memory_space<vmem_shared>> -> memref<10240x32xf32, #tpu.memory_space<vmem_shared>>
          tpu.wait_indirect_dma semaphore(%arg12 : memref<!tpu.dma_semaphore, #tpu.memory_space<semaphore_mem>>) src(%dma_wait3A_192 : memref<128x32xf32, #tpu.memory_space<vmem>>) dst(%dma_wait3A_198 : memref<10240x32xf32, #tpu.memory_space<vmem_shared>>)
          %sub3A_199 = arith.constant 1 : i32
          %sub3A_200 = arith.subi %scan3A_113, %sub3A_199 : i32
          %add3A_201 = arith.constant 4 : i32
          %add3A_202 = arith.addi %sub3A_200, %add3A_201 : i32
          %sub3A_203 = arith.constant 1 : i32
          %sub3A_204 = arith.subi %scan3A_113, %sub3A_203 : i32
          %jit3A_205 = arith.constant 4 : i32
          %eq3A_206 = arith.constant 0 : i32
          %eq3A_207 = arith.cmpi eq, %jit3A_205, %eq3A_206 : i32
          %jit3A_208 = arith.constant 1 : i32
          %select_n3A_209 = arith.select %eq3A_207, %jit3A_208, %jit3A_205 : i32
          %rem3A_210 = arith.remsi %sub3A_204, %select_n3A_209 : i32
          %ne3A_211 = arith.constant 0 : i32
          %ne3A_212 = arith.cmpi ne, %rem3A_210, %ne3A_211 : i32
          %lt3A_213 = arith.constant 0 : i32
          %lt3A_214 = arith.cmpi slt, %rem3A_210, %lt3A_213 : i32
          %lt3A_215 = arith.constant 0 : i32
          %lt3A_216 = arith.cmpi slt, %select_n3A_209, %lt3A_215 : i32
          %ne3A_217 = arith.xori %lt3A_214, %lt3A_216 : i1
          %and3A_218 = arith.andi %ne3A_217, %ne3A_212 : i1
          %add3A_219 = arith.addi %rem3A_210, %select_n3A_209 : i32
          %select_n3A_220 = arith.select %and3A_218, %add3A_219, %rem3A_210 : i32
          %dma_start3A_221 = arith.constant 0 : i32
          %dma_start3A_222 = arith.constant 0 : i32
          %dma_start3A_223 = tpu.memref_slice %arg9[%select_n3A_220, %dma_start3A_221, %dma_start3A_222] : memref<4x128x32xf32, #tpu.memory_space<vmem>> -> memref<1x128x32xf32, #tpu.memory_space<vmem>>
          %dma_start3A_224 = tpu.memref_squeeze %dma_start3A_223 : memref<1x128x32xf32, #tpu.memory_space<vmem>> -> memref<128x32xf32, #tpu.memory_space<vmem>>
          %dma_start3A_225 = arith.constant 0 : i32
          %dma_start3A_226 = tpu.memref_slice %arg7[%add3A_202, %dma_start3A_225] : memref<79x128xi32, #tpu.memory_space<vmem>> -> memref<1x128xi32, #tpu.memory_space<vmem>>
          %dma_start3A_227 = tpu.memref_squeeze %dma_start3A_226 : memref<1x128xi32, #tpu.memory_space<vmem>> -> memref<128xi32, #tpu.memory_space<vmem>>
          %dma_start3A_228 = arith.constant 0 : i32
          %dma_start3A_229 = arith.constant 0 : i32
          %dma_start3A_230 = tpu.memref_slice %arg2[%dma_start3A_228, %dma_start3A_229] : memref<163840x32xf32, #tpu.memory_space<hbm>> -> memref<163840x32xf32, #tpu.memory_space<hbm>>
          tpu.enqueue_indirect_dma source(%dma_start3A_230 : memref<163840x32xf32, #tpu.memory_space<hbm>>) target(%dma_start3A_224 : memref<128x32xf32, #tpu.memory_space<vmem>>) offsets(%dma_start3A_227 : memref<128xi32, #tpu.memory_space<vmem>>) semaphore(%arg11 : memref<!tpu.dma_semaphore, #tpu.memory_space<semaphore_mem>>)
        } else {
        }
        %jit3A = arith.constant 4 : i32
        %eq3A_121 = arith.constant 0 : i32
        %eq3A_122 = arith.cmpi eq, %jit3A, %eq3A_121 : i32
        %jit3A_123 = arith.constant 1 : i32
        %select_n3A = arith.select %eq3A_122, %jit3A_123, %jit3A : i32
        %rem3A = arith.remsi %scan3A_113, %select_n3A : i32
        %ne3A = arith.constant 0 : i32
        %ne3A_124 = arith.cmpi ne, %rem3A, %ne3A : i32
        %lt3A_125 = arith.constant 0 : i32
        %lt3A_126 = arith.cmpi slt, %rem3A, %lt3A_125 : i32
        %lt3A_127 = arith.constant 0 : i32
        %lt3A_128 = arith.cmpi slt, %select_n3A, %lt3A_127 : i32
        %ne3A_129 = arith.xori %lt3A_126, %lt3A_128 : i1
        %and3A_130 = arith.andi %ne3A_129, %ne3A_124 : i1
        %add3A_131 = arith.addi %rem3A, %select_n3A : i32
        %select_n3A_132 = arith.select %and3A_130, %add3A_131, %rem3A : i32
        %dma_wait3A_133 = arith.constant 0 : i32
        %dma_wait3A_134 = arith.constant 0 : i32
        %dma_wait3A_135 = tpu.memref_slice %arg9[%select_n3A_132, %dma_wait3A_133, %dma_wait3A_134] : memref<4x128x32xf32, #tpu.memory_space<vmem>> -> memref<1x128x32xf32, #tpu.memory_space<vmem>>
        %dma_wait3A_136 = tpu.memref_squeeze %dma_wait3A_135 : memref<1x128x32xf32, #tpu.memory_space<vmem>> -> memref<128x32xf32, #tpu.memory_space<vmem>>
        %dma_wait3A_137 = arith.constant 0 : i32
        %dma_wait3A_138 = tpu.memref_slice %arg7[%scan3A_113, %dma_wait3A_137] : memref<79x128xi32, #tpu.memory_space<vmem>> -> memref<1x128xi32, #tpu.memory_space<vmem>>
        %dma_wait3A_139 = tpu.memref_squeeze %dma_wait3A_138 : memref<1x128xi32, #tpu.memory_space<vmem>> -> memref<128xi32, #tpu.memory_space<vmem>>
        %dma_wait3A_140 = arith.constant 0 : i32
        %dma_wait3A_141 = arith.constant 0 : i32
        %dma_wait3A_142 = tpu.memref_slice %arg2[%dma_wait3A_140, %dma_wait3A_141] : memref<163840x32xf32, #tpu.memory_space<hbm>> -> memref<163840x32xf32, #tpu.memory_space<hbm>>
        tpu.wait_indirect_dma semaphore(%arg11 : memref<!tpu.dma_semaphore, #tpu.memory_space<semaphore_mem>>) src(%dma_wait3A_142 : memref<163840x32xf32, #tpu.memory_space<hbm>>) dst(%dma_wait3A_136 : memref<128x32xf32, #tpu.memory_space<vmem>>)
        %jit3A_143 = arith.constant 4 : i32
        %eq3A_144 = arith.constant 0 : i32
        %eq3A_145 = arith.cmpi eq, %jit3A_143, %eq3A_144 : i32
        %jit3A_146 = arith.constant 1 : i32
        %select_n3A_147 = arith.select %eq3A_145, %jit3A_146, %jit3A_143 : i32
        %rem3A_148 = arith.remsi %scan3A_113, %select_n3A_147 : i32
        %ne3A_149 = arith.constant 0 : i32
        %ne3A_150 = arith.cmpi ne, %rem3A_148, %ne3A_149 : i32
        %lt3A_151 = arith.constant 0 : i32
        %lt3A_152 = arith.cmpi slt, %rem3A_148, %lt3A_151 : i32
        %lt3A_153 = arith.constant 0 : i32
        %lt3A_154 = arith.cmpi slt, %select_n3A_147, %lt3A_153 : i32
        %ne3A_155 = arith.xori %lt3A_152, %lt3A_154 : i1
        %and3A_156 = arith.andi %ne3A_155, %ne3A_150 : i1
        %add3A_157 = arith.addi %rem3A_148, %select_n3A_147 : i32
        %select_n3A_158 = arith.select %and3A_156, %add3A_157, %rem3A_148 : i32
        %dma_start3A_159 = arith.constant 0 : i32
        %dma_start3A_160 = arith.constant 0 : i32
        %dma_start3A_161 = tpu.memref_slice %arg9[%select_n3A_158, %dma_start3A_159, %dma_start3A_160] : memref<4x128x32xf32, #tpu.memory_space<vmem>> -> memref<1x128x32xf32, #tpu.memory_space<vmem>>
        %dma_start3A_162 = tpu.memref_squeeze %dma_start3A_161 : memref<1x128x32xf32, #tpu.memory_space<vmem>> -> memref<128x32xf32, #tpu.memory_space<vmem>>
        %dma_start3A_163 = arith.constant 0 : i32
        %dma_start3A_164 = tpu.memref_slice %arg8[%scan3A_113, %dma_start3A_163] : memref<79x128xi32, #tpu.memory_space<vmem>> -> memref<1x128xi32, #tpu.memory_space<vmem>>
        %dma_start3A_165 = tpu.memref_squeeze %dma_start3A_164 : memref<1x128xi32, #tpu.memory_space<vmem>> -> memref<128xi32, #tpu.memory_space<vmem>>
        %dma_start3A_166 = arith.constant 0 : i32
        %dma_start3A_167 = arith.constant 0 : i32
        %dma_start3A_168 = tpu.memref_slice %arg6[%dma_start3A_166, %dma_start3A_167] : memref<10240x32xf32, #tpu.memory_space<vmem_shared>> -> memref<10240x32xf32, #tpu.memory_space<vmem_shared>>
        tpu.enqueue_indirect_dma source(%dma_start3A_162 : memref<128x32xf32, #tpu.memory_space<vmem>>) target(%dma_start3A_168 : memref<10240x32xf32, #tpu.memory_space<vmem_shared>>) offsets(%dma_start3A_165 : memref<128xi32, #tpu.memory_space<vmem>>) semaphore(%arg12 : memref<!tpu.dma_semaphore, #tpu.memory_space<semaphore_mem>>) {add = true}
      }
      %scan3A_65 = arith.constant 79 : i32
      %dma_wait3A = arith.constant 0 : i32
      %dma_wait3A_66 = arith.constant 0 : i32
      %dma_wait3A_67 = arith.constant 0 : i32
      %dma_wait3A_68 = arith.constant 0 : i32
      %dma_wait3A_69 = tpu.memref_slice %arg9[%dma_wait3A, %dma_wait3A_67, %dma_wait3A_68] : memref<4x128x32xf32, #tpu.memory_space<vmem>> -> memref<1x128x32xf32, #tpu.memory_space<vmem>>
      %dma_wait3A_70 = tpu.memref_squeeze %dma_wait3A_69 : memref<1x128x32xf32, #tpu.memory_space<vmem>> -> memref<128x32xf32, #tpu.memory_space<vmem>>
      %dma_wait3A_71 = arith.constant 0 : i32
      %dma_wait3A_72 = tpu.memref_slice %arg8[%dma_wait3A_66, %dma_wait3A_71] : memref<79x128xi32, #tpu.memory_space<vmem>> -> memref<1x128xi32, #tpu.memory_space<vmem>>
      %dma_wait3A_73 = tpu.memref_squeeze %dma_wait3A_72 : memref<1x128xi32, #tpu.memory_space<vmem>> -> memref<128xi32, #tpu.memory_space<vmem>>
      %dma_wait3A_74 = arith.constant 0 : i32
      %dma_wait3A_75 = arith.constant 0 : i32
      %dma_wait3A_76 = tpu.memref_slice %arg6[%dma_wait3A_74, %dma_wait3A_75] : memref<10240x32xf32, #tpu.memory_space<vmem_shared>> -> memref<10240x32xf32, #tpu.memory_space<vmem_shared>>
      tpu.wait_indirect_dma semaphore(%arg12 : memref<!tpu.dma_semaphore, #tpu.memory_space<semaphore_mem>>) src(%dma_wait3A_70 : memref<128x32xf32, #tpu.memory_space<vmem>>) dst(%dma_wait3A_76 : memref<10240x32xf32, #tpu.memory_space<vmem_shared>>)
      %dma_wait3A_77 = arith.constant 1 : i32
      %dma_wait3A_78 = arith.constant 0 : i32
      %dma_wait3A_79 = arith.constant 0 : i32
      %dma_wait3A_80 = arith.constant 0 : i32
      %dma_wait3A_81 = tpu.memref_slice %arg9[%dma_wait3A_77, %dma_wait3A_79, %dma_wait3A_80] : memref<4x128x32xf32, #tpu.memory_space<vmem>> -> memref<1x128x32xf32, #tpu.memory_space<vmem>>
      %dma_wait3A_82 = tpu.memref_squeeze %dma_wait3A_81 : memref<1x128x32xf32, #tpu.memory_space<vmem>> -> memref<128x32xf32, #tpu.memory_space<vmem>>
      %dma_wait3A_83 = arith.constant 0 : i32
      %dma_wait3A_84 = tpu.memref_slice %arg8[%dma_wait3A_78, %dma_wait3A_83] : memref<79x128xi32, #tpu.memory_space<vmem>> -> memref<1x128xi32, #tpu.memory_space<vmem>>
      %dma_wait3A_85 = tpu.memref_squeeze %dma_wait3A_84 : memref<1x128xi32, #tpu.memory_space<vmem>> -> memref<128xi32, #tpu.memory_space<vmem>>
      %dma_wait3A_86 = arith.constant 0 : i32
      %dma_wait3A_87 = arith.constant 0 : i32
      %dma_wait3A_88 = tpu.memref_slice %arg6[%dma_wait3A_86, %dma_wait3A_87] : memref<10240x32xf32, #tpu.memory_space<vmem_shared>> -> memref<10240x32xf32, #tpu.memory_space<vmem_shared>>
      tpu.wait_indirect_dma semaphore(%arg12 : memref<!tpu.dma_semaphore, #tpu.memory_space<semaphore_mem>>) src(%dma_wait3A_82 : memref<128x32xf32, #tpu.memory_space<vmem>>) dst(%dma_wait3A_88 : memref<10240x32xf32, #tpu.memory_space<vmem_shared>>)
      %dma_wait3A_89 = arith.constant 2 : i32
      %dma_wait3A_90 = arith.constant 0 : i32
      %dma_wait3A_91 = arith.constant 0 : i32
      %dma_wait3A_92 = arith.constant 0 : i32
      %dma_wait3A_93 = tpu.memref_slice %arg9[%dma_wait3A_89, %dma_wait3A_91, %dma_wait3A_92] : memref<4x128x32xf32, #tpu.memory_space<vmem>> -> memref<1x128x32xf32, #tpu.memory_space<vmem>>
      %dma_wait3A_94 = tpu.memref_squeeze %dma_wait3A_93 : memref<1x128x32xf32, #tpu.memory_space<vmem>> -> memref<128x32xf32, #tpu.memory_space<vmem>>
      %dma_wait3A_95 = arith.constant 0 : i32
      %dma_wait3A_96 = tpu.memref_slice %arg8[%dma_wait3A_90, %dma_wait3A_95] : memref<79x128xi32, #tpu.memory_space<vmem>> -> memref<1x128xi32, #tpu.memory_space<vmem>>
      %dma_wait3A_97 = tpu.memref_squeeze %dma_wait3A_96 : memref<1x128xi32, #tpu.memory_space<vmem>> -> memref<128xi32, #tpu.memory_space<vmem>>
      %dma_wait3A_98 = arith.constant 0 : i32
      %dma_wait3A_99 = arith.constant 0 : i32
      %dma_wait3A_100 = tpu.memref_slice %arg6[%dma_wait3A_98, %dma_wait3A_99] : memref<10240x32xf32, #tpu.memory_space<vmem_shared>> -> memref<10240x32xf32, #tpu.memory_space<vmem_shared>>
      tpu.wait_indirect_dma semaphore(%arg12 : memref<!tpu.dma_semaphore, #tpu.memory_space<semaphore_mem>>) src(%dma_wait3A_94 : memref<128x32xf32, #tpu.memory_space<vmem>>) dst(%dma_wait3A_100 : memref<10240x32xf32, #tpu.memory_space<vmem_shared>>)
      %dma_wait3A_101 = arith.constant 3 : i32
      %dma_wait3A_102 = arith.constant 0 : i32
      %dma_wait3A_103 = arith.constant 0 : i32
      %dma_wait3A_104 = arith.constant 0 : i32
      %dma_wait3A_105 = tpu.memref_slice %arg9[%dma_wait3A_101, %dma_wait3A_103, %dma_wait3A_104] : memref<4x128x32xf32, #tpu.memory_space<vmem>> -> memref<1x128x32xf32, #tpu.memory_space<vmem>>
      %dma_wait3A_106 = tpu.memref_squeeze %dma_wait3A_105 : memref<1x128x32xf32, #tpu.memory_space<vmem>> -> memref<128x32xf32, #tpu.memory_space<vmem>>
      %dma_wait3A_107 = arith.constant 0 : i32
      %dma_wait3A_108 = tpu.memref_slice %arg8[%dma_wait3A_102, %dma_wait3A_107] : memref<79x128xi32, #tpu.memory_space<vmem>> -> memref<1x128xi32, #tpu.memory_space<vmem>>
      %dma_wait3A_109 = tpu.memref_squeeze %dma_wait3A_108 : memref<1x128xi32, #tpu.memory_space<vmem>> -> memref<128xi32, #tpu.memory_space<vmem>>
      %dma_wait3A_110 = arith.constant 0 : i32
      %dma_wait3A_111 = arith.constant 0 : i32
      %dma_wait3A_112 = tpu.memref_slice %arg6[%dma_wait3A_110, %dma_wait3A_111] : memref<10240x32xf32, #tpu.memory_space<vmem_shared>> -> memref<10240x32xf32, #tpu.memory_space<vmem_shared>>
      tpu.wait_indirect_dma semaphore(%arg12 : memref<!tpu.dma_semaphore, #tpu.memory_space<semaphore_mem>>) src(%dma_wait3A_106 : memref<128x32xf32, #tpu.memory_space<vmem>>) dst(%dma_wait3A_112 : memref<10240x32xf32, #tpu.memory_space<vmem_shared>>)
    } else {
    }
    %barrier3A_7 = arith.constant 0 : index
    tpu.barrier barrier_id(%barrier3A_7)
    %eq3A_8 = arith.constant 0 : i32
    %eq3A_9 = arith.cmpi eq, %arg0, %eq3A_8 : i32
    %convert_element_type3A_10 = arith.extui %eq3A_9 : i1 to i32
    %cond3A_11 = arith.constant 0 : i32
    %cond3A_12 = arith.cmpi ne, %convert_element_type3A_10, %cond3A_11 : i32
    scf.if %cond3A_12 {
      %mul3A = arith.constant 640 : i32
      %mul3A_13 = arith.muli %arg1, %mul3A : i32
      "tpu.region"() ({
        %run_scoped3A_16 = tpu.sem_alloc : memref<!tpu.dma_semaphore, #tpu.memory_space<semaphore_mem>>
        %dma_start3A = arith.constant 0 : i32
        %dma_start3A_17 = tpu.memref_slice %arg6[%mul3A_13, %dma_start3A] : memref<10240x32xf32, #tpu.memory_space<vmem_shared>> -> memref<640x32xf32, #tpu.memory_space<vmem_shared>>
        %dma_start3A_18 = arith.constant 0 : i32
        %dma_start3A_19 = tpu.memref_slice %arg6[%mul3A_13, %dma_start3A_18] : memref<10240x32xf32, #tpu.memory_space<vmem_shared>> -> memref<640x32xf32, #tpu.memory_space<vmem_shared>>
        tpu.enqueue_dma source(%dma_start3A_19 : memref<640x32xf32, #tpu.memory_space<vmem_shared>>) target(%arg10 : memref<640x32xf32, #tpu.memory_space<vmem>>) target_semaphore(%run_scoped3A_16 : memref<!tpu.dma_semaphore, #tpu.memory_space<semaphore_mem>>)
        %dma_wait3A = arith.constant 0 : i32
        %dma_wait3A_20 = tpu.memref_slice %arg6[%mul3A_13, %dma_wait3A] : memref<10240x32xf32, #tpu.memory_space<vmem_shared>> -> memref<640x32xf32, #tpu.memory_space<vmem_shared>>
        %dma_wait3A_21 = arith.constant 0 : i32
        %dma_wait3A_22 = tpu.memref_slice %arg6[%mul3A_13, %dma_wait3A_21] : memref<10240x32xf32, #tpu.memory_space<vmem_shared>> -> memref<640x32xf32, #tpu.memory_space<vmem_shared>>
        tpu.wait_dma2 semaphore(%run_scoped3A_16 : memref<!tpu.dma_semaphore, #tpu.memory_space<semaphore_mem>>) src(%dma_wait3A_22 : memref<640x32xf32, #tpu.memory_space<vmem_shared>>) dst(%arg10 : memref<640x32xf32, #tpu.memory_space<vmem>>)
        tpu.yield
      }) : () -> ()
      %mul3A_14 = arith.constant 640 : i32
      %mul3A_15 = arith.muli %arg1, %mul3A_14 : i32
      %run_scoped3A = arith.constant 0 : i32
      "tpu.region"() ({
        %run_scoped3A_16 = tpu.sem_alloc : memref<!tpu.dma_semaphore, #tpu.memory_space<semaphore_mem>>
        %dma_start3A = arith.constant 0 : i32
        %dma_start3A_17 = tpu.memref_slice %arg5[%run_scoped3A, %mul3A_15, %dma_start3A] : memref<1x10240x32xf32, #tpu.memory_space<hbm>> -> memref<1x640x32xf32, #tpu.memory_space<hbm>>
        %dma_start3A_18 = tpu.memref_squeeze %dma_start3A_17 : memref<1x640x32xf32, #tpu.memory_space<hbm>> -> memref<640x32xf32, #tpu.memory_space<hbm>>
        %dma_start3A_19 = arith.constant 0 : i32
        %dma_start3A_20 = tpu.memref_slice %arg5[%run_scoped3A, %mul3A_15, %dma_start3A_19] : memref<1x10240x32xf32, #tpu.memory_space<hbm>> -> memref<1x640x32xf32, #tpu.memory_space<hbm>>
        %dma_start3A_21 = tpu.memref_squeeze %dma_start3A_20 : memref<1x640x32xf32, #tpu.memory_space<hbm>> -> memref<640x32xf32, #tpu.memory_space<hbm>>
        tpu.enqueue_dma source(%arg10 : memref<640x32xf32, #tpu.memory_space<vmem>>) target(%dma_start3A_21 : memref<640x32xf32, #tpu.memory_space<hbm>>) target_semaphore(%run_scoped3A_16 : memref<!tpu.dma_semaphore, #tpu.memory_space<semaphore_mem>>)
        %dma_wait3A = arith.constant 0 : i32
        %dma_wait3A_22 = tpu.memref_slice %arg5[%run_scoped3A, %mul3A_15, %dma_wait3A] : memref<1x10240x32xf32, #tpu.memory_space<hbm>> -> memref<1x640x32xf32, #tpu.memory_space<hbm>>
        %dma_wait3A_23 = tpu.memref_squeeze %dma_wait3A_22 : memref<1x640x32xf32, #tpu.memory_space<hbm>> -> memref<640x32xf32, #tpu.memory_space<hbm>>
        %dma_wait3A_24 = arith.constant 0 : i32
        %dma_wait3A_25 = tpu.memref_slice %arg5[%run_scoped3A, %mul3A_15, %dma_wait3A_24] : memref<1x10240x32xf32, #tpu.memory_space<hbm>> -> memref<1x640x32xf32, #tpu.memory_space<hbm>>
        %dma_wait3A_26 = tpu.memref_squeeze %dma_wait3A_25 : memref<1x640x32xf32, #tpu.memory_space<hbm>> -> memref<640x32xf32, #tpu.memory_space<hbm>>
        tpu.wait_dma2 semaphore(%run_scoped3A_16 : memref<!tpu.dma_semaphore, #tpu.memory_space<semaphore_mem>>) src(%arg10 : memref<640x32xf32, #tpu.memory_space<vmem>>) dst(%dma_wait3A_26 : memref<640x32xf32, #tpu.memory_space<hbm>>)
        tpu.yield
      }) : () -> ()
    } else {
    }
    return
  }
}

#map = affine_map<(d0, d1) -> (0, 0)>
#map1 = affine_map<(d0, d1) -> (0, 0, 0)>
module attributes {stable_mosaic.version = 14 : i64} {
  func.func @_sc_conv_body(%arg0: i32, %arg1: i32, %arg2: memref<163840x32xf32, #tpu.memory_space<hbm>>, %arg3: memref<1264x128xi32, #tpu.memory_space<hbm>>, %arg4: memref<1264x128xi32, #tpu.memory_space<hbm>>, %arg5: memref<1x10240x32xf32, #tpu.memory_space<hbm>>, %arg6: memref<10240x32xf32, #tpu.memory_space<vmem_shared>>, %arg7: memref<79x128xi32, #tpu.memory_space<vmem>>, %arg8: memref<79x128xi32, #tpu.memory_space<vmem>>, %arg9: memref<4x128x32xf32, #tpu.memory_space<vmem>>, %arg10: memref<640x32xf32, #tpu.memory_space<vmem>>, %arg11: memref<!tpu.dma_semaphore, #tpu.memory_space<semaphore_mem>>, %arg12: memref<!tpu.dma_semaphore, #tpu.memory_space<semaphore_mem>>) attributes {dimension_semantics = [#tpu.dimension_semantics<core_parallel>, #tpu.dimension_semantics<subcore_parallel>], iteration_bounds = array<i64: 2, 16>, scalar_prefetch = 0 : i64, scratch_operands = 7 : i64, tpu.core_type = #tpu.core_type<sc_vector_subcore>, window_params = [{transform_indices = #map}, {transform_indices = #map}, {transform_indices = #map}, {transform_indices = #map1}]} {
    %eq3A = arith.constant 0 : i32
    %eq3A_0 = arith.cmpi eq, %arg0, %eq3A : i32
    %convert_element_type3A = arith.extui %eq3A_0 : i1 to i32
    %cond3A = arith.constant 0 : i32
    %cond3A_1 = arith.cmpi ne, %convert_element_type3A, %cond3A : i32
    scf.if %cond3A_1 {
      %scan3A = arith.constant 0 : i32
      %scan3A_13 = arith.constant 0 : i32
      %scan3A_14 = arith.constant 128 : i32
      %scan3A_15 = arith.addi %scan3A_13, %scan3A_14 : i32
      %scan3A_16 = arith.constant 1 : i32
      scf.for %scan3A_40 = %scan3A_13 to %scan3A_15 step %scan3A_16  : i32 {
        %broadcast_in_dim3A = arith.constant 0.000000e+00 : f32
        %broadcast_in_dim3A_41 = vector.broadcast %broadcast_in_dim3A : f32 to vector<16xf32>
        %swap3A = arith.constant 0 : i32
        %swap3A_42 = arith.index_cast %swap3A : i32 to index
        %swap3A_43 = arith.index_cast %scan3A_40 : i32 to index
        %swap3A_44 = arith.constant 0 : index
        %swap3A_45 = tpu.vector_load %arg9[%swap3A_42, %swap3A_43, %swap3A_44] {strides = array<i32>} : memref<4x128x32xf32, #tpu.memory_space<vmem>>, vector<1x1x16xf32>,
        %swap3A_46 = vector.shape_cast %swap3A_45 : vector<1x1x16xf32> to vector<16xf32>
        %swap3A_47 = vector.shape_cast %broadcast_in_dim3A_41 : vector<16xf32> to vector<1x1x16xf32>
        tpu.vector_store %arg9[%swap3A_42, %swap3A_43, %swap3A_44], %swap3A_47 {strides = array<i32>} : memref<4x128x32xf32, #tpu.memory_space<vmem>>, vector<1x1x16xf32>,
        %broadcast_in_dim3A_48 = arith.constant 0.000000e+00 : f32
        %broadcast_in_dim3A_49 = vector.broadcast %broadcast_in_dim3A_48 : f32 to vector<16xf32>
        %swap3A_50 = arith.constant 0 : i32
        %swap3A_51 = arith.index_cast %swap3A_50 : i32 to index
        %swap3A_52 = arith.index_cast %scan3A_40 : i32 to index
        %swap3A_53 = arith.constant 16 : index
        %swap3A_54 = tpu.vector_load %arg9[%swap3A_51, %swap3A_52, %swap3A_53] {strides = array<i32>} : memref<4x128x32xf32, #tpu.memory_space<vmem>>, vector<1x1x16xf32>,
        %swap3A_55 = vector.shape_cast %swap3A_54 : vector<1x1x16xf32> to vector<16xf32>
        %swap3A_56 = vector.shape_cast %broadcast_in_dim3A_49 : vector<16xf32> to vector<1x1x16xf32>
        tpu.vector_store %arg9[%swap3A_51, %swap3A_52, %swap3A_53], %swap3A_56 {strides = array<i32>} : memref<4x128x32xf32, #tpu.memory_space<vmem>>, vector<1x1x16xf32>,
      }
      %scan3A_17 = arith.constant 128 : i32
      %mul3A = arith.constant 640 : i32
      %mul3A_18 = arith.muli %arg1, %mul3A : i32
      %add3A = arith.constant 0 : i32
      %add3A_19 = arith.addi %mul3A_18, %add3A : i32
      %run_scoped3A = arith.constant 0 : i32
      "tpu.region"() ({
        %run_scoped3A_40 = tpu.sem_alloc : memref<!tpu.dma_semaphore, #tpu.memory_space<semaphore_mem>>
        %dma_start3A = arith.constant 0 : i32
        %dma_start3A_41 = arith.constant 0 : i32
        %dma_start3A_42 = tpu.memref_slice %arg9[%run_scoped3A, %dma_start3A, %dma_start3A_41] : memref<4x128x32xf32, #tpu.memory_space<vmem>> -> memref<1x128x32xf32, #tpu.memory_space<vmem>>
        %dma_start3A_43 = tpu.memref_squeeze %dma_start3A_42 : memref<1x128x32xf32, #tpu.memory_space<vmem>> -> memref<128x32xf32, #tpu.memory_space<vmem>>
        %dma_start3A_44 = arith.constant 0 : i32
        %dma_start3A_45 = tpu.memref_slice %arg6[%add3A_19, %dma_start3A_44] : memref<10240x32xf32, #tpu.memory_space<vmem_shared>> -> memref<128x32xf32, #tpu.memory_space<vmem_shared>>
        %dma_start3A_46 = arith.constant 0 : i32
        %dma_start3A_47 = tpu.memref_slice %arg6[%add3A_19, %dma_start3A_46] : memref<10240x32xf32, #tpu.memory_space<vmem_shared>> -> memref<128x32xf32, #tpu.memory_space<vmem_shared>>
        %dma_start3A_48 = arith.constant 0 : i32
        %dma_start3A_49 = arith.constant 0 : i32
        %dma_start3A_50 = tpu.memref_slice %arg9[%run_scoped3A, %dma_start3A_48, %dma_start3A_49] : memref<4x128x32xf32, #tpu.memory_space<vmem>> -> memref<1x128x32xf32, #tpu.memory_space<vmem>>
        %dma_start3A_51 = tpu.memref_squeeze %dma_start3A_50 : memref<1x128x32xf32, #tpu.memory_space<vmem>> -> memref<128x32xf32, #tpu.memory_space<vmem>>
        tpu.enqueue_dma source(%dma_start3A_51 : memref<128x32xf32, #tpu.memory_space<vmem>>) target(%dma_start3A_47 : memref<128x32xf32, #tpu.memory_space<vmem_shared>>) target_semaphore(%run_scoped3A_40 : memref<!tpu.dma_semaphore, #tpu.memory_space<semaphore_mem>>)
        %dma_wait3A = arith.constant 0 : i32
        %dma_wait3A_52 = arith.constant 0 : i32
        %dma_wait3A_53 = tpu.memref_slice %arg9[%run_scoped3A, %dma_wait3A, %dma_wait3A_52] : memref<4x128x32xf32, #tpu.memory_space<vmem>> -> memref<1x128x32xf32, #tpu.memory_space<vmem>>
        %dma_wait3A_54 = tpu.memref_squeeze %dma_wait3A_53 : memref<1x128x32xf32, #tpu.memory_space<vmem>> -> memref<128x32xf32, #tpu.memory_space<vmem>>
        %dma_wait3A_55 = arith.constant 0 : i32
        %dma_wait3A_56 = tpu.memref_slice %arg6[%add3A_19, %dma_wait3A_55] : memref<10240x32xf32, #tpu.memory_space<vmem_shared>> -> memref<128x32xf32, #tpu.memory_space<vmem_shared>>
        %dma_wait3A_57 = arith.constant 0 : i32
        %dma_wait3A_58 = tpu.memref_slice %arg6[%add3A_19, %dma_wait3A_57] : memref<10240x32xf32, #tpu.memory_space<vmem_shared>> -> memref<128x32xf32, #tpu.memory_space<vmem_shared>>
        %dma_wait3A_59 = arith.constant 0 : i32
        %dma_wait3A_60 = arith.constant 0 : i32
        %dma_wait3A_61 = tpu.memref_slice %arg9[%run_scoped3A, %dma_wait3A_59, %dma_wait3A_60] : memref<4x128x32xf32, #tpu.memory_space<vmem>> -> memref<1x128x32xf32, #tpu.memory_space<vmem>>
        %dma_wait3A_62 = tpu.memref_squeeze %dma_wait3A_61 : memref<1x128x32xf32, #tpu.memory_space<vmem>> -> memref<128x32xf32, #tpu.memory_space<vmem>>
        tpu.wait_dma2 semaphore(%run_scoped3A_40 : memref<!tpu.dma_semaphore, #tpu.memory_space<semaphore_mem>>) src(%dma_wait3A_62 : memref<128x32xf32, #tpu.memory_space<vmem>>) dst(%dma_wait3A_58 : memref<128x32xf32, #tpu.memory_space<vmem_shared>>)
        tpu.yield
      }) : () -> ()
      %mul3A_20 = arith.constant 640 : i32
      %mul3A_21 = arith.muli %arg1, %mul3A_20 : i32
      %add3A_22 = arith.constant 128 : i32
      %add3A_23 = arith.addi %mul3A_21, %add3A_22 : i32
      %run_scoped3A_24 = arith.constant 0 : i32
      "tpu.region"() ({
        %run_scoped3A_40 = tpu.sem_alloc : memref<!tpu.dma_semaphore, #tpu.memory_space<semaphore_mem>>
        %dma_start3A = arith.constant 0 : i32
        %dma_start3A_41 = arith.constant 0 : i32
        %dma_start3A_42 = tpu.memref_slice %arg9[%run_scoped3A_24, %dma_start3A, %dma_start3A_41] : memref<4x128x32xf32, #tpu.memory_space<vmem>> -> memref<1x128x32xf32, #tpu.memory_space<vmem>>
        %dma_start3A_43 = tpu.memref_squeeze %dma_start3A_42 : memref<1x128x32xf32, #tpu.memory_space<vmem>> -> memref<128x32xf32, #tpu.memory_space<vmem>>
        %dma_start3A_44 = arith.constant 0 : i32
        %dma_start3A_45 = tpu.memref_slice %arg6[%add3A_23, %dma_start3A_44] : memref<10240x32xf32, #tpu.memory_space<vmem_shared>> -> memref<128x32xf32, #tpu.memory_space<vmem_shared>>
        %dma_start3A_46 = arith.constant 0 : i32
        %dma_start3A_47 = tpu.memref_slice %arg6[%add3A_23, %dma_start3A_46] : memref<10240x32xf32, #tpu.memory_space<vmem_shared>> -> memref<128x32xf32, #tpu.memory_space<vmem_shared>>
        %dma_start3A_48 = arith.constant 0 : i32
        %dma_start3A_49 = arith.constant 0 : i32
        %dma_start3A_50 = tpu.memref_slice %arg9[%run_scoped3A_24, %dma_start3A_48, %dma_start3A_49] : memref<4x128x32xf32, #tpu.memory_space<vmem>> -> memref<1x128x32xf32, #tpu.memory_space<vmem>>
        %dma_start3A_51 = tpu.memref_squeeze %dma_start3A_50 : memref<1x128x32xf32, #tpu.memory_space<vmem>> -> memref<128x32xf32, #tpu.memory_space<vmem>>
        tpu.enqueue_dma source(%dma_start3A_51 : memref<128x32xf32, #tpu.memory_space<vmem>>) target(%dma_start3A_47 : memref<128x32xf32, #tpu.memory_space<vmem_shared>>) target_semaphore(%run_scoped3A_40 : memref<!tpu.dma_semaphore, #tpu.memory_space<semaphore_mem>>)
        %dma_wait3A = arith.constant 0 : i32
        %dma_wait3A_52 = arith.constant 0 : i32
        %dma_wait3A_53 = tpu.memref_slice %arg9[%run_scoped3A_24, %dma_wait3A, %dma_wait3A_52] : memref<4x128x32xf32, #tpu.memory_space<vmem>> -> memref<1x128x32xf32, #tpu.memory_space<vmem>>
        %dma_wait3A_54 = tpu.memref_squeeze %dma_wait3A_53 : memref<1x128x32xf32, #tpu.memory_space<vmem>> -> memref<128x32xf32, #tpu.memory_space<vmem>>
        %dma_wait3A_55 = arith.constant 0 : i32
        %dma_wait3A_56 = tpu.memref_slice %arg6[%add3A_23, %dma_wait3A_55] : memref<10240x32xf32, #tpu.memory_space<vmem_shared>> -> memref<128x32xf32, #tpu.memory_space<vmem_shared>>
        %dma_wait3A_57 = arith.constant 0 : i32
        %dma_wait3A_58 = tpu.memref_slice %arg6[%add3A_23, %dma_wait3A_57] : memref<10240x32xf32, #tpu.memory_space<vmem_shared>> -> memref<128x32xf32, #tpu.memory_space<vmem_shared>>
        %dma_wait3A_59 = arith.constant 0 : i32
        %dma_wait3A_60 = arith.constant 0 : i32
        %dma_wait3A_61 = tpu.memref_slice %arg9[%run_scoped3A_24, %dma_wait3A_59, %dma_wait3A_60] : memref<4x128x32xf32, #tpu.memory_space<vmem>> -> memref<1x128x32xf32, #tpu.memory_space<vmem>>
        %dma_wait3A_62 = tpu.memref_squeeze %dma_wait3A_61 : memref<1x128x32xf32, #tpu.memory_space<vmem>> -> memref<128x32xf32, #tpu.memory_space<vmem>>
        tpu.wait_dma2 semaphore(%run_scoped3A_40 : memref<!tpu.dma_semaphore, #tpu.memory_space<semaphore_mem>>) src(%dma_wait3A_62 : memref<128x32xf32, #tpu.memory_space<vmem>>) dst(%dma_wait3A_58 : memref<128x32xf32, #tpu.memory_space<vmem_shared>>)
        tpu.yield
      }) : () -> ()
      %mul3A_25 = arith.constant 640 : i32
      %mul3A_26 = arith.muli %arg1, %mul3A_25 : i32
      %add3A_27 = arith.constant 256 : i32
      %add3A_28 = arith.addi %mul3A_26, %add3A_27 : i32
      %run_scoped3A_29 = arith.constant 0 : i32
      "tpu.region"() ({
        %run_scoped3A_40 = tpu.sem_alloc : memref<!tpu.dma_semaphore, #tpu.memory_space<semaphore_mem>>
        %dma_start3A = arith.constant 0 : i32
        %dma_start3A_41 = arith.constant 0 : i32
        %dma_start3A_42 = tpu.memref_slice %arg9[%run_scoped3A_29, %dma_start3A, %dma_start3A_41] : memref<4x128x32xf32, #tpu.memory_space<vmem>> -> memref<1x128x32xf32, #tpu.memory_space<vmem>>
        %dma_start3A_43 = tpu.memref_squeeze %dma_start3A_42 : memref<1x128x32xf32, #tpu.memory_space<vmem>> -> memref<128x32xf32, #tpu.memory_space<vmem>>
        %dma_start3A_44 = arith.constant 0 : i32
        %dma_start3A_45 = tpu.memref_slice %arg6[%add3A_28, %dma_start3A_44] : memref<10240x32xf32, #tpu.memory_space<vmem_shared>> -> memref<128x32xf32, #tpu.memory_space<vmem_shared>>
        %dma_start3A_46 = arith.constant 0 : i32
        %dma_start3A_47 = tpu.memref_slice %arg6[%add3A_28, %dma_start3A_46] : memref<10240x32xf32, #tpu.memory_space<vmem_shared>> -> memref<128x32xf32, #tpu.memory_space<vmem_shared>>
        %dma_start3A_48 = arith.constant 0 : i32
        %dma_start3A_49 = arith.constant 0 : i32
        %dma_start3A_50 = tpu.memref_slice %arg9[%run_scoped3A_29, %dma_start3A_48, %dma_start3A_49] : memref<4x128x32xf32, #tpu.memory_space<vmem>> -> memref<1x128x32xf32, #tpu.memory_space<vmem>>
        %dma_start3A_51 = tpu.memref_squeeze %dma_start3A_50 : memref<1x128x32xf32, #tpu.memory_space<vmem>> -> memref<128x32xf32, #tpu.memory_space<vmem>>
        tpu.enqueue_dma source(%dma_start3A_51 : memref<128x32xf32, #tpu.memory_space<vmem>>) target(%dma_start3A_47 : memref<128x32xf32, #tpu.memory_space<vmem_shared>>) target_semaphore(%run_scoped3A_40 : memref<!tpu.dma_semaphore, #tpu.memory_space<semaphore_mem>>)
        %dma_wait3A = arith.constant 0 : i32
        %dma_wait3A_52 = arith.constant 0 : i32
        %dma_wait3A_53 = tpu.memref_slice %arg9[%run_scoped3A_29, %dma_wait3A, %dma_wait3A_52] : memref<4x128x32xf32, #tpu.memory_space<vmem>> -> memref<1x128x32xf32, #tpu.memory_space<vmem>>
        %dma_wait3A_54 = tpu.memref_squeeze %dma_wait3A_53 : memref<1x128x32xf32, #tpu.memory_space<vmem>> -> memref<128x32xf32, #tpu.memory_space<vmem>>
        %dma_wait3A_55 = arith.constant 0 : i32
        %dma_wait3A_56 = tpu.memref_slice %arg6[%add3A_28, %dma_wait3A_55] : memref<10240x32xf32, #tpu.memory_space<vmem_shared>> -> memref<128x32xf32, #tpu.memory_space<vmem_shared>>
        %dma_wait3A_57 = arith.constant 0 : i32
        %dma_wait3A_58 = tpu.memref_slice %arg6[%add3A_28, %dma_wait3A_57] : memref<10240x32xf32, #tpu.memory_space<vmem_shared>> -> memref<128x32xf32, #tpu.memory_space<vmem_shared>>
        %dma_wait3A_59 = arith.constant 0 : i32
        %dma_wait3A_60 = arith.constant 0 : i32
        %dma_wait3A_61 = tpu.memref_slice %arg9[%run_scoped3A_29, %dma_wait3A_59, %dma_wait3A_60] : memref<4x128x32xf32, #tpu.memory_space<vmem>> -> memref<1x128x32xf32, #tpu.memory_space<vmem>>
        %dma_wait3A_62 = tpu.memref_squeeze %dma_wait3A_61 : memref<1x128x32xf32, #tpu.memory_space<vmem>> -> memref<128x32xf32, #tpu.memory_space<vmem>>
        tpu.wait_dma2 semaphore(%run_scoped3A_40 : memref<!tpu.dma_semaphore, #tpu.memory_space<semaphore_mem>>) src(%dma_wait3A_62 : memref<128x32xf32, #tpu.memory_space<vmem>>) dst(%dma_wait3A_58 : memref<128x32xf32, #tpu.memory_space<vmem_shared>>)
        tpu.yield
      }) : () -> ()
      %mul3A_30 = arith.constant 640 : i32
      %mul3A_31 = arith.muli %arg1, %mul3A_30 : i32
      %add3A_32 = arith.constant 384 : i32
      %add3A_33 = arith.addi %mul3A_31, %add3A_32 : i32
      %run_scoped3A_34 = arith.constant 0 : i32
      "tpu.region"() ({
        %run_scoped3A_40 = tpu.sem_alloc : memref<!tpu.dma_semaphore, #tpu.memory_space<semaphore_mem>>
        %dma_start3A = arith.constant 0 : i32
        %dma_start3A_41 = arith.constant 0 : i32
        %dma_start3A_42 = tpu.memref_slice %arg9[%run_scoped3A_34, %dma_start3A, %dma_start3A_41] : memref<4x128x32xf32, #tpu.memory_space<vmem>> -> memref<1x128x32xf32, #tpu.memory_space<vmem>>
        %dma_start3A_43 = tpu.memref_squeeze %dma_start3A_42 : memref<1x128x32xf32, #tpu.memory_space<vmem>> -> memref<128x32xf32, #tpu.memory_space<vmem>>
        %dma_start3A_44 = arith.constant 0 : i32
        %dma_start3A_45 = tpu.memref_slice %arg6[%add3A_33, %dma_start3A_44] : memref<10240x32xf32, #tpu.memory_space<vmem_shared>> -> memref<128x32xf32, #tpu.memory_space<vmem_shared>>
        %dma_start3A_46 = arith.constant 0 : i32
        %dma_start3A_47 = tpu.memref_slice %arg6[%add3A_33, %dma_start3A_46] : memref<10240x32xf32, #tpu.memory_space<vmem_shared>> -> memref<128x32xf32, #tpu.memory_space<vmem_shared>>
        %dma_start3A_48 = arith.constant 0 : i32
        %dma_start3A_49 = arith.constant 0 : i32
        %dma_start3A_50 = tpu.memref_slice %arg9[%run_scoped3A_34, %dma_start3A_48, %dma_start3A_49] : memref<4x128x32xf32, #tpu.memory_space<vmem>> -> memref<1x128x32xf32, #tpu.memory_space<vmem>>
        %dma_start3A_51 = tpu.memref_squeeze %dma_start3A_50 : memref<1x128x32xf32, #tpu.memory_space<vmem>> -> memref<128x32xf32, #tpu.memory_space<vmem>>
        tpu.enqueue_dma source(%dma_start3A_51 : memref<128x32xf32, #tpu.memory_space<vmem>>) target(%dma_start3A_47 : memref<128x32xf32, #tpu.memory_space<vmem_shared>>) target_semaphore(%run_scoped3A_40 : memref<!tpu.dma_semaphore, #tpu.memory_space<semaphore_mem>>)
        %dma_wait3A = arith.constant 0 : i32
        %dma_wait3A_52 = arith.constant 0 : i32
        %dma_wait3A_53 = tpu.memref_slice %arg9[%run_scoped3A_34, %dma_wait3A, %dma_wait3A_52] : memref<4x128x32xf32, #tpu.memory_space<vmem>> -> memref<1x128x32xf32, #tpu.memory_space<vmem>>
        %dma_wait3A_54 = tpu.memref_squeeze %dma_wait3A_53 : memref<1x128x32xf32, #tpu.memory_space<vmem>> -> memref<128x32xf32, #tpu.memory_space<vmem>>
        %dma_wait3A_55 = arith.constant 0 : i32
        %dma_wait3A_56 = tpu.memref_slice %arg6[%add3A_33, %dma_wait3A_55] : memref<10240x32xf32, #tpu.memory_space<vmem_shared>> -> memref<128x32xf32, #tpu.memory_space<vmem_shared>>
        %dma_wait3A_57 = arith.constant 0 : i32
        %dma_wait3A_58 = tpu.memref_slice %arg6[%add3A_33, %dma_wait3A_57] : memref<10240x32xf32, #tpu.memory_space<vmem_shared>> -> memref<128x32xf32, #tpu.memory_space<vmem_shared>>
        %dma_wait3A_59 = arith.constant 0 : i32
        %dma_wait3A_60 = arith.constant 0 : i32
        %dma_wait3A_61 = tpu.memref_slice %arg9[%run_scoped3A_34, %dma_wait3A_59, %dma_wait3A_60] : memref<4x128x32xf32, #tpu.memory_space<vmem>> -> memref<1x128x32xf32, #tpu.memory_space<vmem>>
        %dma_wait3A_62 = tpu.memref_squeeze %dma_wait3A_61 : memref<1x128x32xf32, #tpu.memory_space<vmem>> -> memref<128x32xf32, #tpu.memory_space<vmem>>
        tpu.wait_dma2 semaphore(%run_scoped3A_40 : memref<!tpu.dma_semaphore, #tpu.memory_space<semaphore_mem>>) src(%dma_wait3A_62 : memref<128x32xf32, #tpu.memory_space<vmem>>) dst(%dma_wait3A_58 : memref<128x32xf32, #tpu.memory_space<vmem_shared>>)
        tpu.yield
      }) : () -> ()
      %mul3A_35 = arith.constant 640 : i32
      %mul3A_36 = arith.muli %arg1, %mul3A_35 : i32
      %add3A_37 = arith.constant 512 : i32
      %add3A_38 = arith.addi %mul3A_36, %add3A_37 : i32
      %run_scoped3A_39 = arith.constant 0 : i32
      "tpu.region"() ({
        %run_scoped3A_40 = tpu.sem_alloc : memref<!tpu.dma_semaphore, #tpu.memory_space<semaphore_mem>>
        %dma_start3A = arith.constant 0 : i32
        %dma_start3A_41 = arith.constant 0 : i32
        %dma_start3A_42 = tpu.memref_slice %arg9[%run_scoped3A_39, %dma_start3A, %dma_start3A_41] : memref<4x128x32xf32, #tpu.memory_space<vmem>> -> memref<1x128x32xf32, #tpu.memory_space<vmem>>
        %dma_start3A_43 = tpu.memref_squeeze %dma_start3A_42 : memref<1x128x32xf32, #tpu.memory_space<vmem>> -> memref<128x32xf32, #tpu.memory_space<vmem>>
        %dma_start3A_44 = arith.constant 0 : i32
        %dma_start3A_45 = tpu.memref_slice %arg6[%add3A_38, %dma_start3A_44] : memref<10240x32xf32, #tpu.memory_space<vmem_shared>> -> memref<128x32xf32, #tpu.memory_space<vmem_shared>>
        %dma_start3A_46 = arith.constant 0 : i32
        %dma_start3A_47 = tpu.memref_slice %arg6[%add3A_38, %dma_start3A_46] : memref<10240x32xf32, #tpu.memory_space<vmem_shared>> -> memref<128x32xf32, #tpu.memory_space<vmem_shared>>
        %dma_start3A_48 = arith.constant 0 : i32
        %dma_start3A_49 = arith.constant 0 : i32
        %dma_start3A_50 = tpu.memref_slice %arg9[%run_scoped3A_39, %dma_start3A_48, %dma_start3A_49] : memref<4x128x32xf32, #tpu.memory_space<vmem>> -> memref<1x128x32xf32, #tpu.memory_space<vmem>>
        %dma_start3A_51 = tpu.memref_squeeze %dma_start3A_50 : memref<1x128x32xf32, #tpu.memory_space<vmem>> -> memref<128x32xf32, #tpu.memory_space<vmem>>
        tpu.enqueue_dma source(%dma_start3A_51 : memref<128x32xf32, #tpu.memory_space<vmem>>) target(%dma_start3A_47 : memref<128x32xf32, #tpu.memory_space<vmem_shared>>) target_semaphore(%run_scoped3A_40 : memref<!tpu.dma_semaphore, #tpu.memory_space<semaphore_mem>>)
        %dma_wait3A = arith.constant 0 : i32
        %dma_wait3A_52 = arith.constant 0 : i32
        %dma_wait3A_53 = tpu.memref_slice %arg9[%run_scoped3A_39, %dma_wait3A, %dma_wait3A_52] : memref<4x128x32xf32, #tpu.memory_space<vmem>> -> memref<1x128x32xf32, #tpu.memory_space<vmem>>
        %dma_wait3A_54 = tpu.memref_squeeze %dma_wait3A_53 : memref<1x128x32xf32, #tpu.memory_space<vmem>> -> memref<128x32xf32, #tpu.memory_space<vmem>>
        %dma_wait3A_55 = arith.constant 0 : i32
        %dma_wait3A_56 = tpu.memref_slice %arg6[%add3A_38, %dma_wait3A_55] : memref<10240x32xf32, #tpu.memory_space<vmem_shared>> -> memref<128x32xf32, #tpu.memory_space<vmem_shared>>
        %dma_wait3A_57 = arith.constant 0 : i32
        %dma_wait3A_58 = tpu.memref_slice %arg6[%add3A_38, %dma_wait3A_57] : memref<10240x32xf32, #tpu.memory_space<vmem_shared>> -> memref<128x32xf32, #tpu.memory_space<vmem_shared>>
        %dma_wait3A_59 = arith.constant 0 : i32
        %dma_wait3A_60 = arith.constant 0 : i32
        %dma_wait3A_61 = tpu.memref_slice %arg9[%run_scoped3A_39, %dma_wait3A_59, %dma_wait3A_60] : memref<4x128x32xf32, #tpu.memory_space<vmem>> -> memref<1x128x32xf32, #tpu.memory_space<vmem>>
        %dma_wait3A_62 = tpu.memref_squeeze %dma_wait3A_61 : memref<1x128x32xf32, #tpu.memory_space<vmem>> -> memref<128x32xf32, #tpu.memory_space<vmem>>
        tpu.wait_dma2 semaphore(%run_scoped3A_40 : memref<!tpu.dma_semaphore, #tpu.memory_space<semaphore_mem>>) src(%dma_wait3A_62 : memref<128x32xf32, #tpu.memory_space<vmem>>) dst(%dma_wait3A_58 : memref<128x32xf32, #tpu.memory_space<vmem_shared>>)
        tpu.yield
      }) : () -> ()
    } else {
    }
    %barrier3A = arith.constant 0 : index
    tpu.barrier barrier_id(%barrier3A)
    %eq3A_2 = arith.constant 0 : i32
    %eq3A_3 = arith.cmpi eq, %arg0, %eq3A_2 : i32
    %convert_element_type3A_4 = arith.extui %eq3A_3 : i1 to i32
    %cond3A_5 = arith.constant 0 : i32
    %cond3A_6 = arith.cmpi ne, %convert_element_type3A_4, %cond3A_5 : i32
    scf.if %cond3A_6 {
      %mul3A = arith.constant 79 : i32
      %mul3A_13 = arith.muli %arg1, %mul3A : i32
      "tpu.region"() ({
        %run_scoped3A = tpu.sem_alloc : memref<!tpu.dma_semaphore, #tpu.memory_space<semaphore_mem>>
        %dma_start3A_113 = arith.constant 0 : i32
        %dma_start3A_114 = arith.constant 0 : i32
        %dma_start3A_115 = tpu.memref_slice %arg7[%dma_start3A_113, %dma_start3A_114] : memref<79x128xi32, #tpu.memory_space<vmem>> -> memref<79x128xi32, #tpu.memory_space<vmem>>
        %dma_start3A_116 = arith.constant 0 : i32
        %dma_start3A_117 = tpu.memref_slice %arg3[%mul3A_13, %dma_start3A_116] : memref<1264x128xi32, #tpu.memory_space<hbm>> -> memref<79x128xi32, #tpu.memory_space<hbm>>
        %dma_start3A_118 = arith.constant 0 : i32
        %dma_start3A_119 = arith.constant 0 : i32
        %dma_start3A_120 = tpu.memref_slice %arg7[%dma_start3A_118, %dma_start3A_119] : memref<79x128xi32, #tpu.memory_space<vmem>> -> memref<79x128xi32, #tpu.memory_space<vmem>>
        %dma_start3A_121 = arith.constant 0 : i32
        %dma_start3A_122 = tpu.memref_slice %arg3[%mul3A_13, %dma_start3A_121] : memref<1264x128xi32, #tpu.memory_space<hbm>> -> memref<79x128xi32, #tpu.memory_space<hbm>>
        tpu.enqueue_dma source(%dma_start3A_122 : memref<79x128xi32, #tpu.memory_space<hbm>>) target(%dma_start3A_120 : memref<79x128xi32, #tpu.memory_space<vmem>>) target_semaphore(%run_scoped3A : memref<!tpu.dma_semaphore, #tpu.memory_space<semaphore_mem>>)
        %dma_wait3A_123 = arith.constant 0 : i32
        %dma_wait3A_124 = arith.constant 0 : i32
        %dma_wait3A_125 = tpu.memref_slice %arg7[%dma_wait3A_123, %dma_wait3A_124] : memref<79x128xi32, #tpu.memory_space<vmem>> -> memref<79x128xi32, #tpu.memory_space<vmem>>
        %dma_wait3A_126 = arith.constant 0 : i32
        %dma_wait3A_127 = tpu.memref_slice %arg3[%mul3A_13, %dma_wait3A_126] : memref<1264x128xi32, #tpu.memory_space<hbm>> -> memref<79x128xi32, #tpu.memory_space<hbm>>
        %dma_wait3A_128 = arith.constant 0 : i32
        %dma_wait3A_129 = arith.constant 0 : i32
        %dma_wait3A_130 = tpu.memref_slice %arg7[%dma_wait3A_128, %dma_wait3A_129] : memref<79x128xi32, #tpu.memory_space<vmem>> -> memref<79x128xi32, #tpu.memory_space<vmem>>
        %dma_wait3A_131 = arith.constant 0 : i32
        %dma_wait3A_132 = tpu.memref_slice %arg3[%mul3A_13, %dma_wait3A_131] : memref<1264x128xi32, #tpu.memory_space<hbm>> -> memref<79x128xi32, #tpu.memory_space<hbm>>
        tpu.wait_dma2 semaphore(%run_scoped3A : memref<!tpu.dma_semaphore, #tpu.memory_space<semaphore_mem>>) src(%dma_wait3A_132 : memref<79x128xi32, #tpu.memory_space<hbm>>) dst(%dma_wait3A_130 : memref<79x128xi32, #tpu.memory_space<vmem>>)
        tpu.yield
      }) : () -> ()
      "tpu.region"() ({
        %run_scoped3A = tpu.sem_alloc : memref<!tpu.dma_semaphore, #tpu.memory_space<semaphore_mem>>
        %dma_start3A_113 = arith.constant 0 : i32
        %dma_start3A_114 = arith.constant 0 : i32
        %dma_start3A_115 = tpu.memref_slice %arg8[%dma_start3A_113, %dma_start3A_114] : memref<79x128xi32, #tpu.memory_space<vmem>> -> memref<79x128xi32, #tpu.memory_space<vmem>>
        %dma_start3A_116 = arith.constant 0 : i32
        %dma_start3A_117 = tpu.memref_slice %arg4[%mul3A_13, %dma_start3A_116] : memref<1264x128xi32, #tpu.memory_space<hbm>> -> memref<79x128xi32, #tpu.memory_space<hbm>>
        %dma_start3A_118 = arith.constant 0 : i32
        %dma_start3A_119 = arith.constant 0 : i32
        %dma_start3A_120 = tpu.memref_slice %arg8[%dma_start3A_118, %dma_start3A_119] : memref<79x128xi32, #tpu.memory_space<vmem>> -> memref<79x128xi32, #tpu.memory_space<vmem>>
        %dma_start3A_121 = arith.constant 0 : i32
        %dma_start3A_122 = tpu.memref_slice %arg4[%mul3A_13, %dma_start3A_121] : memref<1264x128xi32, #tpu.memory_space<hbm>> -> memref<79x128xi32, #tpu.memory_space<hbm>>
        tpu.enqueue_dma source(%dma_start3A_122 : memref<79x128xi32, #tpu.memory_space<hbm>>) target(%dma_start3A_120 : memref<79x128xi32, #tpu.memory_space<vmem>>) target_semaphore(%run_scoped3A : memref<!tpu.dma_semaphore, #tpu.memory_space<semaphore_mem>>)
        %dma_wait3A_123 = arith.constant 0 : i32
        %dma_wait3A_124 = arith.constant 0 : i32
        %dma_wait3A_125 = tpu.memref_slice %arg8[%dma_wait3A_123, %dma_wait3A_124] : memref<79x128xi32, #tpu.memory_space<vmem>> -> memref<79x128xi32, #tpu.memory_space<vmem>>
        %dma_wait3A_126 = arith.constant 0 : i32
        %dma_wait3A_127 = tpu.memref_slice %arg4[%mul3A_13, %dma_wait3A_126] : memref<1264x128xi32, #tpu.memory_space<hbm>> -> memref<79x128xi32, #tpu.memory_space<hbm>>
        %dma_wait3A_128 = arith.constant 0 : i32
        %dma_wait3A_129 = arith.constant 0 : i32
        %dma_wait3A_130 = tpu.memref_slice %arg8[%dma_wait3A_128, %dma_wait3A_129] : memref<79x128xi32, #tpu.memory_space<vmem>> -> memref<79x128xi32, #tpu.memory_space<vmem>>
        %dma_wait3A_131 = arith.constant 0 : i32
        %dma_wait3A_132 = tpu.memref_slice %arg4[%mul3A_13, %dma_wait3A_131] : memref<1264x128xi32, #tpu.memory_space<hbm>> -> memref<79x128xi32, #tpu.memory_space<hbm>>
        tpu.wait_dma2 semaphore(%run_scoped3A : memref<!tpu.dma_semaphore, #tpu.memory_space<semaphore_mem>>) src(%dma_wait3A_132 : memref<79x128xi32, #tpu.memory_space<hbm>>) dst(%dma_wait3A_130 : memref<79x128xi32, #tpu.memory_space<vmem>>)
        tpu.yield
      }) : () -> ()
      %dma_start3A = arith.constant 0 : i32
      %dma_start3A_14 = arith.constant 0 : i32
      %dma_start3A_15 = arith.constant 0 : i32
      %dma_start3A_16 = arith.constant 0 : i32
      %dma_start3A_17 = tpu.memref_slice %arg9[%dma_start3A_14, %dma_start3A_15, %dma_start3A_16] : memref<4x128x32xf32, #tpu.memory_space<vmem>> -> memref<1x128x32xf32, #tpu.memory_space<vmem>>
      %dma_start3A_18 = tpu.memref_squeeze %dma_start3A_17 : memref<1x128x32xf32, #tpu.memory_space<vmem>> -> memref<128x32xf32, #tpu.memory_space<vmem>>
      %dma_start3A_19 = arith.constant 0 : i32
      %dma_start3A_20 = tpu.memref_slice %arg7[%dma_start3A, %dma_start3A_19] : memref<79x128xi32, #tpu.memory_space<vmem>> -> memref<1x128xi32, #tpu.memory_space<vmem>>
      %dma_start3A_21 = tpu.memref_squeeze %dma_start3A_20 : memref<1x128xi32, #tpu.memory_space<vmem>> -> memref<128xi32, #tpu.memory_space<vmem>>
      %dma_start3A_22 = arith.constant 0 : i32
      %dma_start3A_23 = arith.constant 0 : i32
      %dma_start3A_24 = tpu.memref_slice %arg2[%dma_start3A_22, %dma_start3A_23] : memref<163840x32xf32, #tpu.memory_space<hbm>> -> memref<163840x32xf32, #tpu.memory_space<hbm>>
      tpu.enqueue_indirect_dma source(%dma_start3A_24 : memref<163840x32xf32, #tpu.memory_space<hbm>>) target(%dma_start3A_18 : memref<128x32xf32, #tpu.memory_space<vmem>>) offsets(%dma_start3A_21 : memref<128xi32, #tpu.memory_space<vmem>>) semaphore(%arg11 : memref<!tpu.dma_semaphore, #tpu.memory_space<semaphore_mem>>)
      %dma_start3A_25 = arith.constant 1 : i32
      %dma_start3A_26 = arith.constant 1 : i32
      %dma_start3A_27 = arith.constant 0 : i32
      %dma_start3A_28 = arith.constant 0 : i32
      %dma_start3A_29 = tpu.memref_slice %arg9[%dma_start3A_26, %dma_start3A_27, %dma_start3A_28] : memref<4x128x32xf32, #tpu.memory_space<vmem>> -> memref<1x128x32xf32, #tpu.memory_space<vmem>>
      %dma_start3A_30 = tpu.memref_squeeze %dma_start3A_29 : memref<1x128x32xf32, #tpu.memory_space<vmem>> -> memref<128x32xf32, #tpu.memory_space<vmem>>
      %dma_start3A_31 = arith.constant 0 : i32
      %dma_start3A_32 = tpu.memref_slice %arg7[%dma_start3A_25, %dma_start3A_31] : memref<79x128xi32, #tpu.memory_space<vmem>> -> memref<1x128xi32, #tpu.memory_space<vmem>>
      %dma_start3A_33 = tpu.memref_squeeze %dma_start3A_32 : memref<1x128xi32, #tpu.memory_space<vmem>> -> memref<128xi32, #tpu.memory_space<vmem>>
      %dma_start3A_34 = arith.constant 0 : i32
      %dma_start3A_35 = arith.constant 0 : i32
      %dma_start3A_36 = tpu.memref_slice %arg2[%dma_start3A_34, %dma_start3A_35] : memref<163840x32xf32, #tpu.memory_space<hbm>> -> memref<163840x32xf32, #tpu.memory_space<hbm>>
      tpu.enqueue_indirect_dma source(%dma_start3A_36 : memref<163840x32xf32, #tpu.memory_space<hbm>>) target(%dma_start3A_30 : memref<128x32xf32, #tpu.memory_space<vmem>>) offsets(%dma_start3A_33 : memref<128xi32, #tpu.memory_space<vmem>>) semaphore(%arg11 : memref<!tpu.dma_semaphore, #tpu.memory_space<semaphore_mem>>)
      %dma_start3A_37 = arith.constant 2 : i32
      %dma_start3A_38 = arith.constant 2 : i32
      %dma_start3A_39 = arith.constant 0 : i32
      %dma_start3A_40 = arith.constant 0 : i32
      %dma_start3A_41 = tpu.memref_slice %arg9[%dma_start3A_38, %dma_start3A_39, %dma_start3A_40] : memref<4x128x32xf32, #tpu.memory_space<vmem>> -> memref<1x128x32xf32, #tpu.memory_space<vmem>>
      %dma_start3A_42 = tpu.memref_squeeze %dma_start3A_41 : memref<1x128x32xf32, #tpu.memory_space<vmem>> -> memref<128x32xf32, #tpu.memory_space<vmem>>
      %dma_start3A_43 = arith.constant 0 : i32
      %dma_start3A_44 = tpu.memref_slice %arg7[%dma_start3A_37, %dma_start3A_43] : memref<79x128xi32, #tpu.memory_space<vmem>> -> memref<1x128xi32, #tpu.memory_space<vmem>>
      %dma_start3A_45 = tpu.memref_squeeze %dma_start3A_44 : memref<1x128xi32, #tpu.memory_space<vmem>> -> memref<128xi32, #tpu.memory_space<vmem>>
      %dma_start3A_46 = arith.constant 0 : i32
      %dma_start3A_47 = arith.constant 0 : i32
      %dma_start3A_48 = tpu.memref_slice %arg2[%dma_start3A_46, %dma_start3A_47] : memref<163840x32xf32, #tpu.memory_space<hbm>> -> memref<163840x32xf32, #tpu.memory_space<hbm>>
      tpu.enqueue_indirect_dma source(%dma_start3A_48 : memref<163840x32xf32, #tpu.memory_space<hbm>>) target(%dma_start3A_42 : memref<128x32xf32, #tpu.memory_space<vmem>>) offsets(%dma_start3A_45 : memref<128xi32, #tpu.memory_space<vmem>>) semaphore(%arg11 : memref<!tpu.dma_semaphore, #tpu.memory_space<semaphore_mem>>)
      %dma_start3A_49 = arith.constant 3 : i32
      %dma_start3A_50 = arith.constant 3 : i32
      %dma_start3A_51 = arith.constant 0 : i32
      %dma_start3A_52 = arith.constant 0 : i32
      %dma_start3A_53 = tpu.memref_slice %arg9[%dma_start3A_50, %dma_start3A_51, %dma_start3A_52] : memref<4x128x32xf32, #tpu.memory_space<vmem>> -> memref<1x128x32xf32, #tpu.memory_space<vmem>>
      %dma_start3A_54 = tpu.memref_squeeze %dma_start3A_53 : memref<1x128x32xf32, #tpu.memory_space<vmem>> -> memref<128x32xf32, #tpu.memory_space<vmem>>
      %dma_start3A_55 = arith.constant 0 : i32
      %dma_start3A_56 = tpu.memref_slice %arg7[%dma_start3A_49, %dma_start3A_55] : memref<79x128xi32, #tpu.memory_space<vmem>> -> memref<1x128xi32, #tpu.memory_space<vmem>>
      %dma_start3A_57 = tpu.memref_squeeze %dma_start3A_56 : memref<1x128xi32, #tpu.memory_space<vmem>> -> memref<128xi32, #tpu.memory_space<vmem>>
      %dma_start3A_58 = arith.constant 0 : i32
      %dma_start3A_59 = arith.constant 0 : i32
      %dma_start3A_60 = tpu.memref_slice %arg2[%dma_start3A_58, %dma_start3A_59] : memref<163840x32xf32, #tpu.memory_space<hbm>> -> memref<163840x32xf32, #tpu.memory_space<hbm>>
      tpu.enqueue_indirect_dma source(%dma_start3A_60 : memref<163840x32xf32, #tpu.memory_space<hbm>>) target(%dma_start3A_54 : memref<128x32xf32, #tpu.memory_space<vmem>>) offsets(%dma_start3A_57 : memref<128xi32, #tpu.memory_space<vmem>>) semaphore(%arg11 : memref<!tpu.dma_semaphore, #tpu.memory_space<semaphore_mem>>)
      %scan3A = arith.constant 0 : i32
      %scan3A_61 = arith.constant 0 : i32
      %scan3A_62 = arith.constant 79 : i32
      %scan3A_63 = arith.addi %scan3A_61, %scan3A_62 : i32
      %scan3A_64 = arith.constant 1 : i32
      scf.for %scan3A_113 = %scan3A_61 to %scan3A_63 step %scan3A_64  : i32 {
        %ge3A = arith.constant 1 : i32
        %ge3A_114 = arith.cmpi sge, %scan3A_113, %ge3A : i32
        %sub3A = arith.constant 1 : i32
        %sub3A_115 = arith.subi %scan3A_113, %sub3A : i32
        %add3A = arith.constant 4 : i32
        %add3A_116 = arith.addi %sub3A_115, %add3A : i32
        %lt3A = arith.constant 79 : i32
        %lt3A_117 = arith.cmpi slt, %add3A_116, %lt3A : i32
        %and3A = arith.andi %ge3A_114, %lt3A_117 : i1
        %convert_element_type3A_118 = arith.extui %and3A : i1 to i32
        %cond3A_119 = arith.constant 0 : i32
        %cond3A_120 = arith.cmpi ne, %convert_element_type3A_118, %cond3A_119 : i32
        scf.if %cond3A_120 {
          %sub3A_169 = arith.constant 1 : i32
          %sub3A_170 = arith.subi %scan3A_113, %sub3A_169 : i32
          %jit3A_171 = arith.constant 4 : i32
          %eq3A_172 = arith.constant 0 : i32
          %eq3A_173 = arith.cmpi eq, %jit3A_171, %eq3A_172 : i32
          %jit3A_174 = arith.constant 1 : i32
          %select_n3A_175 = arith.select %eq3A_173, %jit3A_174, %jit3A_171 : i32
          %rem3A_176 = arith.remsi %sub3A_170, %select_n3A_175 : i32
          %ne3A_177 = arith.constant 0 : i32
          %ne3A_178 = arith.cmpi ne, %rem3A_176, %ne3A_177 : i32
          %lt3A_179 = arith.constant 0 : i32
          %lt3A_180 = arith.cmpi slt, %rem3A_176, %lt3A_179 : i32
          %lt3A_181 = arith.constant 0 : i32
          %lt3A_182 = arith.cmpi slt, %select_n3A_175, %lt3A_181 : i32
          %ne3A_183 = arith.xori %lt3A_180, %lt3A_182 : i1
          %and3A_184 = arith.andi %ne3A_183, %ne3A_178 : i1
          %add3A_185 = arith.addi %rem3A_176, %select_n3A_175 : i32
          %select_n3A_186 = arith.select %and3A_184, %add3A_185, %rem3A_176 : i32
          %sub3A_187 = arith.constant 1 : i32
          %sub3A_188 = arith.subi %scan3A_113, %sub3A_187 : i32
          %dma_wait3A_189 = arith.constant 0 : i32
          %dma_wait3A_190 = arith.constant 0 : i32
          %dma_wait3A_191 = tpu.memref_slice %arg9[%select_n3A_186, %dma_wait3A_189, %dma_wait3A_190] : memref<4x128x32xf32, #tpu.memory_space<vmem>> -> memref<1x128x32xf32, #tpu.memory_space<vmem>>
          %dma_wait3A_192 = tpu.memref_squeeze %dma_wait3A_191 : memref<1x128x32xf32, #tpu.memory_space<vmem>> -> memref<128x32xf32, #tpu.memory_space<vmem>>
          %dma_wait3A_193 = arith.constant 0 : i32
          %dma_wait3A_194 = tpu.memref_slice %arg8[%sub3A_188, %dma_wait3A_193] : memref<79x128xi32, #tpu.memory_space<vmem>> -> memref<1x128xi32, #tpu.memory_space<vmem>>
          %dma_wait3A_195 = tpu.memref_squeeze %dma_wait3A_194 : memref<1x128xi32, #tpu.memory_space<vmem>> -> memref<128xi32, #tpu.memory_space<vmem>>
          %dma_wait3A_196 = arith.constant 0 : i32
          %dma_wait3A_197 = arith.constant 0 : i32
          %dma_wait3A_198 = tpu.memref_slice %arg6[%dma_wait3A_196, %dma_wait3A_197] : memref<10240x32xf32, #tpu.memory_space<vmem_shared>> -> memref<10240x32xf32, #tpu.memory_space<vmem_shared>>
          tpu.wait_indirect_dma semaphore(%arg12 : memref<!tpu.dma_semaphore, #tpu.memory_space<semaphore_mem>>) src(%dma_wait3A_192 : memref<128x32xf32, #tpu.memory_space<vmem>>) dst(%dma_wait3A_198 : memref<10240x32xf32, #tpu.memory_space<vmem_shared>>)
          %sub3A_199 = arith.constant 1 : i32
          %sub3A_200 = arith.subi %scan3A_113, %sub3A_199 : i32
          %add3A_201 = arith.constant 4 : i32
          %add3A_202 = arith.addi %sub3A_200, %add3A_201 : i32
          %sub3A_203 = arith.constant 1 : i32
          %sub3A_204 = arith.subi %scan3A_113, %sub3A_203 : i32
          %jit3A_205 = arith.constant 4 : i32
          %eq3A_206 = arith.constant 0 : i32
          %eq3A_207 = arith.cmpi eq, %jit3A_205, %eq3A_206 : i32
          %jit3A_208 = arith.constant 1 : i32
          %select_n3A_209 = arith.select %eq3A_207, %jit3A_208, %jit3A_205 : i32
          %rem3A_210 = arith.remsi %sub3A_204, %select_n3A_209 : i32
          %ne3A_211 = arith.constant 0 : i32
          %ne3A_212 = arith.cmpi ne, %rem3A_210, %ne3A_211 : i32
          %lt3A_213 = arith.constant 0 : i32
          %lt3A_214 = arith.cmpi slt, %rem3A_210, %lt3A_213 : i32
          %lt3A_215 = arith.constant 0 : i32
          %lt3A_216 = arith.cmpi slt, %select_n3A_209, %lt3A_215 : i32
          %ne3A_217 = arith.xori %lt3A_214, %lt3A_216 : i1
          %and3A_218 = arith.andi %ne3A_217, %ne3A_212 : i1
          %add3A_219 = arith.addi %rem3A_210, %select_n3A_209 : i32
          %select_n3A_220 = arith.select %and3A_218, %add3A_219, %rem3A_210 : i32
          %dma_start3A_221 = arith.constant 0 : i32
          %dma_start3A_222 = arith.constant 0 : i32
          %dma_start3A_223 = tpu.memref_slice %arg9[%select_n3A_220, %dma_start3A_221, %dma_start3A_222] : memref<4x128x32xf32, #tpu.memory_space<vmem>> -> memref<1x128x32xf32, #tpu.memory_space<vmem>>
          %dma_start3A_224 = tpu.memref_squeeze %dma_start3A_223 : memref<1x128x32xf32, #tpu.memory_space<vmem>> -> memref<128x32xf32, #tpu.memory_space<vmem>>
          %dma_start3A_225 = arith.constant 0 : i32
          %dma_start3A_226 = tpu.memref_slice %arg7[%add3A_202, %dma_start3A_225] : memref<79x128xi32, #tpu.memory_space<vmem>> -> memref<1x128xi32, #tpu.memory_space<vmem>>
          %dma_start3A_227 = tpu.memref_squeeze %dma_start3A_226 : memref<1x128xi32, #tpu.memory_space<vmem>> -> memref<128xi32, #tpu.memory_space<vmem>>
          %dma_start3A_228 = arith.constant 0 : i32
          %dma_start3A_229 = arith.constant 0 : i32
          %dma_start3A_230 = tpu.memref_slice %arg2[%dma_start3A_228, %dma_start3A_229] : memref<163840x32xf32, #tpu.memory_space<hbm>> -> memref<163840x32xf32, #tpu.memory_space<hbm>>
          tpu.enqueue_indirect_dma source(%dma_start3A_230 : memref<163840x32xf32, #tpu.memory_space<hbm>>) target(%dma_start3A_224 : memref<128x32xf32, #tpu.memory_space<vmem>>) offsets(%dma_start3A_227 : memref<128xi32, #tpu.memory_space<vmem>>) semaphore(%arg11 : memref<!tpu.dma_semaphore, #tpu.memory_space<semaphore_mem>>)
        } else {
        }
        %jit3A = arith.constant 4 : i32
        %eq3A_121 = arith.constant 0 : i32
        %eq3A_122 = arith.cmpi eq, %jit3A, %eq3A_121 : i32
        %jit3A_123 = arith.constant 1 : i32
        %select_n3A = arith.select %eq3A_122, %jit3A_123, %jit3A : i32
        %rem3A = arith.remsi %scan3A_113, %select_n3A : i32
        %ne3A = arith.constant 0 : i32
        %ne3A_124 = arith.cmpi ne, %rem3A, %ne3A : i32
        %lt3A_125 = arith.constant 0 : i32
        %lt3A_126 = arith.cmpi slt, %rem3A, %lt3A_125 : i32
        %lt3A_127 = arith.constant 0 : i32
        %lt3A_128 = arith.cmpi slt, %select_n3A, %lt3A_127 : i32
        %ne3A_129 = arith.xori %lt3A_126, %lt3A_128 : i1
        %and3A_130 = arith.andi %ne3A_129, %ne3A_124 : i1
        %add3A_131 = arith.addi %rem3A, %select_n3A : i32
        %select_n3A_132 = arith.select %and3A_130, %add3A_131, %rem3A : i32
        %dma_wait3A_133 = arith.constant 0 : i32
        %dma_wait3A_134 = arith.constant 0 : i32
        %dma_wait3A_135 = tpu.memref_slice %arg9[%select_n3A_132, %dma_wait3A_133, %dma_wait3A_134] : memref<4x128x32xf32, #tpu.memory_space<vmem>> -> memref<1x128x32xf32, #tpu.memory_space<vmem>>
        %dma_wait3A_136 = tpu.memref_squeeze %dma_wait3A_135 : memref<1x128x32xf32, #tpu.memory_space<vmem>> -> memref<128x32xf32, #tpu.memory_space<vmem>>
        %dma_wait3A_137 = arith.constant 0 : i32
        %dma_wait3A_138 = tpu.memref_slice %arg7[%scan3A_113, %dma_wait3A_137] : memref<79x128xi32, #tpu.memory_space<vmem>> -> memref<1x128xi32, #tpu.memory_space<vmem>>
        %dma_wait3A_139 = tpu.memref_squeeze %dma_wait3A_138 : memref<1x128xi32, #tpu.memory_space<vmem>> -> memref<128xi32, #tpu.memory_space<vmem>>
        %dma_wait3A_140 = arith.constant 0 : i32
        %dma_wait3A_141 = arith.constant 0 : i32
        %dma_wait3A_142 = tpu.memref_slice %arg2[%dma_wait3A_140, %dma_wait3A_141] : memref<163840x32xf32, #tpu.memory_space<hbm>> -> memref<163840x32xf32, #tpu.memory_space<hbm>>
        tpu.wait_indirect_dma semaphore(%arg11 : memref<!tpu.dma_semaphore, #tpu.memory_space<semaphore_mem>>) src(%dma_wait3A_142 : memref<163840x32xf32, #tpu.memory_space<hbm>>) dst(%dma_wait3A_136 : memref<128x32xf32, #tpu.memory_space<vmem>>)
        %jit3A_143 = arith.constant 4 : i32
        %eq3A_144 = arith.constant 0 : i32
        %eq3A_145 = arith.cmpi eq, %jit3A_143, %eq3A_144 : i32
        %jit3A_146 = arith.constant 1 : i32
        %select_n3A_147 = arith.select %eq3A_145, %jit3A_146, %jit3A_143 : i32
        %rem3A_148 = arith.remsi %scan3A_113, %select_n3A_147 : i32
        %ne3A_149 = arith.constant 0 : i32
        %ne3A_150 = arith.cmpi ne, %rem3A_148, %ne3A_149 : i32
        %lt3A_151 = arith.constant 0 : i32
        %lt3A_152 = arith.cmpi slt, %rem3A_148, %lt3A_151 : i32
        %lt3A_153 = arith.constant 0 : i32
        %lt3A_154 = arith.cmpi slt, %select_n3A_147, %lt3A_153 : i32
        %ne3A_155 = arith.xori %lt3A_152, %lt3A_154 : i1
        %and3A_156 = arith.andi %ne3A_155, %ne3A_150 : i1
        %add3A_157 = arith.addi %rem3A_148, %select_n3A_147 : i32
        %select_n3A_158 = arith.select %and3A_156, %add3A_157, %rem3A_148 : i32
        %dma_start3A_159 = arith.constant 0 : i32
        %dma_start3A_160 = arith.constant 0 : i32
        %dma_start3A_161 = tpu.memref_slice %arg9[%select_n3A_158, %dma_start3A_159, %dma_start3A_160] : memref<4x128x32xf32, #tpu.memory_space<vmem>> -> memref<1x128x32xf32, #tpu.memory_space<vmem>>
        %dma_start3A_162 = tpu.memref_squeeze %dma_start3A_161 : memref<1x128x32xf32, #tpu.memory_space<vmem>> -> memref<128x32xf32, #tpu.memory_space<vmem>>
        %dma_start3A_163 = arith.constant 0 : i32
        %dma_start3A_164 = tpu.memref_slice %arg8[%scan3A_113, %dma_start3A_163] : memref<79x128xi32, #tpu.memory_space<vmem>> -> memref<1x128xi32, #tpu.memory_space<vmem>>
        %dma_start3A_165 = tpu.memref_squeeze %dma_start3A_164 : memref<1x128xi32, #tpu.memory_space<vmem>> -> memref<128xi32, #tpu.memory_space<vmem>>
        %dma_start3A_166 = arith.constant 0 : i32
        %dma_start3A_167 = arith.constant 0 : i32
        %dma_start3A_168 = tpu.memref_slice %arg6[%dma_start3A_166, %dma_start3A_167] : memref<10240x32xf32, #tpu.memory_space<vmem_shared>> -> memref<10240x32xf32, #tpu.memory_space<vmem_shared>>
        tpu.enqueue_indirect_dma source(%dma_start3A_162 : memref<128x32xf32, #tpu.memory_space<vmem>>) target(%dma_start3A_168 : memref<10240x32xf32, #tpu.memory_space<vmem_shared>>) offsets(%dma_start3A_165 : memref<128xi32, #tpu.memory_space<vmem>>) semaphore(%arg12 : memref<!tpu.dma_semaphore, #tpu.memory_space<semaphore_mem>>) {add = true}
      }
      %scan3A_65 = arith.constant 79 : i32
      %dma_wait3A = arith.constant 0 : i32
      %dma_wait3A_66 = arith.constant 0 : i32
      %dma_wait3A_67 = arith.constant 0 : i32
      %dma_wait3A_68 = arith.constant 0 : i32
      %dma_wait3A_69 = tpu.memref_slice %arg9[%dma_wait3A, %dma_wait3A_67, %dma_wait3A_68] : memref<4x128x32xf32, #tpu.memory_space<vmem>> -> memref<1x128x32xf32, #tpu.memory_space<vmem>>
      %dma_wait3A_70 = tpu.memref_squeeze %dma_wait3A_69 : memref<1x128x32xf32, #tpu.memory_space<vmem>> -> memref<128x32xf32, #tpu.memory_space<vmem>>
      %dma_wait3A_71 = arith.constant 0 : i32
      %dma_wait3A_72 = tpu.memref_slice %arg8[%dma_wait3A_66, %dma_wait3A_71] : memref<79x128xi32, #tpu.memory_space<vmem>> -> memref<1x128xi32, #tpu.memory_space<vmem>>
      %dma_wait3A_73 = tpu.memref_squeeze %dma_wait3A_72 : memref<1x128xi32, #tpu.memory_space<vmem>> -> memref<128xi32, #tpu.memory_space<vmem>>
      %dma_wait3A_74 = arith.constant 0 : i32
      %dma_wait3A_75 = arith.constant 0 : i32
      %dma_wait3A_76 = tpu.memref_slice %arg6[%dma_wait3A_74, %dma_wait3A_75] : memref<10240x32xf32, #tpu.memory_space<vmem_shared>> -> memref<10240x32xf32, #tpu.memory_space<vmem_shared>>
      tpu.wait_indirect_dma semaphore(%arg12 : memref<!tpu.dma_semaphore, #tpu.memory_space<semaphore_mem>>) src(%dma_wait3A_70 : memref<128x32xf32, #tpu.memory_space<vmem>>) dst(%dma_wait3A_76 : memref<10240x32xf32, #tpu.memory_space<vmem_shared>>)
      %dma_wait3A_77 = arith.constant 1 : i32
      %dma_wait3A_78 = arith.constant 0 : i32
      %dma_wait3A_79 = arith.constant 0 : i32
      %dma_wait3A_80 = arith.constant 0 : i32
      %dma_wait3A_81 = tpu.memref_slice %arg9[%dma_wait3A_77, %dma_wait3A_79, %dma_wait3A_80] : memref<4x128x32xf32, #tpu.memory_space<vmem>> -> memref<1x128x32xf32, #tpu.memory_space<vmem>>
      %dma_wait3A_82 = tpu.memref_squeeze %dma_wait3A_81 : memref<1x128x32xf32, #tpu.memory_space<vmem>> -> memref<128x32xf32, #tpu.memory_space<vmem>>
      %dma_wait3A_83 = arith.constant 0 : i32
      %dma_wait3A_84 = tpu.memref_slice %arg8[%dma_wait3A_78, %dma_wait3A_83] : memref<79x128xi32, #tpu.memory_space<vmem>> -> memref<1x128xi32, #tpu.memory_space<vmem>>
      %dma_wait3A_85 = tpu.memref_squeeze %dma_wait3A_84 : memref<1x128xi32, #tpu.memory_space<vmem>> -> memref<128xi32, #tpu.memory_space<vmem>>
      %dma_wait3A_86 = arith.constant 0 : i32
      %dma_wait3A_87 = arith.constant 0 : i32
      %dma_wait3A_88 = tpu.memref_slice %arg6[%dma_wait3A_86, %dma_wait3A_87] : memref<10240x32xf32, #tpu.memory_space<vmem_shared>> -> memref<10240x32xf32, #tpu.memory_space<vmem_shared>>
      tpu.wait_indirect_dma semaphore(%arg12 : memref<!tpu.dma_semaphore, #tpu.memory_space<semaphore_mem>>) src(%dma_wait3A_82 : memref<128x32xf32, #tpu.memory_space<vmem>>) dst(%dma_wait3A_88 : memref<10240x32xf32, #tpu.memory_space<vmem_shared>>)
      %dma_wait3A_89 = arith.constant 2 : i32
      %dma_wait3A_90 = arith.constant 0 : i32
      %dma_wait3A_91 = arith.constant 0 : i32
      %dma_wait3A_92 = arith.constant 0 : i32
      %dma_wait3A_93 = tpu.memref_slice %arg9[%dma_wait3A_89, %dma_wait3A_91, %dma_wait3A_92] : memref<4x128x32xf32, #tpu.memory_space<vmem>> -> memref<1x128x32xf32, #tpu.memory_space<vmem>>
      %dma_wait3A_94 = tpu.memref_squeeze %dma_wait3A_93 : memref<1x128x32xf32, #tpu.memory_space<vmem>> -> memref<128x32xf32, #tpu.memory_space<vmem>>
      %dma_wait3A_95 = arith.constant 0 : i32
      %dma_wait3A_96 = tpu.memref_slice %arg8[%dma_wait3A_90, %dma_wait3A_95] : memref<79x128xi32, #tpu.memory_space<vmem>> -> memref<1x128xi32, #tpu.memory_space<vmem>>
      %dma_wait3A_97 = tpu.memref_squeeze %dma_wait3A_96 : memref<1x128xi32, #tpu.memory_space<vmem>> -> memref<128xi32, #tpu.memory_space<vmem>>
      %dma_wait3A_98 = arith.constant 0 : i32
      %dma_wait3A_99 = arith.constant 0 : i32
      %dma_wait3A_100 = tpu.memref_slice %arg6[%dma_wait3A_98, %dma_wait3A_99] : memref<10240x32xf32, #tpu.memory_space<vmem_shared>> -> memref<10240x32xf32, #tpu.memory_space<vmem_shared>>
      tpu.wait_indirect_dma semaphore(%arg12 : memref<!tpu.dma_semaphore, #tpu.memory_space<semaphore_mem>>) src(%dma_wait3A_94 : memref<128x32xf32, #tpu.memory_space<vmem>>) dst(%dma_wait3A_100 : memref<10240x32xf32, #tpu.memory_space<vmem_shared>>)
      %dma_wait3A_101 = arith.constant 3 : i32
      %dma_wait3A_102 = arith.constant 0 : i32
      %dma_wait3A_103 = arith.constant 0 : i32
      %dma_wait3A_104 = arith.constant 0 : i32
      %dma_wait3A_105 = tpu.memref_slice %arg9[%dma_wait3A_101, %dma_wait3A_103, %dma_wait3A_104] : memref<4x128x32xf32, #tpu.memory_space<vmem>> -> memref<1x128x32xf32, #tpu.memory_space<vmem>>
      %dma_wait3A_106 = tpu.memref_squeeze %dma_wait3A_105 : memref<1x128x32xf32, #tpu.memory_space<vmem>> -> memref<128x32xf32, #tpu.memory_space<vmem>>
      %dma_wait3A_107 = arith.constant 0 : i32
      %dma_wait3A_108 = tpu.memref_slice %arg8[%dma_wait3A_102, %dma_wait3A_107] : memref<79x128xi32, #tpu.memory_space<vmem>> -> memref<1x128xi32, #tpu.memory_space<vmem>>
      %dma_wait3A_109 = tpu.memref_squeeze %dma_wait3A_108 : memref<1x128xi32, #tpu.memory_space<vmem>> -> memref<128xi32, #tpu.memory_space<vmem>>
      %dma_wait3A_110 = arith.constant 0 : i32
      %dma_wait3A_111 = arith.constant 0 : i32
      %dma_wait3A_112 = tpu.memref_slice %arg6[%dma_wait3A_110, %dma_wait3A_111] : memref<10240x32xf32, #tpu.memory_space<vmem_shared>> -> memref<10240x32xf32, #tpu.memory_space<vmem_shared>>
      tpu.wait_indirect_dma semaphore(%arg12 : memref<!tpu.dma_semaphore, #tpu.memory_space<semaphore_mem>>) src(%dma_wait3A_106 : memref<128x32xf32, #tpu.memory_space<vmem>>) dst(%dma_wait3A_112 : memref<10240x32xf32, #tpu.memory_space<vmem_shared>>)
    } else {
    }
    %barrier3A_7 = arith.constant 0 : index
    tpu.barrier barrier_id(%barrier3A_7)
    %eq3A_8 = arith.constant 0 : i32
    %eq3A_9 = arith.cmpi eq, %arg0, %eq3A_8 : i32
    %convert_element_type3A_10 = arith.extui %eq3A_9 : i1 to i32
    %cond3A_11 = arith.constant 0 : i32
    %cond3A_12 = arith.cmpi ne, %convert_element_type3A_10, %cond3A_11 : i32
    scf.if %cond3A_12 {
      %mul3A = arith.constant 640 : i32
      %mul3A_13 = arith.muli %arg1, %mul3A : i32
      "tpu.region"() ({
        %run_scoped3A_16 = tpu.sem_alloc : memref<!tpu.dma_semaphore, #tpu.memory_space<semaphore_mem>>
        %dma_start3A = arith.constant 0 : i32
        %dma_start3A_17 = tpu.memref_slice %arg6[%mul3A_13, %dma_start3A] : memref<10240x32xf32, #tpu.memory_space<vmem_shared>> -> memref<640x32xf32, #tpu.memory_space<vmem_shared>>
        %dma_start3A_18 = arith.constant 0 : i32
        %dma_start3A_19 = tpu.memref_slice %arg6[%mul3A_13, %dma_start3A_18] : memref<10240x32xf32, #tpu.memory_space<vmem_shared>> -> memref<640x32xf32, #tpu.memory_space<vmem_shared>>
        tpu.enqueue_dma source(%dma_start3A_19 : memref<640x32xf32, #tpu.memory_space<vmem_shared>>) target(%arg10 : memref<640x32xf32, #tpu.memory_space<vmem>>) target_semaphore(%run_scoped3A_16 : memref<!tpu.dma_semaphore, #tpu.memory_space<semaphore_mem>>)
        %dma_wait3A = arith.constant 0 : i32
        %dma_wait3A_20 = tpu.memref_slice %arg6[%mul3A_13, %dma_wait3A] : memref<10240x32xf32, #tpu.memory_space<vmem_shared>> -> memref<640x32xf32, #tpu.memory_space<vmem_shared>>
        %dma_wait3A_21 = arith.constant 0 : i32
        %dma_wait3A_22 = tpu.memref_slice %arg6[%mul3A_13, %dma_wait3A_21] : memref<10240x32xf32, #tpu.memory_space<vmem_shared>> -> memref<640x32xf32, #tpu.memory_space<vmem_shared>>
        tpu.wait_dma2 semaphore(%run_scoped3A_16 : memref<!tpu.dma_semaphore, #tpu.memory_space<semaphore_mem>>) src(%dma_wait3A_22 : memref<640x32xf32, #tpu.memory_space<vmem_shared>>) dst(%arg10 : memref<640x32xf32, #tpu.memory_space<vmem>>)
        tpu.yield
      }) : () -> ()
      %mul3A_14 = arith.constant 640 : i32
      %mul3A_15 = arith.muli %arg1, %mul3A_14 : i32
      %run_scoped3A = arith.constant 0 : i32
      "tpu.region"() ({
        %run_scoped3A_16 = tpu.sem_alloc : memref<!tpu.dma_semaphore, #tpu.memory_space<semaphore_mem>>
        %dma_start3A = arith.constant 0 : i32
        %dma_start3A_17 = tpu.memref_slice %arg5[%run_scoped3A, %mul3A_15, %dma_start3A] : memref<1x10240x32xf32, #tpu.memory_space<hbm>> -> memref<1x640x32xf32, #tpu.memory_space<hbm>>
        %dma_start3A_18 = tpu.memref_squeeze %dma_start3A_17 : memref<1x640x32xf32, #tpu.memory_space<hbm>> -> memref<640x32xf32, #tpu.memory_space<hbm>>
        %dma_start3A_19 = arith.constant 0 : i32
        %dma_start3A_20 = tpu.memref_slice %arg5[%run_scoped3A, %mul3A_15, %dma_start3A_19] : memref<1x10240x32xf32, #tpu.memory_space<hbm>> -> memref<1x640x32xf32, #tpu.memory_space<hbm>>
        %dma_start3A_21 = tpu.memref_squeeze %dma_start3A_20 : memref<1x640x32xf32, #tpu.memory_space<hbm>> -> memref<640x32xf32, #tpu.memory_space<hbm>>
        tpu.enqueue_dma source(%arg10 : memref<640x32xf32, #tpu.memory_space<vmem>>) target(%dma_start3A_21 : memref<640x32xf32, #tpu.memory_space<hbm>>) target_semaphore(%run_scoped3A_16 : memref<!tpu.dma_semaphore, #tpu.memory_space<semaphore_mem>>)
        %dma_wait3A = arith.constant 0 : i32
        %dma_wait3A_22 = tpu.memref_slice %arg5[%run_scoped3A, %mul3A_15, %dma_wait3A] : memref<1x10240x32xf32, #tpu.memory_space<hbm>> -> memref<1x640x32xf32, #tpu.memory_space<hbm>>
        %dma_wait3A_23 = tpu.memref_squeeze %dma_wait3A_22 : memref<1x640x32xf32, #tpu.memory_space<hbm>> -> memref<640x32xf32, #tpu.memory_space<hbm>>
        %dma_wait3A_24 = arith.constant 0 : i32
        %dma_wait3A_25 = tpu.memref_slice %arg5[%run_scoped3A, %mul3A_15, %dma_wait3A_24] : memref<1x10240x32xf32, #tpu.memory_space<hbm>> -> memref<1x640x32xf32, #tpu.memory_space<hbm>>
        %dma_wait3A_26 = tpu.memref_squeeze %dma_wait3A_25 : memref<1x640x32xf32, #tpu.memory_space<hbm>> -> memref<640x32xf32, #tpu.memory_space<hbm>>
        tpu.wait_dma2 semaphore(%run_scoped3A_16 : memref<!tpu.dma_semaphore, #tpu.memory_space<semaphore_mem>>) src(%arg10 : memref<640x32xf32, #tpu.memory_space<vmem>>) dst(%dma_wait3A_26 : memref<640x32xf32, #tpu.memory_space<hbm>>)
        tpu.yield
      }) : () -> ()
    } else {
    }
    return
  }
}

module attributes {stable_mosaic.version = 14 : i64} {
  func.func @_prep_body(%arg0: i32, %arg1: memref<512x4xi32, #tpu.memory_space<vmem>>, %arg2: memref<100x32xf32, #tpu.memory_space<vmem>>, %arg3: memref<100x1xf32, #tpu.memory_space<vmem>>, %arg4: memref<16x32xf32, #tpu.memory_space<vmem>>, %arg5: memref<32x1024xf32, #tpu.memory_space<vmem>>, %arg6: memref<1x1024xf32, #tpu.memory_space<vmem>>, %arg7: memref<32x1024xf32, #tpu.memory_space<vmem>>, %arg8: memref<1x1024xf32, #tpu.memory_space<vmem>>, %arg9: memref<512x128xf32, #tpu.memory_space<vmem>>, %arg10: memref<512x4xf32, #tpu.memory_space<vmem>>, %arg11: memref<16x1024xf32, #tpu.memory_space<vmem>>, %arg12: memref<16x1024xf32, #tpu.memory_space<vmem>>) attributes {dimension_semantics = [#tpu.dimension_semantics<arbitrary>], iteration_bounds = array<i64: 5>, scalar_prefetch = 0 : i64, scratch_operands = 0 : i64, tpu.core_type = #tpu.core_type<tc>, window_params = [{transform_indices = @transform_0, window_bounds = array<i64: 512, 4>}, {pipeline_mode = #tpu.pipeline_mode<synchronous>, transform_indices = @transform_1, window_bounds = array<i64: 100, 32>}, {pipeline_mode = #tpu.pipeline_mode<synchronous>, transform_indices = @transform_2, window_bounds = array<i64: 100, 1>}, {pipeline_mode = #tpu.pipeline_mode<synchronous>, transform_indices = @transform_3, window_bounds = array<i64: 16, 32>}, {pipeline_mode = #tpu.pipeline_mode<synchronous>, transform_indices = @transform_4, window_bounds = array<i64: 32, 1024>}, {pipeline_mode = #tpu.pipeline_mode<synchronous>, transform_indices = @transform_5, window_bounds = array<i64: 1, 1024>}, {pipeline_mode = #tpu.pipeline_mode<synchronous>, transform_indices = @transform_6, window_bounds = array<i64: 32, 1024>}, {pipeline_mode = #tpu.pipeline_mode<synchronous>, transform_indices = @transform_7, window_bounds = array<i64: 1, 1024>}, {transform_indices = @transform_8, window_bounds = array<i64: 512, 128>}, {transform_indices = @transform_9, window_bounds = array<i64: 512, 4>}, {pipeline_mode = #tpu.pipeline_mode<synchronous>, transform_indices = @transform_10, window_bounds = array<i64: 16, 1024>}, {pipeline_mode = #tpu.pipeline_mode<synchronous>, transform_indices = @transform_11, window_bounds = array<i64: 16, 1024>}]} {
    %get3A = arith.constant 0 : index
    %get3A_0 = arith.constant 0 : index
    %get3A_1 = vector.load %arg1[%get3A, %get3A_0] : memref<512x4xi32, #tpu.memory_space<vmem>>, vector<512x4xi32>
    %iota3A = tpu.iota {dimensions = array<i32: 1>} : vector<1x100xi32>
    %slice3A = vector.extract_strided_slice %get3A_1 {offsets = [0, 0], sizes = [512, 1], strides = [1, 1]} : vector<512x4xi32> to vector<512x1xi32>
    %eq3A = vector.broadcast %slice3A : vector<512x1xi32> to vector<512x100xi32>
    %eq3A_2 = vector.broadcast %iota3A : vector<1x100xi32> to vector<512x100xi32>
    %eq3A_3 = arith.cmpi eq, %eq3A, %eq3A_2 : vector<512x100xi32>
    %convert_element_type3A = arith.extui %eq3A_3 : vector<512x100xi1> to vector<512x100xi32>
    %convert_element_type3A_4 = arith.sitofp %convert_element_type3A : vector<512x100xi32> to vector<512x100xf32>
    %get3A_5 = arith.constant 0 : index
    %get3A_6 = arith.constant 0 : index
    %get3A_7 = vector.load %arg2[%get3A_5, %get3A_6] : memref<100x32xf32, #tpu.memory_space<vmem>>, vector<100x32xf32>
    %dot_general3A = arith.constant dense<0.000000e+00> : vector<512x32xf32>
    %dot_general3A_8 = tpu.matmul %convert_element_type3A_4, %get3A_7, %dot_general3A {dimension_numbers = #tpu.dot_dimension_numbers<[1], [0], [0], [1], [0, 0, 1, 1], [], []>, precision = #tpu.contract_precision<fp32>, transpose_lhs_hint = false} : vector<512x100xf32>, vector<100x32xf32>, vector<512x32xf32> -> vector<512x32xf32>
    %get3A_9 = arith.constant 0 : index
    %get3A_10 = arith.constant 0 : index
    %get3A_11 = vector.load %arg3[%get3A_9, %get3A_10] : memref<100x1xf32, #tpu.memory_space<vmem>>, vector<100x1xf32>
    %dot_general3A_12 = arith.constant dense<0.000000e+00> : vector<512x1xf32>
    %dot_general3A_13 = tpu.matmul %convert_element_type3A_4, %get3A_11, %dot_general3A_12 {dimension_numbers = #tpu.dot_dimension_numbers<[1], [0], [0], [1], [0, 0, 1, 1], [], []>, precision = #tpu.contract_precision<fp32>, transpose_lhs_hint = false} : vector<512x100xf32>, vector<100x1xf32>, vector<512x1xf32> -> vector<512x1xf32>
    %slice3A_14 = vector.extract_strided_slice %get3A_1 {offsets = [0, 1], sizes = [512, 1], strides = [1, 1]} : vector<512x4xi32> to vector<512x1xi32>
    %eq3A_15 = vector.broadcast %slice3A_14 : vector<512x1xi32> to vector<512x100xi32>
    %eq3A_16 = vector.broadcast %iota3A : vector<1x100xi32> to vector<512x100xi32>
    %eq3A_17 = arith.cmpi eq, %eq3A_15, %eq3A_16 : vector<512x100xi32>
    %convert_element_type3A_18 = arith.extui %eq3A_17 : vector<512x100xi1> to vector<512x100xi32>
    %convert_element_type3A_19 = arith.sitofp %convert_element_type3A_18 : vector<512x100xi32> to vector<512x100xf32>
    %get3A_20 = arith.constant 0 : index
    %get3A_21 = arith.constant 0 : index
    %get3A_22 = vector.load %arg2[%get3A_20, %get3A_21] : memref<100x32xf32, #tpu.memory_space<vmem>>, vector<100x32xf32>
    %dot_general3A_23 = arith.constant dense<0.000000e+00> : vector<512x32xf32>
    %dot_general3A_24 = tpu.matmul %convert_element_type3A_19, %get3A_22, %dot_general3A_23 {dimension_numbers = #tpu.dot_dimension_numbers<[1], [0], [0], [1], [0, 0, 1, 1], [], []>, precision = #tpu.contract_precision<fp32>, transpose_lhs_hint = false} : vector<512x100xf32>, vector<100x32xf32>, vector<512x32xf32> -> vector<512x32xf32>
    %get3A_25 = arith.constant 0 : index
    %get3A_26 = arith.constant 0 : index
    %get3A_27 = vector.load %arg3[%get3A_25, %get3A_26] : memref<100x1xf32, #tpu.memory_space<vmem>>, vector<100x1xf32>
    %dot_general3A_28 = arith.constant dense<0.000000e+00> : vector<512x1xf32>
    %dot_general3A_29 = tpu.matmul %convert_element_type3A_19, %get3A_27, %dot_general3A_28 {dimension_numbers = #tpu.dot_dimension_numbers<[1], [0], [0], [1], [0, 0, 1, 1], [], []>, precision = #tpu.contract_precision<fp32>, transpose_lhs_hint = false} : vector<512x100xf32>, vector<100x1xf32>, vector<512x1xf32> -> vector<512x1xf32>
    %slice3A_30 = vector.extract_strided_slice %get3A_1 {offsets = [0, 2], sizes = [512, 1], strides = [1, 1]} : vector<512x4xi32> to vector<512x1xi32>
    %eq3A_31 = vector.broadcast %slice3A_30 : vector<512x1xi32> to vector<512x100xi32>
    %eq3A_32 = vector.broadcast %iota3A : vector<1x100xi32> to vector<512x100xi32>
    %eq3A_33 = arith.cmpi eq, %eq3A_31, %eq3A_32 : vector<512x100xi32>
    %convert_element_type3A_34 = arith.extui %eq3A_33 : vector<512x100xi1> to vector<512x100xi32>
    %convert_element_type3A_35 = arith.sitofp %convert_element_type3A_34 : vector<512x100xi32> to vector<512x100xf32>
    %get3A_36 = arith.constant 0 : index
    %get3A_37 = arith.constant 0 : index
    %get3A_38 = vector.load %arg2[%get3A_36, %get3A_37] : memref<100x32xf32, #tpu.memory_space<vmem>>, vector<100x32xf32>
    %dot_general3A_39 = arith.constant dense<0.000000e+00> : vector<512x32xf32>
    %dot_general3A_40 = tpu.matmul %convert_element_type3A_35, %get3A_38, %dot_general3A_39 {dimension_numbers = #tpu.dot_dimension_numbers<[1], [0], [0], [1], [0, 0, 1, 1], [], []>, precision = #tpu.contract_precision<fp32>, transpose_lhs_hint = false} : vector<512x100xf32>, vector<100x32xf32>, vector<512x32xf32> -> vector<512x32xf32>
    %get3A_41 = arith.constant 0 : index
    %get3A_42 = arith.constant 0 : index
    %get3A_43 = vector.load %arg3[%get3A_41, %get3A_42] : memref<100x1xf32, #tpu.memory_space<vmem>>, vector<100x1xf32>
    %dot_general3A_44 = arith.constant dense<0.000000e+00> : vector<512x1xf32>
    %dot_general3A_45 = tpu.matmul %convert_element_type3A_35, %get3A_43, %dot_general3A_44 {dimension_numbers = #tpu.dot_dimension_numbers<[1], [0], [0], [1], [0, 0, 1, 1], [], []>, precision = #tpu.contract_precision<fp32>, transpose_lhs_hint = false} : vector<512x100xf32>, vector<100x1xf32>, vector<512x1xf32> -> vector<512x1xf32>
    %slice3A_46 = vector.extract_strided_slice %get3A_1 {offsets = [0, 3], sizes = [512, 1], strides = [1, 1]} : vector<512x4xi32> to vector<512x1xi32>
    %eq3A_47 = vector.broadcast %slice3A_46 : vector<512x1xi32> to vector<512x100xi32>
    %eq3A_48 = vector.broadcast %iota3A : vector<1x100xi32> to vector<512x100xi32>
    %eq3A_49 = arith.cmpi eq, %eq3A_47, %eq3A_48 : vector<512x100xi32>
    %convert_element_type3A_50 = arith.extui %eq3A_49 : vector<512x100xi1> to vector<512x100xi32>
    %convert_element_type3A_51 = arith.sitofp %convert_element_type3A_50 : vector<512x100xi32> to vector<512x100xf32>
    %get3A_52 = arith.constant 0 : index
    %get3A_53 = arith.constant 0 : index
    %get3A_54 = vector.load %arg2[%get3A_52, %get3A_53] : memref<100x32xf32, #tpu.memory_space<vmem>>, vector<100x32xf32>
    %dot_general3A_55 = arith.constant dense<0.000000e+00> : vector<512x32xf32>
    %dot_general3A_56 = tpu.matmul %convert_element_type3A_51, %get3A_54, %dot_general3A_55 {dimension_numbers = #tpu.dot_dimension_numbers<[1], [0], [0], [1], [0, 0, 1, 1], [], []>, precision = #tpu.contract_precision<fp32>, transpose_lhs_hint = false} : vector<512x100xf32>, vector<100x32xf32>, vector<512x32xf32> -> vector<512x32xf32>
    %get3A_57 = arith.constant 0 : index
    %get3A_58 = arith.constant 0 : index
    %get3A_59 = vector.load %arg3[%get3A_57, %get3A_58] : memref<100x1xf32, #tpu.memory_space<vmem>>, vector<100x1xf32>
    %dot_general3A_60 = arith.constant dense<0.000000e+00> : vector<512x1xf32>
    %dot_general3A_61 = tpu.matmul %convert_element_type3A_51, %get3A_59, %dot_general3A_60 {dimension_numbers = #tpu.dot_dimension_numbers<[1], [0], [0], [1], [0, 0, 1, 1], [], []>, precision = #tpu.contract_precision<fp32>, transpose_lhs_hint = false} : vector<512x100xf32>, vector<100x1xf32>, vector<512x1xf32> -> vector<512x1xf32>
    %concatenate3A = tpu.concatenate %dot_general3A_8, %dot_general3A_24, %dot_general3A_40, %dot_general3A_56 in 1 : vector<512x32xf32>, vector<512x32xf32>, vector<512x32xf32>, vector<512x32xf32> -> vector<512x128xf32>
    %swap3A = arith.constant 0 : index
    %swap3A_62 = arith.constant 0 : index
    %swap3A_63 = vector.load %arg9[%swap3A, %swap3A_62] : memref<512x128xf32, #tpu.memory_space<vmem>>, vector<512x128xf32>
    tpu.vector_store %arg9[%swap3A, %swap3A_62], %concatenate3A {strides = array<i32>} : memref<512x128xf32, #tpu.memory_space<vmem>>, vector<512x128xf32>,
    %concatenate3A_64 = tpu.concatenate %dot_general3A_13, %dot_general3A_29, %dot_general3A_45, %dot_general3A_61 in 1 : vector<512x1xf32>, vector<512x1xf32>, vector<512x1xf32>, vector<512x1xf32> -> vector<512x4xf32>
    %swap3A_65 = arith.constant 0 : index
    %swap3A_66 = arith.constant 0 : index
    %swap3A_67 = vector.load %arg10[%swap3A_65, %swap3A_66] : memref<512x4xf32, #tpu.memory_space<vmem>>, vector<512x4xf32>
    tpu.vector_store %arg10[%swap3A_65, %swap3A_66], %concatenate3A_64 {strides = array<i32>} : memref<512x4xf32, #tpu.memory_space<vmem>>, vector<512x4xf32>,
    %eq3A_68 = arith.constant 0 : i32
    %eq3A_69 = arith.cmpi eq, %arg0, %eq3A_68 : i32
    %convert_element_type3A_70 = arith.extui %eq3A_69 : i1 to i32
    %cond3A = arith.constant 0 : i32
    %cond3A_71 = arith.cmpi ne, %convert_element_type3A_70, %cond3A : i32
    scf.if %cond3A_71 {
      %get3A_72 = arith.constant 0 : index
      %get3A_73 = arith.constant 0 : index
      %get3A_74 = vector.load %arg4[%get3A_72, %get3A_73] : memref<16x32xf32, #tpu.memory_space<vmem>>, vector<16x32xf32>
      %get3A_75 = arith.constant 0 : index
      %get3A_76 = arith.constant 0 : index
      %get3A_77 = vector.load %arg5[%get3A_75, %get3A_76] : memref<32x1024xf32, #tpu.memory_space<vmem>>, vector<32x1024xf32>
      %dot_general3A_78 = arith.constant dense<0.000000e+00> : vector<16x1024xf32>
      %dot_general3A_79 = tpu.matmul %get3A_74, %get3A_77, %dot_general3A_78 {dimension_numbers = #tpu.dot_dimension_numbers<[1], [0], [0], [1], [0, 0, 1, 1], [], []>, precision = #tpu.contract_precision<fp32>, transpose_lhs_hint = false} : vector<16x32xf32>, vector<32x1024xf32>, vector<16x1024xf32> -> vector<16x1024xf32>
      %get3A_80 = arith.constant 0 : index
      %get3A_81 = arith.constant 0 : index
      %get3A_82 = vector.load %arg6[%get3A_80, %get3A_81] : memref<1x1024xf32, #tpu.memory_space<vmem>>, vector<1x1024xf32>
      %add3A = vector.broadcast %get3A_82 : vector<1x1024xf32> to vector<16x1024xf32>
      %add3A_83 = arith.addf %dot_general3A_79, %add3A : vector<16x1024xf32>
      %swap3A_84 = arith.constant 0 : index
      %swap3A_85 = arith.constant 0 : index
      %swap3A_86 = vector.load %arg11[%swap3A_84, %swap3A_85] : memref<16x1024xf32, #tpu.memory_space<vmem>>, vector<16x1024xf32>
      tpu.vector_store %arg11[%swap3A_84, %swap3A_85], %add3A_83 {strides = array<i32>} : memref<16x1024xf32, #tpu.memory_space<vmem>>, vector<16x1024xf32>,
      %get3A_87 = arith.constant 0 : index
      %get3A_88 = arith.constant 0 : index
      %get3A_89 = vector.load %arg4[%get3A_87, %get3A_88] : memref<16x32xf32, #tpu.memory_space<vmem>>, vector<16x32xf32>
      %get3A_90 = arith.constant 0 : index
      %get3A_91 = arith.constant 0 : index
      %get3A_92 = vector.load %arg7[%get3A_90, %get3A_91] : memref<32x1024xf32, #tpu.memory_space<vmem>>, vector<32x1024xf32>
      %dot_general3A_93 = arith.constant dense<0.000000e+00> : vector<16x1024xf32>
      %dot_general3A_94 = tpu.matmul %get3A_89, %get3A_92, %dot_general3A_93 {dimension_numbers = #tpu.dot_dimension_numbers<[1], [0], [0], [1], [0, 0, 1, 1], [], []>, precision = #tpu.contract_precision<fp32>, transpose_lhs_hint = false} : vector<16x32xf32>, vector<32x1024xf32>, vector<16x1024xf32> -> vector<16x1024xf32>
      %get3A_95 = arith.constant 0 : index
      %get3A_96 = arith.constant 0 : index
      %get3A_97 = vector.load %arg8[%get3A_95, %get3A_96] : memref<1x1024xf32, #tpu.memory_space<vmem>>, vector<1x1024xf32>
      %add3A_98 = vector.broadcast %get3A_97 : vector<1x1024xf32> to vector<16x1024xf32>
      %add3A_99 = arith.addf %dot_general3A_94, %add3A_98 : vector<16x1024xf32>
      %swap3A_100 = arith.constant 0 : index
      %swap3A_101 = arith.constant 0 : index
      %swap3A_102 = vector.load %arg12[%swap3A_100, %swap3A_101] : memref<16x1024xf32, #tpu.memory_space<vmem>>, vector<16x1024xf32>
      tpu.vector_store %arg12[%swap3A_100, %swap3A_101], %add3A_99 {strides = array<i32>} : memref<16x1024xf32, #tpu.memory_space<vmem>>, vector<16x1024xf32>,
    } else {
    }
    return
  }
  func.func @transform_0(%arg0: i32) -> (i32, i32) {
    %c0_i32 = arith.constant 0 : i32
    %c0_i32_0 = arith.constant 0 : i32
    return %arg0, %c0_i32 : i32, i32
  }
  func.func @transform_1(%arg0: i32) -> (i32, i32) {
    %c0_i32 = arith.constant 0 : i32
    %c0_i32_0 = arith.constant 0 : i32
    %c0_i32_1 = arith.constant 0 : i32
    return %c0_i32, %c0_i32_0 : i32, i32
  }
  func.func @transform_2(%arg0: i32) -> (i32, i32) {
    %c0_i32 = arith.constant 0 : i32
    %c0_i32_0 = arith.constant 0 : i32
    %c0_i32_1 = arith.constant 0 : i32
    return %c0_i32, %c0_i32_0 : i32, i32
  }
  func.func @transform_3(%arg0: i32) -> (i32, i32) {
    %c0_i32 = arith.constant 0 : i32
    %c0_i32_0 = arith.constant 0 : i32
    %c0_i32_1 = arith.constant 0 : i32
    return %c0_i32, %c0_i32_0 : i32, i32
  }
  func.func @transform_4(%arg0: i32) -> (i32, i32) {
    %c0_i32 = arith.constant 0 : i32
    %c0_i32_0 = arith.constant 0 : i32
    %c0_i32_1 = arith.constant 0 : i32
    return %c0_i32, %c0_i32_0 : i32, i32
  }
  func.func @transform_5(%arg0: i32) -> (i32, i32) {
    %c0_i32 = arith.constant 0 : i32
    %c0_i32_0 = arith.constant 0 : i32
    %c0_i32_1 = arith.constant 0 : i32
    return %c0_i32, %c0_i32_0 : i32, i32
  }
  func.func @transform_6(%arg0: i32) -> (i32, i32) {
    %c0_i32 = arith.constant 0 : i32
    %c0_i32_0 = arith.constant 0 : i32
    %c0_i32_1 = arith.constant 0 : i32
    return %c0_i32, %c0_i32_0 : i32, i32
  }
  func.func @transform_7(%arg0: i32) -> (i32, i32) {
    %c0_i32 = arith.constant 0 : i32
    %c0_i32_0 = arith.constant 0 : i32
    %c0_i32_1 = arith.constant 0 : i32
    return %c0_i32, %c0_i32_0 : i32, i32
  }
  func.func @transform_8(%arg0: i32) -> (i32, i32) {
    %c0_i32 = arith.constant 0 : i32
    %c0_i32_0 = arith.constant 0 : i32
    return %arg0, %c0_i32 : i32, i32
  }
  func.func @transform_9(%arg0: i32) -> (i32, i32) {
    %c0_i32 = arith.constant 0 : i32
    %c0_i32_0 = arith.constant 0 : i32
    return %arg0, %c0_i32 : i32, i32
  }
  func.func @transform_10(%arg0: i32) -> (i32, i32) {
    %c0_i32 = arith.constant 0 : i32
    %c0_i32_0 = arith.constant 0 : i32
    %c0_i32_1 = arith.constant 0 : i32
    return %c0_i32, %c0_i32_0 : i32, i32
  }
  func.func @transform_11(%arg0: i32) -> (i32, i32) {
    %c0_i32 = arith.constant 0 : i32
    %c0_i32_0 = arith.constant 0 : i32
    %c0_i32_1 = arith.constant 0 : i32
    return %c0_i32, %c0_i32_0 : i32, i32
  }
}

module attributes {stable_mosaic.version = 14 : i64} {
  func.func @_y_body(%arg0: i32, %arg1: memref<2560x128xf32, #tpu.memory_space<vmem>>, %arg2: memref<1x32x32xf32, #tpu.memory_space<vmem>>, %arg3: memref<2560x128xf32, #tpu.memory_space<vmem>>) attributes {dimension_semantics = [#tpu.dimension_semantics<arbitrary>], iteration_bounds = array<i64: 16>, scalar_prefetch = 0 : i64, scratch_operands = 0 : i64, tpu.core_type = #tpu.core_type<tc>, window_params = [{pipeline_mode = #tpu.pipeline_mode<synchronous>, transform_indices = @transform_0, window_bounds = array<i64: 2560, 128>}, {transform_indices = @transform_1, window_bounds = array<i64: 1, 32, 32>}, {transform_indices = @transform_2, window_bounds = array<i64: 2560, 128>}]} {
    %get3A = arith.constant 0 : index
    %get3A_0 = arith.constant 0 : index
    %get3A_1 = vector.load %arg1[%get3A, %get3A_0] : memref<2560x128xf32, #tpu.memory_space<vmem>>, vector<2560x128xf32>
    %get3A_2 = arith.constant 0 : index
    %get3A_3 = arith.constant 0 : index
    %get3A_4 = arith.constant 0 : index
    %get3A_5 = vector.load %arg2[%get3A_2, %get3A_3, %get3A_4] : memref<1x32x32xf32, #tpu.memory_space<vmem>>, vector<1x32x32xf32>
    %get3A_6 = vector.shape_cast %get3A_5 : vector<1x32x32xf32> to vector<32x32xf32>
    %broadcast_in_dim3A = arith.constant 0.000000e+00 : f32
    %broadcast_in_dim3A_7 = vector.broadcast %broadcast_in_dim3A : f32 to vector<32x32xf32>
    %concatenate3A = tpu.concatenate %get3A_6, %broadcast_in_dim3A_7, %broadcast_in_dim3A_7, %broadcast_in_dim3A_7 in 1 : vector<32x32xf32>, vector<32x32xf32>, vector<32x32xf32>, vector<32x32xf32> -> vector<32x128xf32>
    %concatenate3A_8 = tpu.concatenate %broadcast_in_dim3A_7, %get3A_6, %broadcast_in_dim3A_7, %broadcast_in_dim3A_7 in 1 : vector<32x32xf32>, vector<32x32xf32>, vector<32x32xf32>, vector<32x32xf32> -> vector<32x128xf32>
    %concatenate3A_9 = tpu.concatenate %broadcast_in_dim3A_7, %broadcast_in_dim3A_7, %get3A_6, %broadcast_in_dim3A_7 in 1 : vector<32x32xf32>, vector<32x32xf32>, vector<32x32xf32>, vector<32x32xf32> -> vector<32x128xf32>
    %concatenate3A_10 = tpu.concatenate %broadcast_in_dim3A_7, %broadcast_in_dim3A_7, %broadcast_in_dim3A_7, %get3A_6 in 1 : vector<32x32xf32>, vector<32x32xf32>, vector<32x32xf32>, vector<32x32xf32> -> vector<32x128xf32>
    %concatenate3A_11 = tpu.concatenate %concatenate3A, %concatenate3A_8, %concatenate3A_9, %concatenate3A_10 in 0 : vector<32x128xf32>, vector<32x128xf32>, vector<32x128xf32>, vector<32x128xf32> -> vector<128x128xf32>
    %dot_general3A = arith.constant dense<0.000000e+00> : vector<2560x128xf32>
    %dot_general3A_12 = tpu.matmul %get3A_1, %concatenate3A_11, %dot_general3A {dimension_numbers = #tpu.dot_dimension_numbers<[1], [0], [0], [1], [0, 0, 1, 1], [], []>, precision = #tpu.contract_precision<fp32>, transpose_lhs_hint = false} : vector<2560x128xf32>, vector<128x128xf32>, vector<2560x128xf32> -> vector<2560x128xf32>
    %swap3A = arith.constant 0 : index
    %swap3A_13 = arith.constant 0 : index
    %swap3A_14 = vector.load %arg3[%swap3A, %swap3A_13] : memref<2560x128xf32, #tpu.memory_space<vmem>>, vector<2560x128xf32>
    tpu.vector_store %arg3[%swap3A, %swap3A_13], %dot_general3A_12 {strides = array<i32>} : memref<2560x128xf32, #tpu.memory_space<vmem>>, vector<2560x128xf32>,
    return
  }
  func.func @transform_0(%arg0: i32) -> (i32, i32) {
    %c0_i32 = arith.constant 0 : i32
    %c0_i32_0 = arith.constant 0 : i32
    %c0_i32_1 = arith.constant 0 : i32
    return %c0_i32, %c0_i32_0 : i32, i32
  }
  func.func @transform_1(%arg0: i32) -> (i32, i32, i32) {
    %c0_i32 = arith.constant 0 : i32
    %c0_i32_0 = arith.constant 0 : i32
    %c0_i32_1 = arith.constant 0 : i32
    return %arg0, %c0_i32, %c0_i32_0 : i32, i32, i32
  }
  func.func @transform_2(%arg0: i32) -> (i32, i32) {
    %c0_i32 = arith.constant 0 : i32
    %c0_i32_0 = arith.constant 0 : i32
    return %arg0, %c0_i32 : i32, i32
  }
}

module attributes {stable_mosaic.version = 14 : i64} {
  func.func @_hy_body(%arg0: i32, %arg1: memref<1x2560x128xf32, #tpu.memory_space<vmem>>, %arg2: memref<2560x128xf32, #tpu.memory_space<vmem>>, %arg3: memref<32x32xf32, #tpu.memory_space<vmem>>, %arg4: memref<1x128xf32, #tpu.memory_space<vmem>>, %arg5: memref<1x32x32xf32, #tpu.memory_space<vmem>>, %arg6: memref<2560x128xf32, #tpu.memory_space<vmem>>, %arg7: memref<2560x128xf32, #tpu.memory_space<vmem>>, %arg8: memref<2560x128xf32, #tpu.memory_space<vmem>>) attributes {dimension_semantics = [#tpu.dimension_semantics<arbitrary>], iteration_bounds = array<i64: 16>, scalar_prefetch = 0 : i64, scratch_operands = 1 : i64, tpu.core_type = #tpu.core_type<tc>, window_params = [{pipeline_mode = #tpu.pipeline_mode<synchronous>, transform_indices = @transform_0, window_bounds = array<i64: 1, 2560, 128>}, {pipeline_mode = #tpu.pipeline_mode<synchronous>, transform_indices = @transform_1, window_bounds = array<i64: 2560, 128>}, {pipeline_mode = #tpu.pipeline_mode<synchronous>, transform_indices = @transform_2, window_bounds = array<i64: 32, 32>}, {pipeline_mode = #tpu.pipeline_mode<synchronous>, transform_indices = @transform_3, window_bounds = array<i64: 1, 128>}, {transform_indices = @transform_4, window_bounds = array<i64: 1, 32, 32>}, {pipeline_mode = #tpu.pipeline_mode<synchronous>, transform_indices = @transform_5, window_bounds = array<i64: 2560, 128>}, {transform_indices = @transform_6, window_bounds = array<i64: 2560, 128>}]} {
    %eq3A = arith.constant 0 : i32
    %eq3A_0 = arith.cmpi eq, %arg0, %eq3A : i32
    %convert_element_type3A = arith.extui %eq3A_0 : i1 to i32
    %cond3A = arith.constant 0 : i32
    %cond3A_1 = arith.cmpi ne, %convert_element_type3A, %cond3A : i32
    scf.if %cond3A_1 {
      %get3A_17 = arith.constant 0 : index
      %get3A_18 = arith.constant 0 : index
      %get3A_19 = arith.constant 0 : index
      %get3A_20 = vector.load %arg1[%get3A_17, %get3A_18, %get3A_19] : memref<1x2560x128xf32, #tpu.memory_space<vmem>>, vector<1x512x128xf32>
      %get3A_21 = vector.shape_cast %get3A_20 : vector<1x512x128xf32> to vector<512x128xf32>
      %get3A_22 = arith.constant 0 : index
      %get3A_23 = arith.constant 0 : index
      %get3A_24 = vector.load %arg2[%get3A_22, %get3A_23] : memref<2560x128xf32, #tpu.memory_space<vmem>>, vector<512x128xf32>
      %get3A_25 = arith.constant 0 : index
      %get3A_26 = arith.constant 0 : index
      %get3A_27 = vector.load %arg3[%get3A_25, %get3A_26] : memref<32x32xf32, #tpu.memory_space<vmem>>, vector<32x32xf32>
      %broadcast_in_dim3A_28 = arith.constant 0.000000e+00 : f32
      %broadcast_in_dim3A_29 = vector.broadcast %broadcast_in_dim3A_28 : f32 to vector<32x32xf32>
      %concatenate3A_30 = tpu.concatenate %get3A_27, %broadcast_in_dim3A_29, %broadcast_in_dim3A_29, %broadcast_in_dim3A_29 in 1 : vector<32x32xf32>, vector<32x32xf32>, vector<32x32xf32>, vector<32x32xf32> -> vector<32x128xf32>
      %concatenate3A_31 = tpu.concatenate %broadcast_in_dim3A_29, %get3A_27, %broadcast_in_dim3A_29, %broadcast_in_dim3A_29 in 1 : vector<32x32xf32>, vector<32x32xf32>, vector<32x32xf32>, vector<32x32xf32> -> vector<32x128xf32>
      %concatenate3A_32 = tpu.concatenate %broadcast_in_dim3A_29, %broadcast_in_dim3A_29, %get3A_27, %broadcast_in_dim3A_29 in 1 : vector<32x32xf32>, vector<32x32xf32>, vector<32x32xf32>, vector<32x32xf32> -> vector<32x128xf32>
      %concatenate3A_33 = tpu.concatenate %broadcast_in_dim3A_29, %broadcast_in_dim3A_29, %broadcast_in_dim3A_29, %get3A_27 in 1 : vector<32x32xf32>, vector<32x32xf32>, vector<32x32xf32>, vector<32x32xf32> -> vector<32x128xf32>
      %concatenate3A_34 = tpu.concatenate %concatenate3A_30, %concatenate3A_31, %concatenate3A_32, %concatenate3A_33 in 0 : vector<32x128xf32>, vector<32x128xf32>, vector<32x128xf32>, vector<32x128xf32> -> vector<128x128xf32>
      %dot_general3A_35 = arith.constant dense<0.000000e+00> : vector<512x128xf32>
      %dot_general3A_36 = tpu.matmul %get3A_24, %concatenate3A_34, %dot_general3A_35 {dimension_numbers = #tpu.dot_dimension_numbers<[1], [0], [0], [1], [0, 0, 1, 1], [], []>, precision = #tpu.contract_precision<fp32>, transpose_lhs_hint = false} : vector<512x128xf32>, vector<128x128xf32>, vector<512x128xf32> -> vector<512x128xf32>
      %add3A = arith.addf %get3A_21, %dot_general3A_36 : vector<512x128xf32>
      %get3A_37 = arith.constant 0 : index
      %get3A_38 = arith.constant 0 : index
      %get3A_39 = vector.load %arg4[%get3A_37, %get3A_38] : memref<1x128xf32, #tpu.memory_space<vmem>>, vector<1x128xf32>
      %add3A_40 = vector.broadcast %get3A_39 : vector<1x128xf32> to vector<512x128xf32>
      %add3A_41 = arith.addf %add3A, %add3A_40 : vector<512x128xf32>
      %max3A = arith.constant 0.000000e+00 : f32
      %max3A_42 = vector.broadcast %max3A : f32 to vector<512x128xf32>
      %max3A_43 = arith.maximumf %add3A_41, %max3A_42 : vector<512x128xf32>
      %swap3A_44 = arith.constant 0 : index
      %swap3A_45 = arith.constant 0 : index
      %swap3A_46 = vector.load %arg8[%swap3A_44, %swap3A_45] : memref<2560x128xf32, #tpu.memory_space<vmem>>, vector<512x128xf32>
      tpu.vector_store %arg8[%swap3A_44, %swap3A_45], %max3A_43 {strides = array<i32>} : memref<2560x128xf32, #tpu.memory_space<vmem>>, vector<512x128xf32>,
      %swap3A_47 = arith.constant 0 : index
      %swap3A_48 = arith.constant 0 : index
      %swap3A_49 = vector.load %arg6[%swap3A_47, %swap3A_48] : memref<2560x128xf32, #tpu.memory_space<vmem>>, vector<512x128xf32>
      tpu.vector_store %arg6[%swap3A_47, %swap3A_48], %max3A_43 {strides = array<i32>} : memref<2560x128xf32, #tpu.memory_space<vmem>>, vector<512x128xf32>,
      %get3A_50 = arith.constant 0 : index
      %get3A_51 = arith.constant 512 : index
      %get3A_52 = arith.constant 0 : index
      %get3A_53 = vector.load %arg1[%get3A_50, %get3A_51, %get3A_52] : memref<1x2560x128xf32, #tpu.memory_space<vmem>>, vector<1x512x128xf32>
      %get3A_54 = vector.shape_cast %get3A_53 : vector<1x512x128xf32> to vector<512x128xf32>
      %get3A_55 = arith.constant 512 : index
      %get3A_56 = arith.constant 0 : index
      %get3A_57 = vector.load %arg2[%get3A_55, %get3A_56] : memref<2560x128xf32, #tpu.memory_space<vmem>>, vector<512x128xf32>
      %get3A_58 = arith.constant 0 : index
      %get3A_59 = arith.constant 0 : index
      %get3A_60 = vector.load %arg3[%get3A_58, %get3A_59] : memref<32x32xf32, #tpu.memory_space<vmem>>, vector<32x32xf32>
      %broadcast_in_dim3A_61 = arith.constant 0.000000e+00 : f32
      %broadcast_in_dim3A_62 = vector.broadcast %broadcast_in_dim3A_61 : f32 to vector<32x32xf32>
      %concatenate3A_63 = tpu.concatenate %get3A_60, %broadcast_in_dim3A_62, %broadcast_in_dim3A_62, %broadcast_in_dim3A_62 in 1 : vector<32x32xf32>, vector<32x32xf32>, vector<32x32xf32>, vector<32x32xf32> -> vector<32x128xf32>
      %concatenate3A_64 = tpu.concatenate %broadcast_in_dim3A_62, %get3A_60, %broadcast_in_dim3A_62, %broadcast_in_dim3A_62 in 1 : vector<32x32xf32>, vector<32x32xf32>, vector<32x32xf32>, vector<32x32xf32> -> vector<32x128xf32>
      %concatenate3A_65 = tpu.concatenate %broadcast_in_dim3A_62, %broadcast_in_dim3A_62, %get3A_60, %broadcast_in_dim3A_62 in 1 : vector<32x32xf32>, vector<32x32xf32>, vector<32x32xf32>, vector<32x32xf32> -> vector<32x128xf32>
      %concatenate3A_66 = tpu.concatenate %broadcast_in_dim3A_62, %broadcast_in_dim3A_62, %broadcast_in_dim3A_62, %get3A_60 in 1 : vector<32x32xf32>, vector<32x32xf32>, vector<32x32xf32>, vector<32x32xf32> -> vector<32x128xf32>
      %concatenate3A_67 = tpu.concatenate %concatenate3A_63, %concatenate3A_64, %concatenate3A_65, %concatenate3A_66 in 0 : vector<32x128xf32>, vector<32x128xf32>, vector<32x128xf32>, vector<32x128xf32> -> vector<128x128xf32>
      %dot_general3A_68 = arith.constant dense<0.000000e+00> : vector<512x128xf32>
      %dot_general3A_69 = tpu.matmul %get3A_57, %concatenate3A_67, %dot_general3A_68 {dimension_numbers = #tpu.dot_dimension_numbers<[1], [0], [0], [1], [0, 0, 1, 1], [], []>, precision = #tpu.contract_precision<fp32>, transpose_lhs_hint = false} : vector<512x128xf32>, vector<128x128xf32>, vector<512x128xf32> -> vector<512x128xf32>
      %add3A_70 = arith.addf %get3A_54, %dot_general3A_69 : vector<512x128xf32>
      %get3A_71 = arith.constant 0 : index
      %get3A_72 = arith.constant 0 : index
      %get3A_73 = vector.load %arg4[%get3A_71, %get3A_72] : memref<1x128xf32, #tpu.memory_space<vmem>>, vector<1x128xf32>
      %add3A_74 = vector.broadcast %get3A_73 : vector<1x128xf32> to vector<512x128xf32>
      %add3A_75 = arith.addf %add3A_70, %add3A_74 : vector<512x128xf32>
      %max3A_76 = arith.constant 0.000000e+00 : f32
      %max3A_77 = vector.broadcast %max3A_76 : f32 to vector<512x128xf32>
      %max3A_78 = arith.maximumf %add3A_75, %max3A_77 : vector<512x128xf32>
      %swap3A_79 = arith.constant 512 : index
      %swap3A_80 = arith.constant 0 : index
      %swap3A_81 = vector.load %arg8[%swap3A_79, %swap3A_80] : memref<2560x128xf32, #tpu.memory_space<vmem>>, vector<512x128xf32>
      tpu.vector_store %arg8[%swap3A_79, %swap3A_80], %max3A_78 {strides = array<i32>} : memref<2560x128xf32, #tpu.memory_space<vmem>>, vector<512x128xf32>,
      %swap3A_82 = arith.constant 512 : index
      %swap3A_83 = arith.constant 0 : index
      %swap3A_84 = vector.load %arg6[%swap3A_82, %swap3A_83] : memref<2560x128xf32, #tpu.memory_space<vmem>>, vector<512x128xf32>
      tpu.vector_store %arg6[%swap3A_82, %swap3A_83], %max3A_78 {strides = array<i32>} : memref<2560x128xf32, #tpu.memory_space<vmem>>, vector<512x128xf32>,
      %get3A_85 = arith.constant 0 : index
      %get3A_86 = arith.constant 1024 : index
      %get3A_87 = arith.constant 0 : index
      %get3A_88 = vector.load %arg1[%get3A_85, %get3A_86, %get3A_87] : memref<1x2560x128xf32, #tpu.memory_space<vmem>>, vector<1x512x128xf32>
      %get3A_89 = vector.shape_cast %get3A_88 : vector<1x512x128xf32> to vector<512x128xf32>
      %get3A_90 = arith.constant 1024 : index
      %get3A_91 = arith.constant 0 : index
      %get3A_92 = vector.load %arg2[%get3A_90, %get3A_91] : memref<2560x128xf32, #tpu.memory_space<vmem>>, vector<512x128xf32>
      %get3A_93 = arith.constant 0 : index
      %get3A_94 = arith.constant 0 : index
      %get3A_95 = vector.load %arg3[%get3A_93, %get3A_94] : memref<32x32xf32, #tpu.memory_space<vmem>>, vector<32x32xf32>
      %broadcast_in_dim3A_96 = arith.constant 0.000000e+00 : f32
      %broadcast_in_dim3A_97 = vector.broadcast %broadcast_in_dim3A_96 : f32 to vector<32x32xf32>
      %concatenate3A_98 = tpu.concatenate %get3A_95, %broadcast_in_dim3A_97, %broadcast_in_dim3A_97, %broadcast_in_dim3A_97 in 1 : vector<32x32xf32>, vector<32x32xf32>, vector<32x32xf32>, vector<32x32xf32> -> vector<32x128xf32>
      %concatenate3A_99 = tpu.concatenate %broadcast_in_dim3A_97, %get3A_95, %broadcast_in_dim3A_97, %broadcast_in_dim3A_97 in 1 : vector<32x32xf32>, vector<32x32xf32>, vector<32x32xf32>, vector<32x32xf32> -> vector<32x128xf32>
      %concatenate3A_100 = tpu.concatenate %broadcast_in_dim3A_97, %broadcast_in_dim3A_97, %get3A_95, %broadcast_in_dim3A_97 in 1 : vector<32x32xf32>, vector<32x32xf32>, vector<32x32xf32>, vector<32x32xf32> -> vector<32x128xf32>
      %concatenate3A_101 = tpu.concatenate %broadcast_in_dim3A_97, %broadcast_in_dim3A_97, %broadcast_in_dim3A_97, %get3A_95 in 1 : vector<32x32xf32>, vector<32x32xf32>, vector<32x32xf32>, vector<32x32xf32> -> vector<32x128xf32>
      %concatenate3A_102 = tpu.concatenate %concatenate3A_98, %concatenate3A_99, %concatenate3A_100, %concatenate3A_101 in 0 : vector<32x128xf32>, vector<32x128xf32>, vector<32x128xf32>, vector<32x128xf32> -> vector<128x128xf32>
      %dot_general3A_103 = arith.constant dense<0.000000e+00> : vector<512x128xf32>
      %dot_general3A_104 = tpu.matmul %get3A_92, %concatenate3A_102, %dot_general3A_103 {dimension_numbers = #tpu.dot_dimension_numbers<[1], [0], [0], [1], [0, 0, 1, 1], [], []>, precision = #tpu.contract_precision<fp32>, transpose_lhs_hint = false} : vector<512x128xf32>, vector<128x128xf32>, vector<512x128xf32> -> vector<512x128xf32>
      %add3A_105 = arith.addf %get3A_89, %dot_general3A_104 : vector<512x128xf32>
      %get3A_106 = arith.constant 0 : index
      %get3A_107 = arith.constant 0 : index
      %get3A_108 = vector.load %arg4[%get3A_106, %get3A_107] : memref<1x128xf32, #tpu.memory_space<vmem>>, vector<1x128xf32>
      %add3A_109 = vector.broadcast %get3A_108 : vector<1x128xf32> to vector<512x128xf32>
      %add3A_110 = arith.addf %add3A_105, %add3A_109 : vector<512x128xf32>
      %max3A_111 = arith.constant 0.000000e+00 : f32
      %max3A_112 = vector.broadcast %max3A_111 : f32 to vector<512x128xf32>
      %max3A_113 = arith.maximumf %add3A_110, %max3A_112 : vector<512x128xf32>
      %swap3A_114 = arith.constant 1024 : index
      %swap3A_115 = arith.constant 0 : index
      %swap3A_116 = vector.load %arg8[%swap3A_114, %swap3A_115] : memref<2560x128xf32, #tpu.memory_space<vmem>>, vector<512x128xf32>
      tpu.vector_store %arg8[%swap3A_114, %swap3A_115], %max3A_113 {strides = array<i32>} : memref<2560x128xf32, #tpu.memory_space<vmem>>, vector<512x128xf32>,
      %swap3A_117 = arith.constant 1024 : index
      %swap3A_118 = arith.constant 0 : index
      %swap3A_119 = vector.load %arg6[%swap3A_117, %swap3A_118] : memref<2560x128xf32, #tpu.memory_space<vmem>>, vector<512x128xf32>
      tpu.vector_store %arg6[%swap3A_117, %swap3A_118], %max3A_113 {strides = array<i32>} : memref<2560x128xf32, #tpu.memory_space<vmem>>, vector<512x128xf32>,
      %get3A_120 = arith.constant 0 : index
      %get3A_121 = arith.constant 1536 : index
      %get3A_122 = arith.constant 0 : index
      %get3A_123 = vector.load %arg1[%get3A_120, %get3A_121, %get3A_122] : memref<1x2560x128xf32, #tpu.memory_space<vmem>>, vector<1x512x128xf32>
      %get3A_124 = vector.shape_cast %get3A_123 : vector<1x512x128xf32> to vector<512x128xf32>
      %get3A_125 = arith.constant 1536 : index
      %get3A_126 = arith.constant 0 : index
      %get3A_127 = vector.load %arg2[%get3A_125, %get3A_126] : memref<2560x128xf32, #tpu.memory_space<vmem>>, vector<512x128xf32>
      %get3A_128 = arith.constant 0 : index
      %get3A_129 = arith.constant 0 : index
      %get3A_130 = vector.load %arg3[%get3A_128, %get3A_129] : memref<32x32xf32, #tpu.memory_space<vmem>>, vector<32x32xf32>
      %broadcast_in_dim3A_131 = arith.constant 0.000000e+00 : f32
      %broadcast_in_dim3A_132 = vector.broadcast %broadcast_in_dim3A_131 : f32 to vector<32x32xf32>
      %concatenate3A_133 = tpu.concatenate %get3A_130, %broadcast_in_dim3A_132, %broadcast_in_dim3A_132, %broadcast_in_dim3A_132 in 1 : vector<32x32xf32>, vector<32x32xf32>, vector<32x32xf32>, vector<32x32xf32> -> vector<32x128xf32>
      %concatenate3A_134 = tpu.concatenate %broadcast_in_dim3A_132, %get3A_130, %broadcast_in_dim3A_132, %broadcast_in_dim3A_132 in 1 : vector<32x32xf32>, vector<32x32xf32>, vector<32x32xf32>, vector<32x32xf32> -> vector<32x128xf32>
      %concatenate3A_135 = tpu.concatenate %broadcast_in_dim3A_132, %broadcast_in_dim3A_132, %get3A_130, %broadcast_in_dim3A_132 in 1 : vector<32x32xf32>, vector<32x32xf32>, vector<32x32xf32>, vector<32x32xf32> -> vector<32x128xf32>
      %concatenate3A_136 = tpu.concatenate %broadcast_in_dim3A_132, %broadcast_in_dim3A_132, %broadcast_in_dim3A_132, %get3A_130 in 1 : vector<32x32xf32>, vector<32x32xf32>, vector<32x32xf32>, vector<32x32xf32> -> vector<32x128xf32>
      %concatenate3A_137 = tpu.concatenate %concatenate3A_133, %concatenate3A_134, %concatenate3A_135, %concatenate3A_136 in 0 : vector<32x128xf32>, vector<32x128xf32>, vector<32x128xf32>, vector<32x128xf32> -> vector<128x128xf32>
      %dot_general3A_138 = arith.constant dense<0.000000e+00> : vector<512x128xf32>
      %dot_general3A_139 = tpu.matmul %get3A_127, %concatenate3A_137, %dot_general3A_138 {dimension_numbers = #tpu.dot_dimension_numbers<[1], [0], [0], [1], [0, 0, 1, 1], [], []>, precision = #tpu.contract_precision<fp32>, transpose_lhs_hint = false} : vector<512x128xf32>, vector<128x128xf32>, vector<512x128xf32> -> vector<512x128xf32>
      %add3A_140 = arith.addf %get3A_124, %dot_general3A_139 : vector<512x128xf32>
      %get3A_141 = arith.constant 0 : index
      %get3A_142 = arith.constant 0 : index
      %get3A_143 = vector.load %arg4[%get3A_141, %get3A_142] : memref<1x128xf32, #tpu.memory_space<vmem>>, vector<1x128xf32>
      %add3A_144 = vector.broadcast %get3A_143 : vector<1x128xf32> to vector<512x128xf32>
      %add3A_145 = arith.addf %add3A_140, %add3A_144 : vector<512x128xf32>
      %max3A_146 = arith.constant 0.000000e+00 : f32
      %max3A_147 = vector.broadcast %max3A_146 : f32 to vector<512x128xf32>
      %max3A_148 = arith.maximumf %add3A_145, %max3A_147 : vector<512x128xf32>
      %swap3A_149 = arith.constant 1536 : index
      %swap3A_150 = arith.constant 0 : index
      %swap3A_151 = vector.load %arg8[%swap3A_149, %swap3A_150] : memref<2560x128xf32, #tpu.memory_space<vmem>>, vector<512x128xf32>
      tpu.vector_store %arg8[%swap3A_149, %swap3A_150], %max3A_148 {strides = array<i32>} : memref<2560x128xf32, #tpu.memory_space<vmem>>, vector<512x128xf32>,
      %swap3A_152 = arith.constant 1536 : index
      %swap3A_153 = arith.constant 0 : index
      %swap3A_154 = vector.load %arg6[%swap3A_152, %swap3A_153] : memref<2560x128xf32, #tpu.memory_space<vmem>>, vector<512x128xf32>
      tpu.vector_store %arg6[%swap3A_152, %swap3A_153], %max3A_148 {strides = array<i32>} : memref<2560x128xf32, #tpu.memory_space<vmem>>, vector<512x128xf32>,
      %get3A_155 = arith.constant 0 : index
      %get3A_156 = arith.constant 2048 : index
      %get3A_157 = arith.constant 0 : index
      %get3A_158 = vector.load %arg1[%get3A_155, %get3A_156, %get3A_157] : memref<1x2560x128xf32, #tpu.memory_space<vmem>>, vector<1x512x128xf32>
      %get3A_159 = vector.shape_cast %get3A_158 : vector<1x512x128xf32> to vector<512x128xf32>
      %get3A_160 = arith.constant 2048 : index
      %get3A_161 = arith.constant 0 : index
      %get3A_162 = vector.load %arg2[%get3A_160, %get3A_161] : memref<2560x128xf32, #tpu.memory_space<vmem>>, vector<512x128xf32>
      %get3A_163 = arith.constant 0 : index
      %get3A_164 = arith.constant 0 : index
      %get3A_165 = vector.load %arg3[%get3A_163, %get3A_164] : memref<32x32xf32, #tpu.memory_space<vmem>>, vector<32x32xf32>
      %broadcast_in_dim3A_166 = arith.constant 0.000000e+00 : f32
      %broadcast_in_dim3A_167 = vector.broadcast %broadcast_in_dim3A_166 : f32 to vector<32x32xf32>
      %concatenate3A_168 = tpu.concatenate %get3A_165, %broadcast_in_dim3A_167, %broadcast_in_dim3A_167, %broadcast_in_dim3A_167 in 1 : vector<32x32xf32>, vector<32x32xf32>, vector<32x32xf32>, vector<32x32xf32> -> vector<32x128xf32>
      %concatenate3A_169 = tpu.concatenate %broadcast_in_dim3A_167, %get3A_165, %broadcast_in_dim3A_167, %broadcast_in_dim3A_167 in 1 : vector<32x32xf32>, vector<32x32xf32>, vector<32x32xf32>, vector<32x32xf32> -> vector<32x128xf32>
      %concatenate3A_170 = tpu.concatenate %broadcast_in_dim3A_167, %broadcast_in_dim3A_167, %get3A_165, %broadcast_in_dim3A_167 in 1 : vector<32x32xf32>, vector<32x32xf32>, vector<32x32xf32>, vector<32x32xf32> -> vector<32x128xf32>
      %concatenate3A_171 = tpu.concatenate %broadcast_in_dim3A_167, %broadcast_in_dim3A_167, %broadcast_in_dim3A_167, %get3A_165 in 1 : vector<32x32xf32>, vector<32x32xf32>, vector<32x32xf32>, vector<32x32xf32> -> vector<32x128xf32>
      %concatenate3A_172 = tpu.concatenate %concatenate3A_168, %concatenate3A_169, %concatenate3A_170, %concatenate3A_171 in 0 : vector<32x128xf32>, vector<32x128xf32>, vector<32x128xf32>, vector<32x128xf32> -> vector<128x128xf32>
      %dot_general3A_173 = arith.constant dense<0.000000e+00> : vector<512x128xf32>
      %dot_general3A_174 = tpu.matmul %get3A_162, %concatenate3A_172, %dot_general3A_173 {dimension_numbers = #tpu.dot_dimension_numbers<[1], [0], [0], [1], [0, 0, 1, 1], [], []>, precision = #tpu.contract_precision<fp32>, transpose_lhs_hint = false} : vector<512x128xf32>, vector<128x128xf32>, vector<512x128xf32> -> vector<512x128xf32>
      %add3A_175 = arith.addf %get3A_159, %dot_general3A_174 : vector<512x128xf32>
      %get3A_176 = arith.constant 0 : index
      %get3A_177 = arith.constant 0 : index
      %get3A_178 = vector.load %arg4[%get3A_176, %get3A_177] : memref<1x128xf32, #tpu.memory_space<vmem>>, vector<1x128xf32>
      %add3A_179 = vector.broadcast %get3A_178 : vector<1x128xf32> to vector<512x128xf32>
      %add3A_180 = arith.addf %add3A_175, %add3A_179 : vector<512x128xf32>
      %max3A_181 = arith.constant 0.000000e+00 : f32
      %max3A_182 = vector.broadcast %max3A_181 : f32 to vector<512x128xf32>
      %max3A_183 = arith.maximumf %add3A_180, %max3A_182 : vector<512x128xf32>
      %swap3A_184 = arith.constant 2048 : index
      %swap3A_185 = arith.constant 0 : index
      %swap3A_186 = vector.load %arg8[%swap3A_184, %swap3A_185] : memref<2560x128xf32, #tpu.memory_space<vmem>>, vector<512x128xf32>
      tpu.vector_store %arg8[%swap3A_184, %swap3A_185], %max3A_183 {strides = array<i32>} : memref<2560x128xf32, #tpu.memory_space<vmem>>, vector<512x128xf32>,
      %swap3A_187 = arith.constant 2048 : index
      %swap3A_188 = arith.constant 0 : index
      %swap3A_189 = vector.load %arg6[%swap3A_187, %swap3A_188] : memref<2560x128xf32, #tpu.memory_space<vmem>>, vector<512x128xf32>
      tpu.vector_store %arg6[%swap3A_187, %swap3A_188], %max3A_183 {strides = array<i32>} : memref<2560x128xf32, #tpu.memory_space<vmem>>, vector<512x128xf32>,
    } else {
    }
    %get3A = arith.constant 0 : index
    %get3A_2 = arith.constant 0 : index
    %get3A_3 = vector.load %arg8[%get3A, %get3A_2] : memref<2560x128xf32, #tpu.memory_space<vmem>>, vector<2560x128xf32>
    %get3A_4 = arith.constant 0 : index
    %get3A_5 = arith.constant 0 : index
    %get3A_6 = arith.constant 0 : index
    %get3A_7 = vector.load %arg5[%get3A_4, %get3A_5, %get3A_6] : memref<1x32x32xf32, #tpu.memory_space<vmem>>, vector<1x32x32xf32>
    %get3A_8 = vector.shape_cast %get3A_7 : vector<1x32x32xf32> to vector<32x32xf32>
    %broadcast_in_dim3A = arith.constant 0.000000e+00 : f32
    %broadcast_in_dim3A_9 = vector.broadcast %broadcast_in_dim3A : f32 to vector<32x32xf32>
    %concatenate3A = tpu.concatenate %get3A_8, %broadcast_in_dim3A_9, %broadcast_in_dim3A_9, %broadcast_in_dim3A_9 in 1 : vector<32x32xf32>, vector<32x32xf32>, vector<32x32xf32>, vector<32x32xf32> -> vector<32x128xf32>
    %concatenate3A_10 = tpu.concatenate %broadcast_in_dim3A_9, %get3A_8, %broadcast_in_dim3A_9, %broadcast_in_dim3A_9 in 1 : vector<32x32xf32>, vector<32x32xf32>, vector<32x32xf32>, vector<32x32xf32> -> vector<32x128xf32>
    %concatenate3A_11 = tpu.concatenate %broadcast_in_dim3A_9, %broadcast_in_dim3A_9, %get3A_8, %broadcast_in_dim3A_9 in 1 : vector<32x32xf32>, vector<32x32xf32>, vector<32x32xf32>, vector<32x32xf32> -> vector<32x128xf32>
    %concatenate3A_12 = tpu.concatenate %broadcast_in_dim3A_9, %broadcast_in_dim3A_9, %broadcast_in_dim3A_9, %get3A_8 in 1 : vector<32x32xf32>, vector<32x32xf32>, vector<32x32xf32>, vector<32x32xf32> -> vector<32x128xf32>
    %concatenate3A_13 = tpu.concatenate %concatenate3A, %concatenate3A_10, %concatenate3A_11, %concatenate3A_12 in 0 : vector<32x128xf32>, vector<32x128xf32>, vector<32x128xf32>, vector<32x128xf32> -> vector<128x128xf32>
    %dot_general3A = arith.constant dense<0.000000e+00> : vector<2560x128xf32>
    %dot_general3A_14 = tpu.matmul %get3A_3, %concatenate3A_13, %dot_general3A {dimension_numbers = #tpu.dot_dimension_numbers<[1], [0], [0], [1], [0, 0, 1, 1], [], []>, precision = #tpu.contract_precision<fp32>, transpose_lhs_hint = false} : vector<2560x128xf32>, vector<128x128xf32>, vector<2560x128xf32> -> vector<2560x128xf32>
    %swap3A = arith.constant 0 : index
    %swap3A_15 = arith.constant 0 : index
    %swap3A_16 = vector.load %arg7[%swap3A, %swap3A_15] : memref<2560x128xf32, #tpu.memory_space<vmem>>, vector<2560x128xf32>
    tpu.vector_store %arg7[%swap3A, %swap3A_15], %dot_general3A_14 {strides = array<i32>} : memref<2560x128xf32, #tpu.memory_space<vmem>>, vector<2560x128xf32>,
    return
  }
  func.func @transform_0(%arg0: i32) -> (i32, i32, i32) {
    %c0_i32 = arith.constant 0 : i32
    %c0_i32_0 = arith.constant 0 : i32
    %c0_i32_1 = arith.constant 0 : i32
    %c0_i32_2 = arith.constant 0 : i32
    return %c0_i32, %c0_i32_0, %c0_i32_1 : i32, i32, i32
  }
  func.func @transform_1(%arg0: i32) -> (i32, i32) {
    %c0_i32 = arith.constant 0 : i32
    %c0_i32_0 = arith.constant 0 : i32
    %c0_i32_1 = arith.constant 0 : i32
    return %c0_i32, %c0_i32_0 : i32, i32
  }
  func.func @transform_2(%arg0: i32) -> (i32, i32) {
    %c0_i32 = arith.constant 0 : i32
    %c0_i32_0 = arith.constant 0 : i32
    %c0_i32_1 = arith.constant 0 : i32
    return %c0_i32, %c0_i32_0 : i32, i32
  }
  func.func @transform_3(%arg0: i32) -> (i32, i32) {
    %c0_i32 = arith.constant 0 : i32
    %c0_i32_0 = arith.constant 0 : i32
    %c0_i32_1 = arith.constant 0 : i32
    return %c0_i32, %c0_i32_0 : i32, i32
  }
  func.func @transform_4(%arg0: i32) -> (i32, i32, i32) {
    %c0_i32 = arith.constant 0 : i32
    %c0_i32_0 = arith.constant 0 : i32
    %c0_i32_1 = arith.constant 0 : i32
    return %arg0, %c0_i32, %c0_i32_0 : i32, i32, i32
  }
  func.func @transform_5(%arg0: i32) -> (i32, i32) {
    %c0_i32 = arith.constant 0 : i32
    %c0_i32_0 = arith.constant 0 : i32
    %c0_i32_1 = arith.constant 0 : i32
    return %c0_i32, %c0_i32_0 : i32, i32
  }
  func.func @transform_6(%arg0: i32) -> (i32, i32) {
    %c0_i32 = arith.constant 0 : i32
    %c0_i32_0 = arith.constant 0 : i32
    return %arg0, %c0_i32 : i32, i32
  }
}

module attributes {stable_mosaic.version = 14 : i64} {
  func.func @_final_body(%arg0: i32, %arg1: memref<1x512x128xf32, #tpu.memory_space<vmem>>, %arg2: memref<512x128xf32, #tpu.memory_space<vmem>>, %arg3: memref<32x32xf32, #tpu.memory_space<vmem>>, %arg4: memref<1x128xf32, #tpu.memory_space<vmem>>, %arg5: memref<32x1xf32, #tpu.memory_space<vmem>>, %arg6: memref<1x1xf32, #tpu.memory_space<vmem>>, %arg7: memref<512x4xf32, #tpu.memory_space<vmem>>, %arg8: memref<1x4x512xi32, #tpu.memory_space<vmem>>, %arg9: memref<256x1xf32, #tpu.memory_space<vmem>>) attributes {dimension_semantics = [#tpu.dimension_semantics<arbitrary>], iteration_bounds = array<i64: 5>, scalar_prefetch = 0 : i64, scratch_operands = 0 : i64, tpu.core_type = #tpu.core_type<tc>, window_params = [{transform_indices = @transform_0, window_bounds = array<i64: 1, 512, 128>}, {transform_indices = @transform_1, window_bounds = array<i64: 512, 128>}, {pipeline_mode = #tpu.pipeline_mode<synchronous>, transform_indices = @transform_2, window_bounds = array<i64: 32, 32>}, {pipeline_mode = #tpu.pipeline_mode<synchronous>, transform_indices = @transform_3, window_bounds = array<i64: 1, 128>}, {pipeline_mode = #tpu.pipeline_mode<synchronous>, transform_indices = @transform_4, window_bounds = array<i64: 32, 1>}, {pipeline_mode = #tpu.pipeline_mode<synchronous>, transform_indices = @transform_5, window_bounds = array<i64: 1, 1>}, {transform_indices = @transform_6, window_bounds = array<i64: 512, 4>}, {transform_indices = @transform_7, window_bounds = array<i64: 1, 4, 512>}, {pipeline_mode = #tpu.pipeline_mode<synchronous>, transform_indices = @transform_8, window_bounds = array<i64: 256, 1>}]} {
    %get3A = arith.constant 0 : index
    %get3A_0 = arith.constant 0 : index
    %get3A_1 = vector.load %arg2[%get3A, %get3A_0] : memref<512x128xf32, #tpu.memory_space<vmem>>, vector<512x128xf32>
    %get3A_2 = arith.constant 0 : index
    %get3A_3 = arith.constant 0 : index
    %get3A_4 = arith.constant 0 : index
    %get3A_5 = vector.load %arg1[%get3A_2, %get3A_3, %get3A_4] : memref<1x512x128xf32, #tpu.memory_space<vmem>>, vector<1x512x128xf32>
    %get3A_6 = vector.shape_cast %get3A_5 : vector<1x512x128xf32> to vector<512x128xf32>
    %get3A_7 = arith.constant 0 : index
    %get3A_8 = arith.constant 0 : index
    %get3A_9 = vector.load %arg3[%get3A_7, %get3A_8] : memref<32x32xf32, #tpu.memory_space<vmem>>, vector<32x32xf32>
    %broadcast_in_dim3A = arith.constant 0.000000e+00 : f32
    %broadcast_in_dim3A_10 = vector.broadcast %broadcast_in_dim3A : f32 to vector<32x32xf32>
    %concatenate3A = tpu.concatenate %get3A_9, %broadcast_in_dim3A_10, %broadcast_in_dim3A_10, %broadcast_in_dim3A_10 in 1 : vector<32x32xf32>, vector<32x32xf32>, vector<32x32xf32>, vector<32x32xf32> -> vector<32x128xf32>
    %concatenate3A_11 = tpu.concatenate %broadcast_in_dim3A_10, %get3A_9, %broadcast_in_dim3A_10, %broadcast_in_dim3A_10 in 1 : vector<32x32xf32>, vector<32x32xf32>, vector<32x32xf32>, vector<32x32xf32> -> vector<32x128xf32>
    %concatenate3A_12 = tpu.concatenate %broadcast_in_dim3A_10, %broadcast_in_dim3A_10, %get3A_9, %broadcast_in_dim3A_10 in 1 : vector<32x32xf32>, vector<32x32xf32>, vector<32x32xf32>, vector<32x32xf32> -> vector<32x128xf32>
    %concatenate3A_13 = tpu.concatenate %broadcast_in_dim3A_10, %broadcast_in_dim3A_10, %broadcast_in_dim3A_10, %get3A_9 in 1 : vector<32x32xf32>, vector<32x32xf32>, vector<32x32xf32>, vector<32x32xf32> -> vector<32x128xf32>
    %concatenate3A_14 = tpu.concatenate %concatenate3A, %concatenate3A_11, %concatenate3A_12, %concatenate3A_13 in 0 : vector<32x128xf32>, vector<32x128xf32>, vector<32x128xf32>, vector<32x128xf32> -> vector<128x128xf32>
    %dot_general3A = arith.constant dense<0.000000e+00> : vector<512x128xf32>
    %dot_general3A_15 = tpu.matmul %get3A_1, %concatenate3A_14, %dot_general3A {dimension_numbers = #tpu.dot_dimension_numbers<[1], [0], [0], [1], [0, 0, 1, 1], [], []>, precision = #tpu.contract_precision<fp32>, transpose_lhs_hint = false} : vector<512x128xf32>, vector<128x128xf32>, vector<512x128xf32> -> vector<512x128xf32>
    %add3A = arith.addf %get3A_6, %dot_general3A_15 : vector<512x128xf32>
    %get3A_16 = arith.constant 0 : index
    %get3A_17 = arith.constant 0 : index
    %get3A_18 = vector.load %arg4[%get3A_16, %get3A_17] : memref<1x128xf32, #tpu.memory_space<vmem>>, vector<1x128xf32>
    %add3A_19 = vector.broadcast %get3A_18 : vector<1x128xf32> to vector<512x128xf32>
    %add3A_20 = arith.addf %add3A, %add3A_19 : vector<512x128xf32>
    %max3A = arith.constant 0.000000e+00 : f32
    %max3A_21 = vector.broadcast %max3A : f32 to vector<512x128xf32>
    %max3A_22 = arith.maximumf %add3A_20, %max3A_21 : vector<512x128xf32>
    %add3A_23 = arith.addf %get3A_1, %max3A_22 : vector<512x128xf32>
    %broadcast_in_dim3A_24 = arith.constant 0.000000e+00 : f32
    %broadcast_in_dim3A_25 = vector.broadcast %broadcast_in_dim3A_24 : f32 to vector<32x1xf32>
    %get3A_26 = arith.constant 0 : index
    %get3A_27 = arith.constant 0 : index
    %get3A_28 = vector.load %arg5[%get3A_26, %get3A_27] : memref<32x1xf32, #tpu.memory_space<vmem>>, vector<32x1xf32>
    %concatenate3A_29 = tpu.concatenate %get3A_28, %broadcast_in_dim3A_25, %broadcast_in_dim3A_25, %broadcast_in_dim3A_25 in 0 : vector<32x1xf32>, vector<32x1xf32>, vector<32x1xf32>, vector<32x1xf32> -> vector<128x1xf32>
    %get3A_30 = arith.constant 0 : index
    %get3A_31 = arith.constant 0 : index
    %get3A_32 = vector.load %arg5[%get3A_30, %get3A_31] : memref<32x1xf32, #tpu.memory_space<vmem>>, vector<32x1xf32>
    %concatenate3A_33 = tpu.concatenate %broadcast_in_dim3A_25, %get3A_32, %broadcast_in_dim3A_25, %broadcast_in_dim3A_25 in 0 : vector<32x1xf32>, vector<32x1xf32>, vector<32x1xf32>, vector<32x1xf32> -> vector<128x1xf32>
    %get3A_34 = arith.constant 0 : index
    %get3A_35 = arith.constant 0 : index
    %get3A_36 = vector.load %arg5[%get3A_34, %get3A_35] : memref<32x1xf32, #tpu.memory_space<vmem>>, vector<32x1xf32>
    %concatenate3A_37 = tpu.concatenate %broadcast_in_dim3A_25, %broadcast_in_dim3A_25, %get3A_36, %broadcast_in_dim3A_25 in 0 : vector<32x1xf32>, vector<32x1xf32>, vector<32x1xf32>, vector<32x1xf32> -> vector<128x1xf32>
    %get3A_38 = arith.constant 0 : index
    %get3A_39 = arith.constant 0 : index
    %get3A_40 = vector.load %arg5[%get3A_38, %get3A_39] : memref<32x1xf32, #tpu.memory_space<vmem>>, vector<32x1xf32>
    %concatenate3A_41 = tpu.concatenate %broadcast_in_dim3A_25, %broadcast_in_dim3A_25, %broadcast_in_dim3A_25, %get3A_40 in 0 : vector<32x1xf32>, vector<32x1xf32>, vector<32x1xf32>, vector<32x1xf32> -> vector<128x1xf32>
    %concatenate3A_42 = tpu.concatenate %concatenate3A_29, %concatenate3A_33, %concatenate3A_37, %concatenate3A_41 in 1 : vector<128x1xf32>, vector<128x1xf32>, vector<128x1xf32>, vector<128x1xf32> -> vector<128x4xf32>
    %get3A_43 = arith.constant 0 : index
    %get3A_44 = arith.constant 0 : index
    %get3A_45 = vector.load %arg7[%get3A_43, %get3A_44] : memref<512x4xf32, #tpu.memory_space<vmem>>, vector<512x4xf32>
    %dot_general3A_46 = arith.constant dense<0.000000e+00> : vector<512x4xf32>
    %dot_general3A_47 = tpu.matmul %add3A_23, %concatenate3A_42, %dot_general3A_46 {dimension_numbers = #tpu.dot_dimension_numbers<[1], [0], [0], [1], [0, 0, 1, 1], [], []>, precision = #tpu.contract_precision<fp32>, transpose_lhs_hint = false} : vector<512x128xf32>, vector<128x4xf32>, vector<512x4xf32> -> vector<512x4xf32>
    %add3A_48 = arith.addf %get3A_45, %dot_general3A_47 : vector<512x4xf32>
    %get3A_49 = arith.constant 0 : index
    %get3A_50 = arith.constant 0 : index
    %get3A_51 = vector.load %arg6[%get3A_49, %get3A_50] : memref<1x1xf32, #tpu.memory_space<vmem>>, vector<1x1xf32>
    %add3A_52 = vector.broadcast %get3A_51 : vector<1x1xf32> to vector<512x4xf32>
    %add3A_53 = arith.addf %add3A_48, %add3A_52 : vector<512x4xf32>
    %broadcast_in_dim3A_54 = arith.constant 0.000000e+00 : f32
    %broadcast_in_dim3A_55 = vector.broadcast %broadcast_in_dim3A_54 : f32 to vector<256x1xf32>
    %iota3A = tpu.iota {dimensions = array<i32: 0>} : vector<256x512xi32>
    %get3A_56 = arith.constant 0 : index
    %get3A_57 = arith.constant 0 : index
    %get3A_58 = arith.constant 0 : index
    %get3A_59 = vector.load %arg8[%get3A_56, %get3A_57, %get3A_58] : memref<1x4x512xi32, #tpu.memory_space<vmem>>, vector<1x1x512xi32>
    %get3A_60 = vector.shape_cast %get3A_59 : vector<1x1x512xi32> to vector<512xi32>
    %broadcast_in_dim3A_61 = vector.shape_cast %get3A_60 : vector<512xi32> to vector<1x512xi32>
    %eq3A = vector.broadcast %broadcast_in_dim3A_61 : vector<1x512xi32> to vector<256x512xi32>
    %eq3A_62 = arith.cmpi eq, %iota3A, %eq3A : vector<256x512xi32>
    %convert_element_type3A = arith.extui %eq3A_62 : vector<256x512xi1> to vector<256x512xi32>
    %convert_element_type3A_63 = arith.sitofp %convert_element_type3A : vector<256x512xi32> to vector<256x512xf32>
    %slice3A = vector.extract_strided_slice %add3A_53 {offsets = [0, 0], sizes = [512, 1], strides = [1, 1]} : vector<512x4xf32> to vector<512x1xf32>
    %dot_general3A_64 = arith.constant dense<0.000000e+00> : vector<256x1xf32>
    %dot_general3A_65 = tpu.matmul %convert_element_type3A_63, %slice3A, %dot_general3A_64 {dimension_numbers = #tpu.dot_dimension_numbers<[1], [0], [0], [1], [0, 0, 1, 1], [], []>, precision = #tpu.contract_precision<fp32>, transpose_lhs_hint = false} : vector<256x512xf32>, vector<512x1xf32>, vector<256x1xf32> -> vector<256x1xf32>
    %add3A_66 = arith.addf %broadcast_in_dim3A_55, %dot_general3A_65 : vector<256x1xf32>
    %iota3A_67 = tpu.iota {dimensions = array<i32: 0>} : vector<256x512xi32>
    %get3A_68 = arith.constant 0 : index
    %get3A_69 = arith.constant 1 : index
    %get3A_70 = arith.constant 0 : index
    %get3A_71 = vector.load %arg8[%get3A_68, %get3A_69, %get3A_70] : memref<1x4x512xi32, #tpu.memory_space<vmem>>, vector<1x1x512xi32>
    %get3A_72 = vector.shape_cast %get3A_71 : vector<1x1x512xi32> to vector<512xi32>
    %broadcast_in_dim3A_73 = vector.shape_cast %get3A_72 : vector<512xi32> to vector<1x512xi32>
    %eq3A_74 = vector.broadcast %broadcast_in_dim3A_73 : vector<1x512xi32> to vector<256x512xi32>
    %eq3A_75 = arith.cmpi eq, %iota3A_67, %eq3A_74 : vector<256x512xi32>
    %convert_element_type3A_76 = arith.extui %eq3A_75 : vector<256x512xi1> to vector<256x512xi32>
    %convert_element_type3A_77 = arith.sitofp %convert_element_type3A_76 : vector<256x512xi32> to vector<256x512xf32>
    %slice3A_78 = vector.extract_strided_slice %add3A_53 {offsets = [0, 1], sizes = [512, 1], strides = [1, 1]} : vector<512x4xf32> to vector<512x1xf32>
    %dot_general3A_79 = arith.constant dense<0.000000e+00> : vector<256x1xf32>
    %dot_general3A_80 = tpu.matmul %convert_element_type3A_77, %slice3A_78, %dot_general3A_79 {dimension_numbers = #tpu.dot_dimension_numbers<[1], [0], [0], [1], [0, 0, 1, 1], [], []>, precision = #tpu.contract_precision<fp32>, transpose_lhs_hint = false} : vector<256x512xf32>, vector<512x1xf32>, vector<256x1xf32> -> vector<256x1xf32>
    %add3A_81 = arith.addf %add3A_66, %dot_general3A_80 : vector<256x1xf32>
    %iota3A_82 = tpu.iota {dimensions = array<i32: 0>} : vector<256x512xi32>
    %get3A_83 = arith.constant 0 : index
    %get3A_84 = arith.constant 2 : index
    %get3A_85 = arith.constant 0 : index
    %get3A_86 = vector.load %arg8[%get3A_83, %get3A_84, %get3A_85] : memref<1x4x512xi32, #tpu.memory_space<vmem>>, vector<1x1x512xi32>
    %get3A_87 = vector.shape_cast %get3A_86 : vector<1x1x512xi32> to vector<512xi32>
    %broadcast_in_dim3A_88 = vector.shape_cast %get3A_87 : vector<512xi32> to vector<1x512xi32>
    %eq3A_89 = vector.broadcast %broadcast_in_dim3A_88 : vector<1x512xi32> to vector<256x512xi32>
    %eq3A_90 = arith.cmpi eq, %iota3A_82, %eq3A_89 : vector<256x512xi32>
    %convert_element_type3A_91 = arith.extui %eq3A_90 : vector<256x512xi1> to vector<256x512xi32>
    %convert_element_type3A_92 = arith.sitofp %convert_element_type3A_91 : vector<256x512xi32> to vector<256x512xf32>
    %slice3A_93 = vector.extract_strided_slice %add3A_53 {offsets = [0, 2], sizes = [512, 1], strides = [1, 1]} : vector<512x4xf32> to vector<512x1xf32>
    %dot_general3A_94 = arith.constant dense<0.000000e+00> : vector<256x1xf32>
    %dot_general3A_95 = tpu.matmul %convert_element_type3A_92, %slice3A_93, %dot_general3A_94 {dimension_numbers = #tpu.dot_dimension_numbers<[1], [0], [0], [1], [0, 0, 1, 1], [], []>, precision = #tpu.contract_precision<fp32>, transpose_lhs_hint = false} : vector<256x512xf32>, vector<512x1xf32>, vector<256x1xf32> -> vector<256x1xf32>
    %add3A_96 = arith.addf %add3A_81, %dot_general3A_95 : vector<256x1xf32>
    %iota3A_97 = tpu.iota {dimensions = array<i32: 0>} : vector<256x512xi32>
    %get3A_98 = arith.constant 0 : index
    %get3A_99 = arith.constant 3 : index
    %get3A_100 = arith.constant 0 : index
    %get3A_101 = vector.load %arg8[%get3A_98, %get3A_99, %get3A_100] : memref<1x4x512xi32, #tpu.memory_space<vmem>>, vector<1x1x512xi32>
    %get3A_102 = vector.shape_cast %get3A_101 : vector<1x1x512xi32> to vector<512xi32>
    %broadcast_in_dim3A_103 = vector.shape_cast %get3A_102 : vector<512xi32> to vector<1x512xi32>
    %eq3A_104 = vector.broadcast %broadcast_in_dim3A_103 : vector<1x512xi32> to vector<256x512xi32>
    %eq3A_105 = arith.cmpi eq, %iota3A_97, %eq3A_104 : vector<256x512xi32>
    %convert_element_type3A_106 = arith.extui %eq3A_105 : vector<256x512xi1> to vector<256x512xi32>
    %convert_element_type3A_107 = arith.sitofp %convert_element_type3A_106 : vector<256x512xi32> to vector<256x512xf32>
    %slice3A_108 = vector.extract_strided_slice %add3A_53 {offsets = [0, 3], sizes = [512, 1], strides = [1, 1]} : vector<512x4xf32> to vector<512x1xf32>
    %dot_general3A_109 = arith.constant dense<0.000000e+00> : vector<256x1xf32>
    %dot_general3A_110 = tpu.matmul %convert_element_type3A_107, %slice3A_108, %dot_general3A_109 {dimension_numbers = #tpu.dot_dimension_numbers<[1], [0], [0], [1], [0, 0, 1, 1], [], []>, precision = #tpu.contract_precision<fp32>, transpose_lhs_hint = false} : vector<256x512xf32>, vector<512x1xf32>, vector<256x1xf32> -> vector<256x1xf32>
    %add3A_111 = arith.addf %add3A_96, %dot_general3A_110 : vector<256x1xf32>
    %eq3A_112 = arith.constant 0 : i32
    %eq3A_113 = arith.cmpi eq, %arg0, %eq3A_112 : i32
    %convert_element_type3A_114 = arith.extui %eq3A_113 : i1 to i32
    %cond3A = arith.constant 0 : i32
    %cond3A_115 = arith.cmpi ne, %convert_element_type3A_114, %cond3A : i32
    scf.if %cond3A_115 {
      %broadcast_in_dim3A_122 = arith.constant 0.000000e+00 : f32
      %broadcast_in_dim3A_123 = vector.broadcast %broadcast_in_dim3A_122 : f32 to vector<256x1xf32>
      %swap3A_124 = arith.constant 0 : index
      %swap3A_125 = arith.constant 0 : index
      %swap3A_126 = vector.load %arg9[%swap3A_124, %swap3A_125] : memref<256x1xf32, #tpu.memory_space<vmem>>, vector<256x1xf32>
      tpu.vector_store %arg9[%swap3A_124, %swap3A_125], %broadcast_in_dim3A_123 {strides = array<i32>} : memref<256x1xf32, #tpu.memory_space<vmem>>, vector<256x1xf32>,
    } else {
    }
    %get3A_116 = arith.constant 0 : index
    %get3A_117 = arith.constant 0 : index
    %get3A_118 = vector.load %arg9[%get3A_116, %get3A_117] : memref<256x1xf32, #tpu.memory_space<vmem>>, vector<256x1xf32>
    %add3A_119 = arith.addf %get3A_118, %add3A_111 : vector<256x1xf32>
    %swap3A = arith.constant 0 : index
    %swap3A_120 = arith.constant 0 : index
    %swap3A_121 = vector.load %arg9[%swap3A, %swap3A_120] : memref<256x1xf32, #tpu.memory_space<vmem>>, vector<256x1xf32>
    tpu.vector_store %arg9[%swap3A, %swap3A_120], %add3A_119 {strides = array<i32>} : memref<256x1xf32, #tpu.memory_space<vmem>>, vector<256x1xf32>,
    return
  }
  func.func @transform_0(%arg0: i32) -> (i32, i32, i32) {
    %c0_i32 = arith.constant 0 : i32
    %c0_i32_0 = arith.constant 0 : i32
    %c0_i32_1 = arith.constant 0 : i32
    return %c0_i32, %arg0, %c0_i32_0 : i32, i32, i32
  }
  func.func @transform_1(%arg0: i32) -> (i32, i32) {
    %c0_i32 = arith.constant 0 : i32
    %c0_i32_0 = arith.constant 0 : i32
    return %arg0, %c0_i32 : i32, i32
  }
  func.func @transform_2(%arg0: i32) -> (i32, i32) {
    %c0_i32 = arith.constant 0 : i32
    %c0_i32_0 = arith.constant 0 : i32
    %c0_i32_1 = arith.constant 0 : i32
    return %c0_i32, %c0_i32_0 : i32, i32
  }
  func.func @transform_3(%arg0: i32) -> (i32, i32) {
    %c0_i32 = arith.constant 0 : i32
    %c0_i32_0 = arith.constant 0 : i32
    %c0_i32_1 = arith.constant 0 : i32
    return %c0_i32, %c0_i32_0 : i32, i32
  }
  func.func @transform_4(%arg0: i32) -> (i32, i32) {
    %c0_i32 = arith.constant 0 : i32
    %c0_i32_0 = arith.constant 0 : i32
    %c0_i32_1 = arith.constant 0 : i32
    return %c0_i32, %c0_i32_0 : i32, i32
  }
  func.func @transform_5(%arg0: i32) -> (i32, i32) {
    %c0_i32 = arith.constant 0 : i32
    %c0_i32_0 = arith.constant 0 : i32
    %c0_i32_1 = arith.constant 0 : i32
    return %c0_i32, %c0_i32_0 : i32, i32
  }
  func.func @transform_6(%arg0: i32) -> (i32, i32) {
    %c0_i32 = arith.constant 0 : i32
    %c0_i32_0 = arith.constant 0 : i32
    return %arg0, %c0_i32 : i32, i32
  }
  func.func @transform_7(%arg0: i32) -> (i32, i32, i32) {
    %c0_i32 = arith.constant 0 : i32
    %c0_i32_0 = arith.constant 0 : i32
    %c0_i32_1 = arith.constant 0 : i32
    return %arg0, %c0_i32, %c0_i32_0 : i32, i32, i32
  }
  func.func @transform_8(%arg0: i32) -> (i32, i32) {
    %c0_i32 = arith.constant 0 : i32
    %c0_i32_0 = arith.constant 0 : i32
    %c0_i32_1 = arith.constant 0 : i32
    return %c0_i32, %c0_i32_0 : i32, i32
  }
}

</mosaic_0001>

<sc_bundles>
// kernel: kernel.11.cloned.1.call-start
scs
__scs_entry_jumppad:
0x0: {  	(pc) =	sbr.rel $0x88, $3  }
0x1: {  	(tag) =	ssettag $0x0;
	lr =	simm.s32 $0x1  }
0x2: {  	[smem:$0x3F90] =	sst lr;
	_ =	strace $0xD0000000  }
0x3: {  	_ = 	snop  }
0x4: {  	_ = 	snop  }
0x5: {  	_ = 	snop  }
0x6: {  	_ = 	snop  }
0x7: {  	_ = 	snop  }
__scs_overlays_trampoline_lowered:
0x8: {  	[smem:$0x3F9F] =	sst s0  }
0x9: {  	[smem:$0x3FA0] =	sst s1  }
0xa: {  	[smem:$0x3FA1] =	sst s2  }
0xb: {  	[smem:$0x3FA2] =	sst s3  }
0xc: {  	[smem:$0x3FA3] =	sst s4  }
0xd: {  	[smem:$0x3FA4] =	sst s5  }
0xe: {  	[smem:$0x3FA5] =	sst s6  }
0xf: {  	[smem:$0x3FA6] =	sst s7  }
0x10: {  	[smem:$0x3FA7] =	sst s8  }
0x11: {  	[smem:$0x3FA8] =	sst s9;
	s0 =	simm.s32 @!p0 $0x0  }
0x12: {  	s1 =	sld [smem:$0x3F8E];
	s0 =	simm.s32 @p0 $0x1  }
0x13: {  	[smem:$0x3FA9] =	sst s0;
	s0 =	simm.s32 @!p1 $0x0  }
0x14: {  	s2 =	sld [smem:$0x3F8D];
	s0 =	simm.s32 @p1 $0x1  }
0x15: {  	[smem:$0x3FAA] =	sst s0;
	s0 =	simm.s32 @!p2 $0x0  }
0x16: {  	s3 =	sld [smem:$0x3FDB];
	s0 =	simm.s32 @p2 $0x1  }
0x17: {  	s4 =	simm.s32 $0x1BF5;
	[smem:$0x3FAC] =	sst s0  }
0x18: {  	s0 =	sld [smem:$0x3F8F];
	_ =	swait.ge [sflag:s4], $0x0  }
0x19: {  	s7 =	sld [smem:$0x3F90]  }
0x1a: {  	s8 =	sadd.s32 $0xFFFFE003, lr  }
0x1b: {  	s9 =	sadd.s32 $0xFFFFFEF7, lr;
	s5 =	simm.s32 $0xFFFFFFFF;
	p2 =	slt.u32 s8, $0xFFFFF086  }
0x1c: {  	p1 =	slt.u32 s9, $0xF7A;
	s5 =	simm.s32 @!p2 $0x0  }
0x1d: {  	s5 =	simm.s32 @p1 $0x1;
	p0 =	seq.s32 s7, s2  }
0x1e: {  	s7 =	smul.u32 @!p0 $0xF7A, s2;
	p2 =	seq.s32 @!p0 s5, $0x0  }
0x1f: {  	s9 =	smul.u32 $0xF7A, s1;
	s8 =	simm.s32 @!p0 $0x1BF5;
	p2 =	por !p2, p0  }
0x20: {  	[sflag:s8] =	ssyncset.s32 @!p0 $0xFFFFF086;
	s6 =	sadd.s32 @!p0 s3, s7;
	s7 =	simm.s32 @!p0 $0x108  }
0x21: {  	s3 =	sadd.s32 s3, s9;
	s6 =	sadd.s32 @!p0 $0x88, s6;
	s7 =	simm.s32 @p2 $0x1082  }
0x22: {  	[simem:s7], [sflag:s8] =	dma.local @!p0 [hbm:s6], $0xF7A  }
0x23: {  	s9 =	sor.u32 $0xD0000000, s2;
	s6 =	simm.s32 $0x108;
	_ =	swait.ge @!p0 [sflag:s8], $0x0  }
0x24: {  	s3 =	sadd.s32 $0x88, s3;
	s6 =	simm.s32 @!p1 $0x1082;
	[sflag:s4] =	ssyncset.s32 $0xFFFFF086  }
0x25: {  	[simem:s6], [sflag:s4] =	dma.local [hbm:s3], $0xF7A  }
0x26: {  	[smem:$0x3F90] =	sst s1;
	(tag) =	ssettag s2;
	_ =	strace s9  }
0x27: {  	s1 =	sld [smem:$0x3FA0]  }
0x28: {  	s2 =	sld [smem:$0x3FA1]  }
0x29: {  	s4 =	sld [smem:$0x3FA3]  }
0x2a: {  	p0 =	seq.s32 s5, $0x0;
	s5 =	sld [smem:$0x3FA4]  }
0x2b: {  	s6 =	sld [smem:$0x3FA5]  }
0x2c: {  	s7 =	sld [smem:$0x3FA6]  }
0x2d: {  	s3 =	simm.s32 $0x108;
	s8 =	sld [smem:$0x3FA7]  }
0x2e: {  	s3 =	simm.s32 @!p0 $0x1082;
	s9 =	sld [smem:$0x3FA8]  }
0x2f: {  	lr =	sadd.s32 s0, s3;
	s0 =	sld [smem:$0x3F9F]  }
0x30: {  	s3 =	sld [smem:$0x3FA2]  }
0x31: {  	[smem:$0x3FAB] =	sst s10  }
0x32: {  	s10 =	sld [smem:$0x3FA9];
	_ =	sdelay $0x3  }
0x33: {  	p0 =	seq.s32 s10, $0x1;
	s10 =	sld [smem:$0x3FAB];
	_ =	sdelay $0x3  }
0x34: {  	[smem:$0x3FAB] =	sst s10  }
0x35: {  	s10 =	sld [smem:$0x3FAA];
	_ =	sdelay $0x3  }
0x36: {  	p1 =	seq.s32 s10, $0x1;
	s10 =	sld [smem:$0x3FAB];
	_ =	sdelay $0x3  }
0x37: {  	[smem:$0x3FAB] =	sst s10  }
0x38: {  	s10 =	sld [smem:$0x3FAC]  }
0x39: {  	_ = 	snop;
	(pc) =	sbr.ind lr, $3  }
0x3a: {  	_ = 	snop  }
0x3b: {  	_ = 	snop  }
0x3c: {  	p2 =	seq.s32 s10, $0x1;
	s10 =	sld [smem:$0x3FAB]  }
0x3d: {  	_ =	shalt  }
0x3e: {  	_ =	shalt  }
0x3f: {  	_ =	shalt  }
0x40: {  	_ =	shalt  }
0x41: {  	_ =	shalt  }
0x42: {  	_ =	shalt  }
0x43: {  	_ =	shalt  }
0x44: {  	_ =	shalt  }
0x45: {  	_ =	shalt  }
0x46: {  	_ =	shalt  }
0x47: {  	_ =	shalt  }
0x48: {  	_ =	shalt  }
0x49: {  	_ =	shalt  }
0x4a: {  	_ =	shalt  }
0x4b: {  	_ =	shalt  }
0x4c: {  	_ =	shalt  }
0x4d: {  	_ =	shalt  }
0x4e: {  	_ =	shalt  }
0x4f: {  	_ =	shalt  }
0x50: {  	_ =	shalt  }
0x51: {  	_ =	shalt  }
0x52: {  	_ =	shalt  }
0x53: {  	_ =	shalt  }
0x54: {  	_ =	shalt  }
0x55: {  	_ =	shalt  }
0x56: {  	_ =	shalt  }
0x57: {  	_ =	shalt  }
0x58: {  	_ =	shalt  }
0x59: {  	_ =	shalt  }
0x5a: {  	_ =	shalt  }
0x5b: {  	_ =	shalt  }
0x5c: {  	_ =	shalt  }
0x5d: {  	_ =	shalt  }
0x5e: {  	_ =	shalt  }
0x5f: {  	_ =	shalt  }
0x60: {  	_ =	shalt  }
0x61: {  	_ =	shalt  }
0x62: {  	_ =	shalt  }
0x63: {  	_ =	shalt  }
0x64: {  	_ =	shalt  }
0x65: {  	_ =	shalt  }
0x66: {  	_ =	shalt  }
0x67: {  	_ =	shalt  }
0x68: {  	_ =	shalt  }
0x69: {  	_ =	shalt  }
0x6a: {  	_ =	shalt  }
0x6b: {  	_ =	shalt  }
0x6c: {  	_ =	shalt  }
0x6d: {  	_ =	shalt  }
0x6e: {  	_ =	shalt  }
0x6f: {  	_ =	shalt  }
0x70: {  	_ =	shalt  }
0x71: {  	_ =	shalt  }
0x72: {  	_ =	shalt  }
0x73: {  	_ =	shalt  }
0x74: {  	_ =	shalt  }
0x75: {  	_ =	shalt  }
0x76: {  	_ =	shalt  }
0x77: {  	_ =	shalt  }
0x78: {  	_ =	shalt  }
0x79: {  	_ =	shalt  }
0x7a: {  	_ =	shalt  }
0x7b: {  	_ =	shalt  }
0x7c: {  	_ =	shalt  }
0x7d: {  	_ =	shalt  }
0x7e: {  	_ =	shalt  }
0x7f: {  	_ =	shalt  }
0x80: {  	_ =	shalt  }
0x81: {  	_ =	shalt  }
0x82: {  	_ =	shalt  }
0x83: {  	_ =	shalt  }
0x84: {  	_ =	shalt  }
0x85: {  	_ =	shalt  }
0x86: {  	_ =	shalt  }
0x87: {  	_ =	shalt  }
.Lfunc_end0:
.L_simem_size_0:
called_computation.1_lowered:
.L_overlay_start_0:
0x88: {  	s2 =	sld [smem:$0x3FD9]  }
0x89: {  	s3 =	sld [smem:$0x3FFE];
	_ =	sdelay $0x1  }
0x8a: {  	s1 =	srdreg.scid  }
0x8b: {  	s0 =	sand.u32 $0x1, s1  }
0x8c: {  	s16 =	sshll.u32 s0, $0xA;
	s2 =	sadd.s32 s3, s2  }
0x8d: {  	s2 =	sadd.s32 s2, s16  }
0x8e: {  	[smem:$0x3FB7] =	sst s2  }
0x8f: {  	_ = 	snop  }
0x90: {  	(tm) =	ssettm $0x1  }
0x91: {  	s17 =	sld [smem:$0x3FFB];
	_ =	sdelay $0x3  }
0x92: {  	_ =	strace s17  }
0x93: {  	s2 =	sld [smem:$0x3FFC];
	_ =	sdelay $0x3  }
0x94: {  	_ =	strace s2  }
0x95: {  	s2 =	sld [smem:$0x3FFD];
	_ =	sdelay $0x3  }
0x96: {  	_ =	strace s2  }
0x97: {  	_ =	strace $0x8FFFFFFF  }
0x98: {  	s18 =	sld [smem:$0x3FDB];
	_ =	sdelay $0x1  }
0x99: {  	s19 =	simm.s32 $_scs_section_size  }
0x9a: {  	s4 =	simm.s32 $_size__tile_overlayer_lowered;
	s5 =	simm.s32 $_tile_overlayer_lowered  }
0x9b: {  	s22 =	simm.s32 $0x1BFF;
	s21 =	sshll.u32 s5, $0x1;
	s2 =	sadd.s32 s19, s18  }
0x9c: {  	s6 =	simm.s32 $0x0;
	s20 =	sshll.u32 s4, $0x1;
	s4 =	sadd.s32 s21, s2  }
0x9d: {  	[timem:s6], [sflag:s22] =	dma.local [hbm:s4], s20  }
0x9e: {  	_ =	swait.ge [sflag:s22], s20  }
0x9f: {  	s3 =	ssub.s32 $0x0, s20;
	[sflag:s22] =	ssyncset.done $0x0  }
0xa0: {  	[sflag:s22] =	ssyncadd.s32 s3;
	_ =	sdelay $0x1  }
0xa1: {  	s23 =	simm.s32 $0x1B8B  }
0xa2: {  	_ =	swait.ge [sflag:s23], $0x1  }
0xa3: {  	[sflag:s23] =	ssyncset.done $0x0  }
0xa4: {  	s25 =	simm.s32 $0x1B8E;
	s24 =	sld [smem:$0x3FFE];
	[sflag:s23] =	ssyncadd.s32 $0xFFFFFFFF  }
0xa5: {  	s26 =	simm.s32 $execute0_lowered;
	[smem:$0x3FD2] =	sst s25  }
0xa6: {  	s4 =	sshll.u32 s26, $0x1;
	_ =	strace $0x80000049;
	[dreg:$0x1] =	wrdreg $0xFFFFFFFF  }
0xa7: {  	s28 =	simm.s32 $_size_execute0_lowered;
	s2 =	sadd.s32 s2, s4;
	[dreg:$0x0] =	wrdreg $0x0  }
0xa8: {  	s4 =	sshll.u32 s28, $0x1;
	[dreg:$0x2] =	wrdreg s2  }
0xa9: {  	[dreg:$0x3] =	wrdreg s4  }
0xaa: {  	[dreg:$0x4] =	wrdreg $0xC0  }
0xab: {  	_ =	task [dreg:s6], $0x5FFFF  }
0xac: {  	[dreg:$0x1] =	wrdreg $0xFFFFFFFF  }
0xad: {  	[dreg:$0x0] =	wrdreg $0x60  }
0xae: {  	[dreg:$0x2] =	wrdreg s24  }
0xaf: {  	[dreg:$0x3] =	wrdreg $0x0  }
0xb0: {  	[dreg:$0x4] =	wrdreg $0x9  }
0xb1: {  	_ =	task.clear_ibuf [dreg:s6], $0x5FFFF;
	_ =	strace $0x90000049  }
0xb2: {  	s29 =	simm.s32 $0x9;
	_ =	strace $0x8000004B  }
0xb3: {  	_ =	swait.ge [sflag:s29], $0x1  }
0xb4: {  	[sflag:s29] =	ssyncadd.s32 $0xFFFFFFFF  }
0xb5: {  	_ =	strace $0x9000004B  }
0xb6: {  	_ =	sfence  }
0xb7: {  	s30 =	sld [smem:$0x0];
	_ =	sdelay $0x2  }
0xb8: {  	s31 =	sshll.u32 s1, $0xD;
	s1 =	sshrl.u32 s1, $0x2  }
0xb9: {  	s3 =	sand.u32 $0x4000, s31;
	s1 =	sadd.s32 s1, s30  }
0xba: {  	s0 =	sor.u32 s3, s0;
	s1 =	sshll.u32 s1, $0x11  }
0xbb: {  	s0 =	sor.u32 s1, s0  }
0xbc: {  	s0 =	sadd.s32 $0x8F2B, s0  }
0xbd: {  	[sflag:s0] =	ssyncadd.remote.s32 $0x1  }
0xbe: {  	_ =	sfence.sel $0xFFFF  }
0xbf: {  	[dreg:$0x0] =	wrdreg $0xFFFFFFFF;
	(pc) =	sbr.abs _section_cstart, $3  }
0xc0: {  	[dreg:$0x1] =	wrdreg $0xFFFFFFFF  }
0xc1: {  	_ =	task.clear_ibuf [dreg:s6], $0x2FFFF;
	_ =	strace $0x9FFFFFFF  }
0xc2: {  	(tm) =	ssettm $0x7FFFFFFF  }
0xc3: {  	_ =	shalt  }
tec
execute0_lowered:
.L_overlay_start_1:
0x0: {  	(tag) =	ssettag $0x1  }
0x1: {  	s0 =	rddreg [dreg:$0x0]  }
0x2: {  	s2 =	rddreg [dreg:$0x1];
	s4 =	stileid.u32;
	s3 =	simm.s32 $0x0  }
0x3: {  	s5 =	srdreg.scid;
	s16 =	simm.s32 $0x3;
	s17 =	simm.s32 $0x5000  }
0x4: {  	s18 =	simm.s32 $0x80;
	s23 =	simm.s32 $0xCF00;
	s24 =	simm.s32 $0x1  }
0x5: {  	s25 =	simm.s32 $0x2;
	s26 =	simm.s32 $0xDF00;
	s1 =	smul.u32 $0x4F0, s4  }
0x6: {  	s28 =	simm.s32 $0x0;
	[smem:$0x7FF] =	sst s3;
	s30 =	smul.u32 $0x5000, s4  }
0x7: {  	s6 =	smul.u32 $0x14000, s4;
	s4 =	sadd.s32 $0x6C00, s0;
	s15 =	sand.u32 $0x1, s5  }
0x8: {  	_ =	strace $0x8000004A;
	s7 =	ssub.s32 $0x2, s15;
	p0 =	sne.s32 s15, $0x0  }
0x9: {  	s15 =	simm.s32 $0x9F00;
	s1 =	sadd.s32 s1, s0;
	s31 =	sshrl.u32 s30, $0x3  }
.Ltmp0:
0xa: {  	s6 =	sshrl.u32 s6, $0x2;
	s8 =	sshrl.u32 s7, $0x1;
	(pc) =	sbr.rel .LBB2_1-.Ltmp0, $4  }
0xb: {  	s12 =	sadd.s32 s30, s2;
	s0 =	sadd.s32 s31, s0;
	s5 =	sadd.s32 s6, s2  }
0xc: {  	s14 =	ssub.s32 s7, s8;
	s10 =	sadd.s32 $0x1C00, s1;
	s11 =	sadd.s32 $0xA6C00, s1  }
0xd: {  	s6 =	sadd.s32 $0x1000, s5;
	s7 =	sadd.s32 $0x2000, s5;
	s8 =	sadd.s32 $0x3000, s5  }
0xe: {  	v0 =	vimm.f32 $0.0e+00;
	s9 =	sadd.s32 $0x4000, s5;
	s13 =	sadd.s32 $0xABC00, s0;
	s14 =	smax.u32 s14, $0x1  }
.LBB2_9:
0xf: {  	[bflag:$0x0] =	sbarrier.arrive $0xFFFF  }
0x10: {  	[bflag:$0x0] =	sbarrier.arrive $0xFFFF  }
.LBB2_7:
0x11: {  	s28 =	sadd.s32 $0x1, s28  }
0x12: {  	p1 =	sne.s32 s28, s14  }
.Ltmp1:
0x13: {  	_ = 	snop;
	(pc) =	sbr.rel @!p1 .LBB2_8-.Ltmp1, $1  }
0x14: {  	_ =	sdelay $0x3  }
.LBB2_1:
.Ltmp2:
0x15: {  	(pc) =	sbr.rel @p0 .LBB2_9-.Ltmp2, $1  }
0x16: {  	_ =	sdelay $0x3  }
0x17: {  	s0 =	simm.s32 $0x80;
	s1 =	simm.s32 $0x0  }
.LBB2_3:
0x18: {  	p1 =	sne.s32 s0, $0x3F80;
	[tilespmem:s1+$0x9F00] =	vst v0;
	s3 =	smov.u32 s0;
	s0 =	sadd.s32 $0x80, s0  }
.Ltmp3:
0x19: {  	[tilespmem:s1+$0x9F10] =	vst v0;
	(pc) =	sbr.rel @p1 .LBB2_3-.Ltmp3, $2  }
0x1a: {  	_ =	sdelay $0x2  }
0x1b: {  	s1 =	sshra.s32 s3, $0x2  }
0x1c: {  	[tilespmem:s1+$0x9F00] =	vst v0  }
0x1d: {  	[tilespmem:s1+$0x9F10] =	vst v0  }
0x1e: {  	[spmem:s5] =	stream.linear.scatter [tilespmem:s15], [sflag:$0x3], $0x1000, $0x38;
	[tilespmem:$0x12F00] =	vst v63  }
0x1f: {  	_ =	swait.ge [sflag:s16], $0x1000  }
0x20: {  	[sflag:s16] =	ssyncset.done $0x0  }
0x21: {  	[sflag:s16] =	ssyncadd.s32 $0xFFFFF000  }
0x22: {  	[spmem:s6] =	stream.linear.scatter [tilespmem:s15], [sflag:$0x3], $0x1000, $0x38;
	[tilespmem:$0x12F00] =	vst v63  }
0x23: {  	_ =	swait.ge [sflag:s16], $0x1000  }
0x24: {  	[sflag:s16] =	ssyncset.done $0x0  }
0x25: {  	[sflag:s16] =	ssyncadd.s32 $0xFFFFF000  }
0x26: {  	[spmem:s7] =	stream.linear.scatter [tilespmem:s15], [sflag:$0x3], $0x1000, $0x38;
	[tilespmem:$0x12F00] =	vst v63  }
0x27: {  	_ =	swait.ge [sflag:s16], $0x1000  }
0x28: {  	[sflag:s16] =	ssyncset.done $0x0  }
0x29: {  	[sflag:s16] =	ssyncadd.s32 $0xFFFFF000  }
0x2a: {  	[spmem:s8] =	stream.linear.scatter [tilespmem:s15], [sflag:$0x3], $0x1000, $0x38;
	[tilespmem:$0x12F00] =	vst v63  }
0x2b: {  	_ =	swait.ge [sflag:s16], $0x1000  }
0x2c: {  	[sflag:s16] =	ssyncset.done $0x0  }
0x2d: {  	[sflag:s16] =	ssyncadd.s32 $0xFFFFF000  }
0x2e: {  	[spmem:s9] =	stream.linear.scatter [tilespmem:s15], [sflag:$0x3], $0x1000, $0x38;
	[tilespmem:$0x12F00] =	vst v63  }
0x2f: {  	_ =	swait.ge [sflag:s16], $0x1000  }
0x30: {  	[sflag:s16] =	ssyncset.done $0x0  }
0x31: {  	[sflag:s16] =	ssyncadd.s32 $0xFFFFF000  }
0x32: {  	s3 =	simm.s32 $0x0;
	[bflag:$0x0] =	sbarrier.arrive $0xFFFF  }
0x33: {  	[tilespmem:s17], [sflag:$0x3] =	stream.linear.gather [hbm4b:s10+s3], $0x2780, $0x38;
	[tilespmem:$0x12F00] =	vst v63  }
0x34: {  	_ =	swait.ge [sflag:s16], $0x2780  }
0x35: {  	[sflag:s16] =	ssyncset.done $0x0  }
0x36: {  	s30 =	simm.s32 $0x7780;
	[sflag:s16] =	ssyncadd.s32 $0xFFFFD880  }
0x37: {  	[tilespmem:s30], [sflag:$0x3] =	stream.linear.gather [hbm4b:s11+s3], $0x2780, $0x38;
	[tilespmem:$0x12F00] =	vst v63  }
0x38: {  	_ =	swait.ge [sflag:s16], $0x2780  }
0x39: {  	[sflag:s16] =	ssyncset.done $0x0  }
0x3a: {  	[sflag:s16] =	ssyncadd.s32 $0xFFFFD880  }
0x3b: {  	[tilespmem:s15], [sflag:$0x1] =	stream.indirect.gather [hbm4b:s4+s18], $0x20, s17, s18, $0xb8;
	[tilespmem:$0x12F00] =	vst v63  }
0x3c: {  	s0 =	simm.s32 $0x5080;
	s19 =	simm.s32 $0xAF00;
	p1 =	por $0x1, $0x1  }
0x3d: {  	[tilespmem:s19], [sflag:$0x1] =	stream.indirect.gather [hbm4b:s4+s18], $0x20, s0, s18, $0xb8;
	[tilespmem:$0x12F00] =	vst v63  }
0x3e: {  	s20 =	simm.s32 $0x5100;
	s21 =	simm.s32 $0xBF00;
	p1 =	por p1, p1  }
0x3f: {  	[tilespmem:s21], [sflag:$0x1] =	stream.indirect.gather [hbm4b:s4+s18], $0x20, s20, s18, $0xb8;
	[tilespmem:$0x12F00] =	vst v63  }
0x40: {  	s29 =	simm.s32 $0x1000;
	s0 =	simm.s32 $0x5180;
	s19 =	simm.s32 @!p1 $0x2  }
0x41: {  	[tilespmem:s23], [sflag:$0x1] =	stream.indirect.gather [hbm4b:s4+s18], $0x20, s0, s18, $0xb8;
	[tilespmem:$0x12F00] =	vst v63  }
0x42: {  	p2 =	por $0x0, $0x0;
	s31 =	simm.s32 @!p1 $0x3000;
	_ =	swait.ge @!p1 [sflag:s19], $0x1000  }
0x43: {  	s1 =	simm.s32 $0x2000;
	s31 =	sand.u32 @!p1 $0x3000, s31;
	[sflag:s19] =	ssyncset.done @!p1 $0x0  }
0x44: {  	s31 =	sadd.s32 @!p1 $0x9F00, s31;
	s20 =	simm.s32 @!p1 $0x80;
	[sflag:s19] =	ssyncadd.s32 @!p1 $0xFFFFF000  }
0x45: {  	[tilespmem:s31], [sflag:$0x1] =	stream.indirect.gather @!p1 [hbm4b:s4+s20], $0x20, s0, s20, $0xb8;
	[tilespmem:$0x12F00] =	vst v63  }
0x46: {  	s22 =	sand.u32 $0x3000, s3;
	s3 =	simm.s32 $0x1;
	_ =	swait.ge [sflag:s24], $0x1000  }
0x47: {  	s19 =	sadd.s32 $0x9F00, s22;
	s0 =	simm.s32 $0x5200;
	[sflag:s24] =	ssyncset.done $0x0  }
0x48: {  	p1 =	por p2, p2;
	s31 =	simm.s32 $0x7800;
	[sflag:s24] =	ssyncadd.s32 $0xFFFFF000  }
.LBB2_5:
0x49: {  	[spmem:s2] =	stream.indirect.scatter.add.f32 [tilespmem:s19], [sflag:$0x2], $0x20, s30, s18, $0xb8;
	[tilespmem:$0x12F00] =	vst v63  }
0x4a: {  	s19 =	smov.u32 s29;
	s29 =	smov.u32 s1;
	s30 =	smov.u32 s31  }
0x4b: {  	p3 =	sgt.u32 s3, $0x4A;
	s21 =	simm.s32 @!p1 $0x2;
	s20 =	sadd.s32 @!p1 $0x3000, s19  }
0x4c: {  	s1 =	sadd.s32 $0x1000, s1;
	s20 =	sand.u32 @!p1 $0x3000, s20;
	_ =	swait.ge @!p1 [sflag:s21], $0x1000  }
0x4d: {  	s22 =	simm.s32 @!p1 $0x80;
	p2 =	seq.s32 s1, $0x4F000;
	[sflag:s21] =	ssyncset.done @!p1 $0x0  }
.Ltmp4:
0x4e: {  	s20 =	sadd.s32 @!p1 $0x9F00, s20;
	[sflag:s21] =	ssyncadd.s32 @!p1 $0xFFFFF000;
	(pc) =	sbr.rel @!p2 .LBB2_5-.Ltmp4, $4  }
0x4f: {  	[tilespmem:s20], [sflag:$0x1] =	stream.indirect.gather @!p1 [hbm4b:s4+s22], $0x20, s0, s22, $0xb8;
	[tilespmem:$0x12F00] =	vst v63  }
0x50: {  	s0 =	sadd.s32 $0x80, s0;
	p1 =	por p3, p3;
	_ =	swait.ge [sflag:s24], $0x1000  }
0x51: {  	s31 =	sadd.s32 $0x80, s31;
	s19 =	sand.u32 $0x3000, s19;
	[sflag:s24] =	ssyncset.done $0x0  }
0x52: {  	s3 =	sadd.s32 $0x1, s3;
	s19 =	sadd.s32 $0x9F00, s19;
	[sflag:s24] =	ssyncadd.s32 $0xFFFFF000  }
0x53: {  	[spmem:s2] =	stream.indirect.scatter.add.f32 [tilespmem:s19], [sflag:$0x2], $0x20, s30, s18, $0xb8;
	[tilespmem:$0x12F00] =	vst v63  }
0x54: {  	s1 =	simm.s32 @!p1 $0x2  }
0x55: {  	s3 =	sadd.s32 @!p1 $0x3000, s29;
	_ =	swait.ge @!p1 [sflag:s1], $0x1000  }
0x56: {  	s3 =	sand.u32 @!p1 $0x3000, s3;
	[sflag:s1] =	ssyncset.done @!p1 $0x0  }
0x57: {  	s19 =	simm.s32 @!p1 $0x80;
	s3 =	sadd.s32 @!p1 $0x9F00, s3;
	[sflag:s1] =	ssyncadd.s32 @!p1 $0xFFFFF000  }
0x58: {  	[tilespmem:s3], [sflag:$0x1] =	stream.indirect.gather @!p1 [hbm4b:s4+s19], $0x20, s0, s19, $0xb8;
	[tilespmem:$0x12F00] =	vst v63  }
0x59: {  	_ =	swait.ge [sflag:s24], $0x1000  }
0x5a: {  	s30 =	sand.u32 $0x3000, s29;
	[sflag:s24] =	ssyncset.done $0x0  }
0x5b: {  	s0 =	sadd.s32 $0x9F00, s30;
	[sflag:s24] =	ssyncadd.s32 $0xFFFFF000  }
0x5c: {  	[spmem:s2] =	stream.indirect.scatter.add.f32 [tilespmem:s0], [sflag:$0x2], $0x20, s31, s18, $0xb8;
	[tilespmem:$0x12F00] =	vst v63  }
0x5d: {  	_ =	swait.ge [sflag:s25], $0x1000  }
0x5e: {  	[sflag:s25] =	ssyncset.done $0x0  }
0x5f: {  	[sflag:s25] =	ssyncadd.s32 $0xFFFFF000  }
0x60: {  	_ =	swait.ge [sflag:s25], $0x1000  }
0x61: {  	[sflag:s25] =	ssyncset.done $0x0  }
0x62: {  	[sflag:s25] =	ssyncadd.s32 $0xFFFFF000  }
0x63: {  	_ =	swait.ge [sflag:s25], $0x1000  }
0x64: {  	[sflag:s25] =	ssyncset.done $0x0  }
0x65: {  	[sflag:s25] =	ssyncadd.s32 $0xFFFFF000  }
0x66: {  	_ =	swait.ge [sflag:s25], $0x1000  }
0x67: {  	[sflag:s25] =	ssyncset.done $0x0  }
0x68: {  	[sflag:s25] =	ssyncadd.s32 $0xFFFFF000  }
0x69: {  	[bflag:$0x0] =	sbarrier.arrive $0xFFFF  }
0x6a: {  	[tilespmem:s26], [sflag:$0x3] =	stream.linear.gather [spmem:s12], $0x5000, $0x38;
	[tilespmem:$0x12F00] =	vst v63  }
0x6b: {  	_ =	swait.ge [sflag:s16], $0x5000  }
0x6c: {  	[sflag:s16] =	ssyncset.done $0x0  }
.Ltmp5:
0x6d: {  	s31 =	simm.s32 $0x0;
	[sflag:s16] =	ssyncadd.s32 $0xFFFFB000;
	(pc) =	sbr.rel .LBB2_7-.Ltmp5, $4  }
0x6e: {  	[hbm4b:s13+s31] =	stream.linear.scatter [tilespmem:s26], [sflag:$0x3], $0x5000, $0x38;
	[tilespmem:$0x12F00] =	vst v63  }
0x6f: {  	_ =	swait.ge [sflag:s16], $0x5000  }
0x70: {  	[sflag:s16] =	ssyncset.done $0x0  }
0x71: {  	[sflag:s16] =	ssyncadd.s32 $0xFFFFB000  }
.LBB2_8:
0x72: {  	_ =	sfence.sel $0x180000  }
0x73: {  	[bflag:$0x0] =	sbarrier.arrive $0xFFFF  }
0x74: {  	_ =	strace $0x9000004A  }
0x75: {  	s0 =	stileid.u32;
	[bflag:$0x2] =	sbarrier.arrive $0xFFFF  }
0x76: {  	p0 =	sne.s32 s0, $0x0;
	s0 =	rddreg [dreg:$0x2]  }
0x77: {  	s0 =	sadd.s32 @!p0 $0x100000, s0  }
0x78: {  	[sflag:s0] =	ssyncadd.tile.s32 @!p0 $0x1;
	_ =	shalt  }
.Lfunc_end2:
_tile_overlayer_lowered:
.L_overlay_start_2:
0x79: {  	(tag) =	ssettag $0x2  }
0x7a: {  	s0 =	rddreg [dreg:$0x0];
	s2 =	stileid.u32  }
0x7b: {  	s1 =	rddreg [dreg:$0x1];
	p0 =	sne.s32 s2, $0x0  }
0x7c: {  	s3 =	rddreg [dreg:$0x2];
	[bflag:$0x3] =	sbarrier.arrive $0xFFFF;
	s2 =	simm.s32 @!p0 $0x1C03  }
0x7d: {  	[timem:s3], [sflag:s2] =	dma.local @!p0 [hbm:s0], s1  }
0x7e: {  	s0 =	simm.s32 @!p0 $0x3  }
0x7f: {  	_ =	swait.ge @!p0 [sflag:s0], s1  }
0x80: {  	s1 =	ssub.s32 @!p0 $0x0, s1;
	[sflag:s0] =	ssyncset.done @!p0 $0x0  }
0x81: {  	[sflag:s0] =	ssyncadd.s32 @!p0 s1  }
0x82: {  	[bflag:$0x3] =	sbarrier.arrive $0xFFFF  }
0x83: {  	_ =	shalt  }

// kernel: kernel.8.cloned.1.call-start
scs
__scs_entry_jumppad:
0x0: {  	(pc) =	sbr.rel $0x88, $3  }
0x1: {  	(tag) =	ssettag $0x0;
	lr =	simm.s32 $0x1  }
0x2: {  	[smem:$0x3F90] =	sst lr;
	_ =	strace $0xD0000000  }
0x3: {  	_ = 	snop  }
0x4: {  	_ = 	snop  }
0x5: {  	_ = 	snop  }
0x6: {  	_ = 	snop  }
0x7: {  	_ = 	snop  }
__scs_overlays_trampoline_lowered:
0x8: {  	[smem:$0x3F9F] =	sst s0  }
0x9: {  	[smem:$0x3FA0] =	sst s1  }
0xa: {  	[smem:$0x3FA1] =	sst s2  }
0xb: {  	[smem:$0x3FA2] =	sst s3  }
0xc: {  	[smem:$0x3FA3] =	sst s4  }
0xd: {  	[smem:$0x3FA4] =	sst s5  }
0xe: {  	[smem:$0x3FA5] =	sst s6  }
0xf: {  	[smem:$0x3FA6] =	sst s7  }
0x10: {  	[smem:$0x3FA7] =	sst s8  }
0x11: {  	[smem:$0x3FA8] =	sst s9;
	s0 =	simm.s32 @!p0 $0x0  }
0x12: {  	s1 =	sld [smem:$0x3F8E];
	s0 =	simm.s32 @p0 $0x1  }
0x13: {  	[smem:$0x3FA9] =	sst s0;
	s0 =	simm.s32 @!p1 $0x0  }
0x14: {  	s2 =	sld [smem:$0x3F8D];
	s0 =	simm.s32 @p1 $0x1  }
0x15: {  	[smem:$0x3FAA] =	sst s0;
	s0 =	simm.s32 @!p2 $0x0  }
0x16: {  	s3 =	sld [smem:$0x3FDB];
	s0 =	simm.s32 @p2 $0x1  }
0x17: {  	s4 =	simm.s32 $0x1BF5;
	[smem:$0x3FAC] =	sst s0  }
0x18: {  	s0 =	sld [smem:$0x3F8F];
	_ =	swait.ge [sflag:s4], $0x0  }
0x19: {  	s7 =	sld [smem:$0x3F90]  }
0x1a: {  	s8 =	sadd.s32 $0xFFFFE003, lr  }
0x1b: {  	s9 =	sadd.s32 $0xFFFFFEF7, lr;
	s5 =	simm.s32 $0xFFFFFFFF;
	p2 =	slt.u32 s8, $0xFFFFF086  }
0x1c: {  	p1 =	slt.u32 s9, $0xF7A;
	s5 =	simm.s32 @!p2 $0x0  }
0x1d: {  	s5 =	simm.s32 @p1 $0x1;
	p0 =	seq.s32 s7, s2  }
0x1e: {  	s7 =	smul.u32 @!p0 $0xF7A, s2;
	p2 =	seq.s32 @!p0 s5, $0x0  }
0x1f: {  	s9 =	smul.u32 $0xF7A, s1;
	s8 =	simm.s32 @!p0 $0x1BF5;
	p2 =	por !p2, p0  }
0x20: {  	[sflag:s8] =	ssyncset.s32 @!p0 $0xFFFFF086;
	s6 =	sadd.s32 @!p0 s3, s7;
	s7 =	simm.s32 @!p0 $0x108  }
0x21: {  	s3 =	sadd.s32 s3, s9;
	s6 =	sadd.s32 @!p0 $0x88, s6;
	s7 =	simm.s32 @p2 $0x1082  }
0x22: {  	[simem:s7], [sflag:s8] =	dma.local @!p0 [hbm:s6], $0xF7A  }
0x23: {  	s9 =	sor.u32 $0xD0000000, s2;
	s6 =	simm.s32 $0x108;
	_ =	swait.ge @!p0 [sflag:s8], $0x0  }
0x24: {  	s3 =	sadd.s32 $0x88, s3;
	s6 =	simm.s32 @!p1 $0x1082;
	[sflag:s4] =	ssyncset.s32 $0xFFFFF086  }
0x25: {  	[simem:s6], [sflag:s4] =	dma.local [hbm:s3], $0xF7A  }
0x26: {  	[smem:$0x3F90] =	sst s1;
	(tag) =	ssettag s2;
	_ =	strace s9  }
0x27: {  	s1 =	sld [smem:$0x3FA0]  }
0x28: {  	s2 =	sld [smem:$0x3FA1]  }
0x29: {  	s4 =	sld [smem:$0x3FA3]  }
0x2a: {  	p0 =	seq.s32 s5, $0x0;
	s5 =	sld [smem:$0x3FA4]  }
0x2b: {  	s6 =	sld [smem:$0x3FA5]  }
0x2c: {  	s7 =	sld [smem:$0x3FA6]  }
0x2d: {  	s3 =	simm.s32 $0x108;
	s8 =	sld [smem:$0x3FA7]  }
0x2e: {  	s3 =	simm.s32 @!p0 $0x1082;
	s9 =	sld [smem:$0x3FA8]  }
0x2f: {  	lr =	sadd.s32 s0, s3;
	s0 =	sld [smem:$0x3F9F]  }
0x30: {  	s3 =	sld [smem:$0x3FA2]  }
0x31: {  	[smem:$0x3FAB] =	sst s10  }
0x32: {  	s10 =	sld [smem:$0x3FA9];
	_ =	sdelay $0x3  }
0x33: {  	p0 =	seq.s32 s10, $0x1;
	s10 =	sld [smem:$0x3FAB];
	_ =	sdelay $0x3  }
0x34: {  	[smem:$0x3FAB] =	sst s10  }
0x35: {  	s10 =	sld [smem:$0x3FAA];
	_ =	sdelay $0x3  }
0x36: {  	p1 =	seq.s32 s10, $0x1;
	s10 =	sld [smem:$0x3FAB];
	_ =	sdelay $0x3  }
0x37: {  	[smem:$0x3FAB] =	sst s10  }
0x38: {  	s10 =	sld [smem:$0x3FAC]  }
0x39: {  	_ = 	snop;
	(pc) =	sbr.ind lr, $3  }
0x3a: {  	_ = 	snop  }
0x3b: {  	_ = 	snop  }
0x3c: {  	p2 =	seq.s32 s10, $0x1;
	s10 =	sld [smem:$0x3FAB]  }
0x3d: {  	_ =	shalt  }
0x3e: {  	_ =	shalt  }
0x3f: {  	_ =	shalt  }
0x40: {  	_ =	shalt  }
0x41: {  	_ =	shalt  }
0x42: {  	_ =	shalt  }
0x43: {  	_ =	shalt  }
0x44: {  	_ =	shalt  }
0x45: {  	_ =	shalt  }
0x46: {  	_ =	shalt  }
0x47: {  	_ =	shalt  }
0x48: {  	_ =	shalt  }
0x49: {  	_ =	shalt  }
0x4a: {  	_ =	shalt  }
0x4b: {  	_ =	shalt  }
0x4c: {  	_ =	shalt  }
0x4d: {  	_ =	shalt  }
0x4e: {  	_ =	shalt  }
0x4f: {  	_ =	shalt  }
0x50: {  	_ =	shalt  }
0x51: {  	_ =	shalt  }
0x52: {  	_ =	shalt  }
0x53: {  	_ =	shalt  }
0x54: {  	_ =	shalt  }
0x55: {  	_ =	shalt  }
0x56: {  	_ =	shalt  }
0x57: {  	_ =	shalt  }
0x58: {  	_ =	shalt  }
0x59: {  	_ =	shalt  }
0x5a: {  	_ =	shalt  }
0x5b: {  	_ =	shalt  }
0x5c: {  	_ =	shalt  }
0x5d: {  	_ =	shalt  }
0x5e: {  	_ =	shalt  }
0x5f: {  	_ =	shalt  }
0x60: {  	_ =	shalt  }
0x61: {  	_ =	shalt  }
0x62: {  	_ =	shalt  }
0x63: {  	_ =	shalt  }
0x64: {  	_ =	shalt  }
0x65: {  	_ =	shalt  }
0x66: {  	_ =	shalt  }
0x67: {  	_ =	shalt  }
0x68: {  	_ =	shalt  }
0x69: {  	_ =	shalt  }
0x6a: {  	_ =	shalt  }
0x6b: {  	_ =	shalt  }
0x6c: {  	_ =	shalt  }
0x6d: {  	_ =	shalt  }
0x6e: {  	_ =	shalt  }
0x6f: {  	_ =	shalt  }
0x70: {  	_ =	shalt  }
0x71: {  	_ =	shalt  }
0x72: {  	_ =	shalt  }
0x73: {  	_ =	shalt  }
0x74: {  	_ =	shalt  }
0x75: {  	_ =	shalt  }
0x76: {  	_ =	shalt  }
0x77: {  	_ =	shalt  }
0x78: {  	_ =	shalt  }
0x79: {  	_ =	shalt  }
0x7a: {  	_ =	shalt  }
0x7b: {  	_ =	shalt  }
0x7c: {  	_ =	shalt  }
0x7d: {  	_ =	shalt  }
0x7e: {  	_ =	shalt  }
0x7f: {  	_ =	shalt  }
0x80: {  	_ =	shalt  }
0x81: {  	_ =	shalt  }
0x82: {  	_ =	shalt  }
0x83: {  	_ =	shalt  }
0x84: {  	_ =	shalt  }
0x85: {  	_ =	shalt  }
0x86: {  	_ =	shalt  }
0x87: {  	_ =	shalt  }
.Lfunc_end0:
.L_simem_size_0:
called_computation_lowered:
.L_overlay_start_0:
0x88: {  	s2 =	sld [smem:$0x3FD9]  }
0x89: {  	s3 =	sld [smem:$0x3FFE];
	_ =	sdelay $0x1  }
0x8a: {  	s1 =	srdreg.scid  }
0x8b: {  	s0 =	sand.u32 $0x1, s1  }
0x8c: {  	s16 =	sshll.u32 s0, $0xA;
	s2 =	sadd.s32 s3, s2  }
0x8d: {  	s2 =	sadd.s32 s2, s16  }
0x8e: {  	[smem:$0x3FB7] =	sst s2  }
0x8f: {  	_ = 	snop  }
0x90: {  	(tm) =	ssettm $0x1  }
0x91: {  	s17 =	sld [smem:$0x3FFB];
	_ =	sdelay $0x3  }
0x92: {  	_ =	strace s17  }
0x93: {  	s2 =	sld [smem:$0x3FFC];
	_ =	sdelay $0x3  }
0x94: {  	_ =	strace s2  }
0x95: {  	s2 =	sld [smem:$0x3FFD];
	_ =	sdelay $0x3  }
0x96: {  	_ =	strace s2  }
0x97: {  	_ =	strace $0x8FFFFFFF  }
0x98: {  	s18 =	sld [smem:$0x3FDB];
	_ =	sdelay $0x1  }
0x99: {  	s19 =	simm.s32 $_scs_section_size  }
0x9a: {  	s4 =	simm.s32 $_size__tile_overlayer_lowered;
	s5 =	simm.s32 $_tile_overlayer_lowered  }
0x9b: {  	s22 =	simm.s32 $0x1BFF;
	s21 =	sshll.u32 s5, $0x1;
	s2 =	sadd.s32 s19, s18  }
0x9c: {  	s6 =	simm.s32 $0x0;
	s20 =	sshll.u32 s4, $0x1;
	s4 =	sadd.s32 s21, s2  }
0x9d: {  	[timem:s6], [sflag:s22] =	dma.local [hbm:s4], s20  }
0x9e: {  	_ =	swait.ge [sflag:s22], s20  }
0x9f: {  	s3 =	ssub.s32 $0x0, s20;
	[sflag:s22] =	ssyncset.done $0x0  }
0xa0: {  	[sflag:s22] =	ssyncadd.s32 s3;
	_ =	sdelay $0x1  }
0xa1: {  	s23 =	simm.s32 $0x1B8B  }
0xa2: {  	_ =	swait.ge [sflag:s23], $0x1  }
0xa3: {  	[sflag:s23] =	ssyncset.done $0x0  }
0xa4: {  	s25 =	simm.s32 $0x1B8E;
	s24 =	sld [smem:$0x3FFE];
	[sflag:s23] =	ssyncadd.s32 $0xFFFFFFFF  }
0xa5: {  	s26 =	simm.s32 $execute0_lowered;
	[smem:$0x3FD2] =	sst s25  }
0xa6: {  	s4 =	sshll.u32 s26, $0x1;
	_ =	strace $0x80000046;
	[dreg:$0x1] =	wrdreg $0xFFFFFFFF  }
0xa7: {  	s28 =	simm.s32 $_size_execute0_lowered;
	s2 =	sadd.s32 s2, s4;
	[dreg:$0x0] =	wrdreg $0x0  }
0xa8: {  	s4 =	sshll.u32 s28, $0x1;
	[dreg:$0x2] =	wrdreg s2  }
0xa9: {  	[dreg:$0x3] =	wrdreg s4  }
0xaa: {  	[dreg:$0x4] =	wrdreg $0xC0  }
0xab: {  	_ =	task [dreg:s6], $0x5FFFF  }
0xac: {  	[dreg:$0x1] =	wrdreg $0xFFFFFFFF  }
0xad: {  	[dreg:$0x0] =	wrdreg $0x60  }
0xae: {  	[dreg:$0x2] =	wrdreg s24  }
0xaf: {  	[dreg:$0x3] =	wrdreg $0x0  }
0xb0: {  	[dreg:$0x4] =	wrdreg $0x9  }
0xb1: {  	_ =	task.clear_ibuf [dreg:s6], $0x5FFFF;
	_ =	strace $0x90000046  }
0xb2: {  	s29 =	simm.s32 $0x9;
	_ =	strace $0x80000048  }
0xb3: {  	_ =	swait.ge [sflag:s29], $0x1  }
0xb4: {  	[sflag:s29] =	ssyncadd.s32 $0xFFFFFFFF  }
0xb5: {  	_ =	strace $0x90000048  }
0xb6: {  	_ =	sfence  }
0xb7: {  	s30 =	sld [smem:$0x0];
	_ =	sdelay $0x2  }
0xb8: {  	s31 =	sshll.u32 s1, $0xD;
	s1 =	sshrl.u32 s1, $0x2  }
0xb9: {  	s3 =	sand.u32 $0x4000, s31;
	s1 =	sadd.s32 s1, s30  }
0xba: {  	s0 =	sor.u32 s3, s0;
	s1 =	sshll.u32 s1, $0x11  }
0xbb: {  	s0 =	sor.u32 s1, s0  }
0xbc: {  	s0 =	sadd.s32 $0x8F2B, s0  }
0xbd: {  	[sflag:s0] =	ssyncadd.remote.s32 $0x1  }
0xbe: {  	_ =	sfence.sel $0xFFFF  }
0xbf: {  	[dreg:$0x0] =	wrdreg $0xFFFFFFFF;
	(pc) =	sbr.abs _section_cstart, $3  }
0xc0: {  	[dreg:$0x1] =	wrdreg $0xFFFFFFFF  }
0xc1: {  	_ =	task.clear_ibuf [dreg:s6], $0x2FFFF;
	_ =	strace $0x9FFFFFFF  }
0xc2: {  	(tm) =	ssettm $0x7FFFFFFF  }
0xc3: {  	_ =	shalt  }
tec
execute0_lowered:
.L_overlay_start_1:
0x0: {  	(tag) =	ssettag $0x1  }
0x1: {  	s0 =	rddreg [dreg:$0x0]  }
0x2: {  	s2 =	rddreg [dreg:$0x1];
	s4 =	stileid.u32;
	s3 =	simm.s32 $0x0  }
0x3: {  	s5 =	srdreg.scid;
	s16 =	simm.s32 $0x3;
	s17 =	simm.s32 $0x5000  }
0x4: {  	s18 =	simm.s32 $0x80;
	s23 =	simm.s32 $0xCF00;
	s24 =	simm.s32 $0x1  }
0x5: {  	s25 =	simm.s32 $0x2;
	s26 =	simm.s32 $0xDF00;
	s1 =	smul.u32 $0x4F0, s4  }
0x6: {  	s28 =	simm.s32 $0x0;
	[smem:$0x7FF] =	sst s3;
	s30 =	smul.u32 $0x5000, s4  }
0x7: {  	s6 =	smul.u32 $0x14000, s4;
	s4 =	sadd.s32 $0x6C00, s0;
	s15 =	sand.u32 $0x1, s5  }
0x8: {  	_ =	strace $0x80000047;
	s7 =	ssub.s32 $0x2, s15;
	p0 =	sne.s32 s15, $0x0  }
0x9: {  	s15 =	simm.s32 $0x9F00;
	s1 =	sadd.s32 s1, s0;
	s31 =	sshrl.u32 s30, $0x3  }
.Ltmp0:
0xa: {  	s6 =	sshrl.u32 s6, $0x2;
	s8 =	sshrl.u32 s7, $0x1;
	(pc) =	sbr.rel .LBB2_1-.Ltmp0, $4  }
0xb: {  	s12 =	sadd.s32 s30, s2;
	s0 =	sadd.s32 s31, s0;
	s5 =	sadd.s32 s6, s2  }
0xc: {  	s14 =	ssub.s32 s7, s8;
	s10 =	sadd.s32 $0x1C00, s1;
	s11 =	sadd.s32 $0xA6C00, s1  }
0xd: {  	s6 =	sadd.s32 $0x1000, s5;
	s7 =	sadd.s32 $0x2000, s5;
	s8 =	sadd.s32 $0x3000, s5  }
0xe: {  	v0 =	vimm.f32 $0.0e+00;
	s9 =	sadd.s32 $0x4000, s5;
	s13 =	sadd.s32 $0xABC00, s0;
	s14 =	smax.u32 s14, $0x1  }
.LBB2_9:
0xf: {  	[bflag:$0x0] =	sbarrier.arrive $0xFFFF  }
0x10: {  	[bflag:$0x0] =	sbarrier.arrive $0xFFFF  }
.LBB2_7:
0x11: {  	s28 =	sadd.s32 $0x1, s28  }
0x12: {  	p1 =	sne.s32 s28, s14  }
.Ltmp1:
0x13: {  	_ = 	snop;
	(pc) =	sbr.rel @!p1 .LBB2_8-.Ltmp1, $1  }
0x14: {  	_ =	sdelay $0x3  }
.LBB2_1:
.Ltmp2:
0x15: {  	(pc) =	sbr.rel @p0 .LBB2_9-.Ltmp2, $1  }
0x16: {  	_ =	sdelay $0x3  }
0x17: {  	s0 =	simm.s32 $0x80;
	s1 =	simm.s32 $0x0  }
.LBB2_3:
0x18: {  	p1 =	sne.s32 s0, $0x3F80;
	[tilespmem:s1+$0x9F00] =	vst v0;
	s3 =	smov.u32 s0;
	s0 =	sadd.s32 $0x80, s0  }
.Ltmp3:
0x19: {  	[tilespmem:s1+$0x9F10] =	vst v0;
	(pc) =	sbr.rel @p1 .LBB2_3-.Ltmp3, $2  }
0x1a: {  	_ =	sdelay $0x2  }
0x1b: {  	s1 =	sshra.s32 s3, $0x2  }
0x1c: {  	[tilespmem:s1+$0x9F00] =	vst v0  }
0x1d: {  	[tilespmem:s1+$0x9F10] =	vst v0  }
0x1e: {  	[spmem:s5] =	stream.linear.scatter [tilespmem:s15], [sflag:$0x3], $0x1000, $0x38;
	[tilespmem:$0x12F00] =	vst v63  }
0x1f: {  	_ =	swait.ge [sflag:s16], $0x1000  }
0x20: {  	[sflag:s16] =	ssyncset.done $0x0  }
0x21: {  	[sflag:s16] =	ssyncadd.s32 $0xFFFFF000  }
0x22: {  	[spmem:s6] =	stream.linear.scatter [tilespmem:s15], [sflag:$0x3], $0x1000, $0x38;
	[tilespmem:$0x12F00] =	vst v63  }
0x23: {  	_ =	swait.ge [sflag:s16], $0x1000  }
0x24: {  	[sflag:s16] =	ssyncset.done $0x0  }
0x25: {  	[sflag:s16] =	ssyncadd.s32 $0xFFFFF000  }
0x26: {  	[spmem:s7] =	stream.linear.scatter [tilespmem:s15], [sflag:$0x3], $0x1000, $0x38;
	[tilespmem:$0x12F00] =	vst v63  }
0x27: {  	_ =	swait.ge [sflag:s16], $0x1000  }
0x28: {  	[sflag:s16] =	ssyncset.done $0x0  }
0x29: {  	[sflag:s16] =	ssyncadd.s32 $0xFFFFF000  }
0x2a: {  	[spmem:s8] =	stream.linear.scatter [tilespmem:s15], [sflag:$0x3], $0x1000, $0x38;
	[tilespmem:$0x12F00] =	vst v63  }
0x2b: {  	_ =	swait.ge [sflag:s16], $0x1000  }
0x2c: {  	[sflag:s16] =	ssyncset.done $0x0  }
0x2d: {  	[sflag:s16] =	ssyncadd.s32 $0xFFFFF000  }
0x2e: {  	[spmem:s9] =	stream.linear.scatter [tilespmem:s15], [sflag:$0x3], $0x1000, $0x38;
	[tilespmem:$0x12F00] =	vst v63  }
0x2f: {  	_ =	swait.ge [sflag:s16], $0x1000  }
0x30: {  	[sflag:s16] =	ssyncset.done $0x0  }
0x31: {  	[sflag:s16] =	ssyncadd.s32 $0xFFFFF000  }
0x32: {  	s3 =	simm.s32 $0x0;
	[bflag:$0x0] =	sbarrier.arrive $0xFFFF  }
0x33: {  	[tilespmem:s17], [sflag:$0x3] =	stream.linear.gather [hbm4b:s10+s3], $0x2780, $0x38;
	[tilespmem:$0x12F00] =	vst v63  }
0x34: {  	_ =	swait.ge [sflag:s16], $0x2780  }
0x35: {  	[sflag:s16] =	ssyncset.done $0x0  }
0x36: {  	s30 =	simm.s32 $0x7780;
	[sflag:s16] =	ssyncadd.s32 $0xFFFFD880  }
0x37: {  	[tilespmem:s30], [sflag:$0x3] =	stream.linear.gather [hbm4b:s11+s3], $0x2780, $0x38;
	[tilespmem:$0x12F00] =	vst v63  }
0x38: {  	_ =	swait.ge [sflag:s16], $0x2780  }
0x39: {  	[sflag:s16] =	ssyncset.done $0x0  }
0x3a: {  	[sflag:s16] =	ssyncadd.s32 $0xFFFFD880  }
0x3b: {  	[tilespmem:s15], [sflag:$0x1] =	stream.indirect.gather [hbm4b:s4+s18], $0x20, s17, s18, $0xb8;
	[tilespmem:$0x12F00] =	vst v63  }
0x3c: {  	s0 =	simm.s32 $0x5080;
	s19 =	simm.s32 $0xAF00;
	p1 =	por $0x1, $0x1  }
0x3d: {  	[tilespmem:s19], [sflag:$0x1] =	stream.indirect.gather [hbm4b:s4+s18], $0x20, s0, s18, $0xb8;
	[tilespmem:$0x12F00] =	vst v63  }
0x3e: {  	s20 =	simm.s32 $0x5100;
	s21 =	simm.s32 $0xBF00;
	p1 =	por p1, p1  }
0x3f: {  	[tilespmem:s21], [sflag:$0x1] =	stream.indirect.gather [hbm4b:s4+s18], $0x20, s20, s18, $0xb8;
	[tilespmem:$0x12F00] =	vst v63  }
0x40: {  	s29 =	simm.s32 $0x1000;
	s0 =	simm.s32 $0x5180;
	s19 =	simm.s32 @!p1 $0x2  }
0x41: {  	[tilespmem:s23], [sflag:$0x1] =	stream.indirect.gather [hbm4b:s4+s18], $0x20, s0, s18, $0xb8;
	[tilespmem:$0x12F00] =	vst v63  }
0x42: {  	p2 =	por $0x0, $0x0;
	s31 =	simm.s32 @!p1 $0x3000;
	_ =	swait.ge @!p1 [sflag:s19], $0x1000  }
0x43: {  	s1 =	simm.s32 $0x2000;
	s31 =	sand.u32 @!p1 $0x3000, s31;
	[sflag:s19] =	ssyncset.done @!p1 $0x0  }
0x44: {  	s31 =	sadd.s32 @!p1 $0x9F00, s31;
	s20 =	simm.s32 @!p1 $0x80;
	[sflag:s19] =	ssyncadd.s32 @!p1 $0xFFFFF000  }
0x45: {  	[tilespmem:s31], [sflag:$0x1] =	stream.indirect.gather @!p1 [hbm4b:s4+s20], $0x20, s0, s20, $0xb8;
	[tilespmem:$0x12F00] =	vst v63  }
0x46: {  	s22 =	sand.u32 $0x3000, s3;
	s3 =	simm.s32 $0x1;
	_ =	swait.ge [sflag:s24], $0x1000  }
0x47: {  	s19 =	sadd.s32 $0x9F00, s22;
	s0 =	simm.s32 $0x5200;
	[sflag:s24] =	ssyncset.done $0x0  }
0x48: {  	p1 =	por p2, p2;
	s31 =	simm.s32 $0x7800;
	[sflag:s24] =	ssyncadd.s32 $0xFFFFF000  }
.LBB2_5:
0x49: {  	[spmem:s2] =	stream.indirect.scatter.add.f32 [tilespmem:s19], [sflag:$0x2], $0x20, s30, s18, $0xb8;
	[tilespmem:$0x12F00] =	vst v63  }
0x4a: {  	s19 =	smov.u32 s29;
	s29 =	smov.u32 s1;
	s30 =	smov.u32 s31  }
0x4b: {  	p3 =	sgt.u32 s3, $0x4A;
	s21 =	simm.s32 @!p1 $0x2;
	s20 =	sadd.s32 @!p1 $0x3000, s19  }
0x4c: {  	s1 =	sadd.s32 $0x1000, s1;
	s20 =	sand.u32 @!p1 $0x3000, s20;
	_ =	swait.ge @!p1 [sflag:s21], $0x1000  }
0x4d: {  	s22 =	simm.s32 @!p1 $0x80;
	p2 =	seq.s32 s1, $0x4F000;
	[sflag:s21] =	ssyncset.done @!p1 $0x0  }
.Ltmp4:
0x4e: {  	s20 =	sadd.s32 @!p1 $0x9F00, s20;
	[sflag:s21] =	ssyncadd.s32 @!p1 $0xFFFFF000;
	(pc) =	sbr.rel @!p2 .LBB2_5-.Ltmp4, $4  }
0x4f: {  	[tilespmem:s20], [sflag:$0x1] =	stream.indirect.gather @!p1 [hbm4b:s4+s22], $0x20, s0, s22, $0xb8;
	[tilespmem:$0x12F00] =	vst v63  }
0x50: {  	s0 =	sadd.s32 $0x80, s0;
	p1 =	por p3, p3;
	_ =	swait.ge [sflag:s24], $0x1000  }
0x51: {  	s31 =	sadd.s32 $0x80, s31;
	s19 =	sand.u32 $0x3000, s19;
	[sflag:s24] =	ssyncset.done $0x0  }
0x52: {  	s3 =	sadd.s32 $0x1, s3;
	s19 =	sadd.s32 $0x9F00, s19;
	[sflag:s24] =	ssyncadd.s32 $0xFFFFF000  }
0x53: {  	[spmem:s2] =	stream.indirect.scatter.add.f32 [tilespmem:s19], [sflag:$0x2], $0x20, s30, s18, $0xb8;
	[tilespmem:$0x12F00] =	vst v63  }
0x54: {  	s1 =	simm.s32 @!p1 $0x2  }
0x55: {  	s3 =	sadd.s32 @!p1 $0x3000, s29;
	_ =	swait.ge @!p1 [sflag:s1], $0x1000  }
0x56: {  	s3 =	sand.u32 @!p1 $0x3000, s3;
	[sflag:s1] =	ssyncset.done @!p1 $0x0  }
0x57: {  	s19 =	simm.s32 @!p1 $0x80;
	s3 =	sadd.s32 @!p1 $0x9F00, s3;
	[sflag:s1] =	ssyncadd.s32 @!p1 $0xFFFFF000  }
0x58: {  	[tilespmem:s3], [sflag:$0x1] =	stream.indirect.gather @!p1 [hbm4b:s4+s19], $0x20, s0, s19, $0xb8;
	[tilespmem:$0x12F00] =	vst v63  }
0x59: {  	_ =	swait.ge [sflag:s24], $0x1000  }
0x5a: {  	s30 =	sand.u32 $0x3000, s29;
	[sflag:s24] =	ssyncset.done $0x0  }
0x5b: {  	s0 =	sadd.s32 $0x9F00, s30;
	[sflag:s24] =	ssyncadd.s32 $0xFFFFF000  }
0x5c: {  	[spmem:s2] =	stream.indirect.scatter.add.f32 [tilespmem:s0], [sflag:$0x2], $0x20, s31, s18, $0xb8;
	[tilespmem:$0x12F00] =	vst v63  }
0x5d: {  	_ =	swait.ge [sflag:s25], $0x1000  }
0x5e: {  	[sflag:s25] =	ssyncset.done $0x0  }
0x5f: {  	[sflag:s25] =	ssyncadd.s32 $0xFFFFF000  }
0x60: {  	_ =	swait.ge [sflag:s25], $0x1000  }
0x61: {  	[sflag:s25] =	ssyncset.done $0x0  }
0x62: {  	[sflag:s25] =	ssyncadd.s32 $0xFFFFF000  }
0x63: {  	_ =	swait.ge [sflag:s25], $0x1000  }
0x64: {  	[sflag:s25] =	ssyncset.done $0x0  }
0x65: {  	[sflag:s25] =	ssyncadd.s32 $0xFFFFF000  }
0x66: {  	_ =	swait.ge [sflag:s25], $0x1000  }
0x67: {  	[sflag:s25] =	ssyncset.done $0x0  }
0x68: {  	[sflag:s25] =	ssyncadd.s32 $0xFFFFF000  }
0x69: {  	[bflag:$0x0] =	sbarrier.arrive $0xFFFF  }
0x6a: {  	[tilespmem:s26], [sflag:$0x3] =	stream.linear.gather [spmem:s12], $0x5000, $0x38;
	[tilespmem:$0x12F00] =	vst v63  }
0x6b: {  	_ =	swait.ge [sflag:s16], $0x5000  }
0x6c: {  	[sflag:s16] =	ssyncset.done $0x0  }
.Ltmp5:
0x6d: {  	s31 =	simm.s32 $0x0;
	[sflag:s16] =	ssyncadd.s32 $0xFFFFB000;
	(pc) =	sbr.rel .LBB2_7-.Ltmp5, $4  }
0x6e: {  	[hbm4b:s13+s31] =	stream.linear.scatter [tilespmem:s26], [sflag:$0x3], $0x5000, $0x38;
	[tilespmem:$0x12F00] =	vst v63  }
0x6f: {  	_ =	swait.ge [sflag:s16], $0x5000  }
0x70: {  	[sflag:s16] =	ssyncset.done $0x0  }
0x71: {  	[sflag:s16] =	ssyncadd.s32 $0xFFFFB000  }
.LBB2_8:
0x72: {  	_ =	sfence.sel $0x180000  }
0x73: {  	[bflag:$0x0] =	sbarrier.arrive $0xFFFF  }
0x74: {  	_ =	strace $0x90000047  }
0x75: {  	s0 =	stileid.u32;
	[bflag:$0x2] =	sbarrier.arrive $0xFFFF  }
0x76: {  	p0 =	sne.s32 s0, $0x0;
	s0 =	rddreg [dreg:$0x2]  }
0x77: {  	s0 =	sadd.s32 @!p0 $0x100000, s0  }
0x78: {  	[sflag:s0] =	ssyncadd.tile.s32 @!p0 $0x1;
	_ =	shalt  }
.Lfunc_end2:
_tile_overlayer_lowered:
.L_overlay_start_2:
0x79: {  	(tag) =	ssettag $0x2  }
0x7a: {  	s0 =	rddreg [dreg:$0x0];
	s2 =	stileid.u32  }
0x7b: {  	s1 =	rddreg [dreg:$0x1];
	p0 =	sne.s32 s2, $0x0  }
0x7c: {  	s3 =	rddreg [dreg:$0x2];
	[bflag:$0x3] =	sbarrier.arrive $0xFFFF;
	s2 =	simm.s32 @!p0 $0x1C03  }
0x7d: {  	[timem:s3], [sflag:s2] =	dma.local @!p0 [hbm:s0], s1  }
0x7e: {  	s0 =	simm.s32 @!p0 $0x3  }
0x7f: {  	_ =	swait.ge @!p0 [sflag:s0], s1  }
0x80: {  	s1 =	ssub.s32 @!p0 $0x0, s1;
	[sflag:s0] =	ssyncset.done @!p0 $0x0  }
0x81: {  	[sflag:s0] =	ssyncadd.s32 @!p0 s1  }
0x82: {  	[bflag:$0x3] =	sbarrier.arrive $0xFFFF  }
0x83: {  	_ =	shalt  }

</sc_bundles>
